<compile_context>
chip_gen: v7x
topology: tpu7x:2x2x1
jax: 0.10.2.dev20260603
libtpu: 0.0.44.dev20260713+nightly
codegen_flags: <defaults>
</compile_context>

<pallas_src>
import functools

import jax
import jax.numpy as jnp
from jax import lax
from jax.experimental import pallas as pl
from jax.experimental.pallas import tpu as pltpu
from jax.experimental.pallas import tpu_sc as plsc

B = 8
V = 10000
S = 9
F = 128
OUT = 128

B2 = B // 2
NC = 2
NS = 16
NW = NC * NS
VP = 10240
PVT = 10112
PBLK = 632
CH2 = 64
KP2 = 5
NB2 = 5
JOB2 = S * KP2
TLOAD = PVT // NS


def _sc_gather(xpk, idxp):
    mesh = plsc.VectorSubcoreMesh(core_axis_name="c", subcore_axis_name="s")

    @functools.partial(
        pl.kernel,
        mesh=mesh,
        out_type=jax.ShapeDtypeStruct((S, B2, VP, F), jnp.int32),
        scratch_types=[
            pltpu.VMEM_SHARED((PVT, F), jnp.int32),
            pltpu.VMEM((S, KP2, CH2), jnp.int32),
            [pltpu.VMEM((CH2, F), jnp.int32) for _ in range(NB2)],
            pltpu.SemaphoreType.DMA,
            [pltpu.SemaphoreType.DMA for _ in range(NB2)],
            [pltpu.SemaphoreType.DMA for _ in range(NB2)],
        ],
    )
    def k(xpk_hbm, idxp_hbm, g_hbm, shared, idxall, rows, lsem, gsem, wsem):
        cid = lax.axis_index("c")
        sid = lax.axis_index("s")
        wid = sid * NC + cid

        pltpu.sync_copy(idxp_hbm.at[:, :, wid, :], idxall)

        def wb_wait(u):
            pltpu.make_async_copy(
                rows[u], g_hbm.at[0, 0, pl.ds(0, CH2), :], wsem[u]
            ).wait()

        for p in range(B2):
            pltpu.async_copy(
                xpk_hbm.at[pl.ds(p * PVT + sid * TLOAD, TLOAD), :],
                shared.at[pl.ds(sid * TLOAD, TLOAD), :],
                lsem,
            ).wait()
            plsc.subcore_barrier()

            def block(blk, carry):
                descs = []
                for u in range(NB2):
                    t = blk * NB2 + u
                    s = t // KP2
                    kk = t % KP2

                    if p == 0:
                        @pl.when(blk > 0)
                        def _():
                            wb_wait(u)
                    else:
                        wb_wait(u)

                    descs.append(
                        pltpu.async_copy(
                            shared.at[idxall.at[s, kk]], rows[u], gsem[u]
                        )
                    )
                for u in range(NB2):
                    t = blk * NB2 + u
                    s = t // KP2
                    c = wid + NW * (t % KP2)
                    descs[u].wait()
                    pltpu.async_copy(
                        rows[u], g_hbm.at[s, p, pl.ds(c * CH2, CH2), :], wsem[u]
                    )
                return carry

            lax.fori_loop(0, JOB2 // NB2, block, 0)
            plsc.subcore_barrier()

        for u in range(NB2):
            wb_wait(u)

    return k(xpk, idxp)


def _tc_pack(x):
    def body(x_ref, o_ref):
        i = pl.program_id(0)
        rows = i * PBLK + lax.broadcasted_iota(jnp.int32, (PBLK, F), 0)
        valid = rows < V
        for p in range(B2):
            a = lax.bitcast_convert_type(
                x_ref[2 * p].astype(jnp.bfloat16), jnp.uint16
            ).astype(jnp.uint32)
            c = lax.bitcast_convert_type(
                x_ref[2 * p + 1].astype(jnp.bfloat16), jnp.uint16
            ).astype(jnp.uint32)
            w = jnp.where(valid, a | (c << 16), jnp.uint32(0))
            o_ref[p] = lax.bitcast_convert_type(w, jnp.int32)

    return pl.pallas_call(
        body,
        grid=(PVT // PBLK,),
        in_specs=[
            pl.BlockSpec((B, PBLK, F), lambda i: (0, i, 0))
        ],
        out_specs=pl.BlockSpec((B2, PBLK, F), lambda i: (0, i, 0)),
        out_shape=jax.ShapeDtypeStruct((B2, PVT, F), jnp.int32),
        compiler_params=pltpu.CompilerParams(
            dimension_semantics=("arbitrary",),
        ),
    )(x)


def _tc_matmul(g, wt, bias):
    VB = 2000

    def body(g_ref, w_ref, b_ref, o_ref):
        los, his = [], []
        for s in range(S):
            u = lax.bitcast_convert_type(g_ref[s, 0], jnp.uint32)
            lo = lax.bitcast_convert_type(u << 16, jnp.float32)
            hi = lax.bitcast_convert_type(u & jnp.uint32(0xFFFF0000), jnp.float32)
            los.append(lo.astype(jnp.bfloat16))
            his.append(hi.astype(jnp.bfloat16))
        lo = jnp.concatenate(los, axis=1)
        hi = jnp.concatenate(his, axis=1)
        acc0 = jnp.dot(lo, w_ref[...], preferred_element_type=jnp.float32)
        acc1 = jnp.dot(hi, w_ref[...], preferred_element_type=jnp.float32)
        o_ref[0] = jnp.maximum(acc0 + b_ref[0], 0.0)
        o_ref[1] = jnp.maximum(acc1 + b_ref[0], 0.0)

    return pl.pallas_call(
        body,
        grid=(B2, V // VB),
        in_specs=[
            pl.BlockSpec((S, 1, VB, F), lambda p, i: (0, p, i, 0)),
            pl.BlockSpec((S * F, OUT), lambda p, i: (0, 0)),
            pl.BlockSpec((1, OUT), lambda p, i: (0, 0)),
        ],
        out_specs=pl.BlockSpec((2, VB, OUT), lambda p, i: (p, i, 0)),
        out_shape=jax.ShapeDtypeStruct((B, V, OUT), jnp.float32),
        compiler_params=pltpu.CompilerParams(
            dimension_semantics=("parallel", "parallel"),
        ),
    )(g, wt, bias)


@jax.jit
def kernel(x, spiral, W, b):
    xpk = _tc_pack(x).reshape(B2 * PVT, F)
    idxp = jnp.pad(spiral[0, :V, :].T, ((0, 0), (0, VP - V))).reshape(
        S, KP2, NW, CH2
    )
    g = _sc_gather(xpk, idxp)
    wt = W.T.astype(jnp.bfloat16)
    return _tc_matmul(g, wt, b.reshape(1, OUT))

# --- scband reference (transcript-rebuilt; emitter-appended) ---
"""Pipeline reference for scband-spiral-conv-58188216926754 (READ-ONLY COPY).

The authoritative reference and input builder live on the scoring server;
editing this copy changes nothing except your own understanding.
"""

import jax, jax.numpy as jnp
import numpy as np

B = 8
V = 10000
S = 9
IN_DIM = 128
OUT_DIM = 128


def setup_inputs(seed: int = 0) -> dict:
    key = jax.random.key(seed)
    k1, k2, k3 = jax.random.split(key, 3)
    x = jax.random.normal(k1, (B, V, IN_DIM), dtype=jnp.float32)
    # spiral has V+1 rows: one per vertex plus the dummy row appended in forward;
    # indices in [0, V] where index V points at the zero dummy vertex.
    spiral = jax.random.randint(k2, (1, V + 1, S), 0, V + 1, dtype=jnp.int32)
    # nn.Linear(in_dim * spiral_size, out_dim) parameters
    fan_in = IN_DIM * S
    bound = 1.0 / np.sqrt(fan_in)
    kw, kb = jax.random.split(k3)
    W = jax.random.uniform(kw, (OUT_DIM, fan_in), minval=-bound, maxval=bound, dtype=jnp.float32)
    b = jax.random.uniform(kb, (OUT_DIM,), minval=-bound, maxval=bound, dtype=jnp.float32)
    return {"x": x, "spiral": spiral, "W": W, "b": b}


def reference(x, spiral, W, b):
    Bs, Vx, F = x.shape
    Ssz = spiral.shape[2]
    Vs = spiral.shape[1]  # V + 1
    # append dummy zero vertex
    x_dummy = jnp.concatenate([x, jnp.zeros((Bs, 1, F), dtype=x.dtype)], axis=1)
    # repeat spiral over batch
    sp = jnp.broadcast_to(spiral, (Bs, Vs, Ssz))
    # gather: flat_feat[b, v, s, :] = x_dummy[b, sp[b, v, s], :]
    bidx = jnp.arange(Bs)[:, None, None]
    feat = x_dummy[bidx, sp]  # [B, V+1, S, F]
    flat_feat = feat.reshape(Bs, Vs, Ssz * F)
    out_feat = flat_feat @ W.T + b
    out_feat = jax.nn.relu(out_feat)
    # drop the dummy vertex row
    return out_feat[:, :-1, :]

if __name__ == "__main__":
    import jax
    _d = setup_inputs()
    print(jax.jit(kernel)(*tuple(_d.values())))

</pallas_src>

<mosaic_0001>
#map = affine_map<(d0, d1) -> (0, 0)>
#map1 = affine_map<(d0, d1) -> (0, 0, 0, 0)>
module attributes {stable_mosaic.version = 14 : i64} {
  func.func @k(%arg0: i32, %arg1: i32, %arg2: memref<40448x128xi32, #tpu.memory_space<hbm>>, %arg3: memref<9x5x32x64xi32, #tpu.memory_space<hbm>>, %arg4: memref<9x4x10240x128xi32, #tpu.memory_space<hbm>>, %arg5: memref<10112x128xi32, #tpu.memory_space<vmem_shared>>, %arg6: memref<9x5x64xi32, #tpu.memory_space<vmem>>, %arg7: memref<64x128xi32, #tpu.memory_space<vmem>>, %arg8: memref<64x128xi32, #tpu.memory_space<vmem>>, %arg9: memref<64x128xi32, #tpu.memory_space<vmem>>, %arg10: memref<64x128xi32, #tpu.memory_space<vmem>>, %arg11: memref<64x128xi32, #tpu.memory_space<vmem>>, %arg12: memref<!tpu.dma_semaphore, #tpu.memory_space<semaphore_mem>>, %arg13: memref<!tpu.dma_semaphore, #tpu.memory_space<semaphore_mem>>, %arg14: memref<!tpu.dma_semaphore, #tpu.memory_space<semaphore_mem>>, %arg15: memref<!tpu.dma_semaphore, #tpu.memory_space<semaphore_mem>>, %arg16: memref<!tpu.dma_semaphore, #tpu.memory_space<semaphore_mem>>, %arg17: memref<!tpu.dma_semaphore, #tpu.memory_space<semaphore_mem>>, %arg18: memref<!tpu.dma_semaphore, #tpu.memory_space<semaphore_mem>>, %arg19: memref<!tpu.dma_semaphore, #tpu.memory_space<semaphore_mem>>, %arg20: memref<!tpu.dma_semaphore, #tpu.memory_space<semaphore_mem>>, %arg21: memref<!tpu.dma_semaphore, #tpu.memory_space<semaphore_mem>>, %arg22: memref<!tpu.dma_semaphore, #tpu.memory_space<semaphore_mem>>) attributes {dimension_semantics = [#tpu.dimension_semantics<core_parallel>, #tpu.dimension_semantics<subcore_parallel>], iteration_bounds = array<i64: 2, 16>, scalar_prefetch = 0 : i64, scratch_operands = 18 : i64, tpu.core_type = #tpu.core_type<sc_vector_subcore>, window_params = [{transform_indices = #map}, {transform_indices = #map1}, {transform_indices = #map1}]} {
    %mul3A = arith.constant 2 : i32
    %mul3A_0 = arith.muli %arg1, %mul3A : i32
    %add3A = arith.addi %mul3A_0, %arg0 : i32
    "tpu.region"() ({
      %run_scoped3A = tpu.sem_alloc : memref<!tpu.dma_semaphore, #tpu.memory_space<semaphore_mem>>
      %dma_start3A_135 = arith.constant 0 : i32
      %dma_start3A_136 = arith.constant 0 : i32
      %dma_start3A_137 = arith.constant 0 : i32
      %dma_start3A_138 = tpu.memref_slice %arg3[%dma_start3A_135, %dma_start3A_136, %add3A, %dma_start3A_137] : memref<9x5x32x64xi32, #tpu.memory_space<hbm>> -> memref<9x5x1x64xi32, #tpu.memory_space<hbm>>
      %dma_start3A_139 = tpu.memref_squeeze %dma_start3A_138 : memref<9x5x1x64xi32, #tpu.memory_space<hbm>> -> memref<9x5x64xi32, #tpu.memory_space<hbm>>
      %dma_start3A_140 = arith.constant 0 : i32
      %dma_start3A_141 = arith.constant 0 : i32
      %dma_start3A_142 = arith.constant 0 : i32
      %dma_start3A_143 = tpu.memref_slice %arg3[%dma_start3A_140, %dma_start3A_141, %add3A, %dma_start3A_142] : memref<9x5x32x64xi32, #tpu.memory_space<hbm>> -> memref<9x5x1x64xi32, #tpu.memory_space<hbm>>
      %dma_start3A_144 = tpu.memref_squeeze %dma_start3A_143 : memref<9x5x1x64xi32, #tpu.memory_space<hbm>> -> memref<9x5x64xi32, #tpu.memory_space<hbm>>
      tpu.enqueue_dma source(%dma_start3A_144 : memref<9x5x64xi32, #tpu.memory_space<hbm>>) target(%arg6 : memref<9x5x64xi32, #tpu.memory_space<vmem>>) target_semaphore(%run_scoped3A : memref<!tpu.dma_semaphore, #tpu.memory_space<semaphore_mem>>)
      %dma_wait3A_145 = arith.constant 0 : i32
      %dma_wait3A_146 = arith.constant 0 : i32
      %dma_wait3A_147 = arith.constant 0 : i32
      %dma_wait3A_148 = tpu.memref_slice %arg3[%dma_wait3A_145, %dma_wait3A_146, %add3A, %dma_wait3A_147] : memref<9x5x32x64xi32, #tpu.memory_space<hbm>> -> memref<9x5x1x64xi32, #tpu.memory_space<hbm>>
      %dma_wait3A_149 = tpu.memref_squeeze %dma_wait3A_148 : memref<9x5x1x64xi32, #tpu.memory_space<hbm>> -> memref<9x5x64xi32, #tpu.memory_space<hbm>>
      %dma_wait3A_150 = arith.constant 0 : i32
      %dma_wait3A_151 = arith.constant 0 : i32
      %dma_wait3A_152 = arith.constant 0 : i32
      %dma_wait3A_153 = tpu.memref_slice %arg3[%dma_wait3A_150, %dma_wait3A_151, %add3A, %dma_wait3A_152] : memref<9x5x32x64xi32, #tpu.memory_space<hbm>> -> memref<9x5x1x64xi32, #tpu.memory_space<hbm>>
      %dma_wait3A_154 = tpu.memref_squeeze %dma_wait3A_153 : memref<9x5x1x64xi32, #tpu.memory_space<hbm>> -> memref<9x5x64xi32, #tpu.memory_space<hbm>>
      tpu.wait_dma2 semaphore(%run_scoped3A : memref<!tpu.dma_semaphore, #tpu.memory_space<semaphore_mem>>) src(%dma_wait3A_154 : memref<9x5x64xi32, #tpu.memory_space<hbm>>) dst(%arg6 : memref<9x5x64xi32, #tpu.memory_space<vmem>>)
      tpu.yield
    }) : () -> ()
    %mul3A_1 = arith.constant 632 : i32
    %mul3A_2 = arith.muli %arg1, %mul3A_1 : i32
    %add3A_3 = arith.constant 0 : i32
    %add3A_4 = arith.addi %add3A_3, %mul3A_2 : i32
    %mul3A_5 = arith.constant 632 : i32
    %mul3A_6 = arith.muli %arg1, %mul3A_5 : i32
    %dma_start3A = arith.constant 0 : i32
    %dma_start3A_7 = tpu.memref_slice %arg5[%mul3A_6, %dma_start3A] : memref<10112x128xi32, #tpu.memory_space<vmem_shared>> -> memref<632x128xi32, #tpu.memory_space<vmem_shared>>
    %dma_start3A_8 = arith.constant 0 : i32
    %dma_start3A_9 = tpu.memref_slice %arg2[%add3A_4, %dma_start3A_8] : memref<40448x128xi32, #tpu.memory_space<hbm>> -> memref<632x128xi32, #tpu.memory_space<hbm>>
    tpu.enqueue_dma source(%dma_start3A_9 : memref<632x128xi32, #tpu.memory_space<hbm>>) target(%dma_start3A_7 : memref<632x128xi32, #tpu.memory_space<vmem_shared>>) target_semaphore(%arg12 : memref<!tpu.dma_semaphore, #tpu.memory_space<semaphore_mem>>)
    %dma_wait3A = arith.constant 0 : i32
    %dma_wait3A_10 = tpu.memref_slice %arg5[%mul3A_6, %dma_wait3A] : memref<10112x128xi32, #tpu.memory_space<vmem_shared>> -> memref<632x128xi32, #tpu.memory_space<vmem_shared>>
    %dma_wait3A_11 = arith.constant 0 : i32
    %dma_wait3A_12 = tpu.memref_slice %arg2[%add3A_4, %dma_wait3A_11] : memref<40448x128xi32, #tpu.memory_space<hbm>> -> memref<632x128xi32, #tpu.memory_space<hbm>>
    tpu.wait_dma2 semaphore(%arg12 : memref<!tpu.dma_semaphore, #tpu.memory_space<semaphore_mem>>) src(%dma_wait3A_12 : memref<632x128xi32, #tpu.memory_space<hbm>>) dst(%dma_wait3A_10 : memref<632x128xi32, #tpu.memory_space<vmem_shared>>)
    %barrier3A = arith.constant 0 : index
    tpu.barrier barrier_id(%barrier3A)
    %scan3A = arith.constant 0 : i32
    %scan3A_13 = arith.constant 0 : i32
    %scan3A_14 = arith.constant 9 : i32
    %scan3A_15 = arith.addi %scan3A_13, %scan3A_14 : i32
    %scan3A_16 = arith.constant 1 : i32
    scf.for %scan3A_135 = %scan3A_13 to %scan3A_15 step %scan3A_16  : i32 {
      %mul3A_136 = arith.constant 5 : i32
      %mul3A_137 = arith.muli %scan3A_135, %mul3A_136 : i32
      %add3A_138 = arith.constant 0 : i32
      %add3A_139 = arith.addi %mul3A_137, %add3A_138 : i32
      %jit3A = arith.constant 5 : i32
      %div3A = arith.divsi %add3A_139, %jit3A : i32
      %sign3A = arith.constant 0 : i32
      %sign3A_140 = arith.cmpi sgt, %add3A_139, %sign3A : i32
      %sign3A_141 = arith.extui %sign3A_140 : i1 to i32
      %sign3A_142 = arith.constant 0 : i32
      %sign3A_143 = arith.cmpi slt, %add3A_139, %sign3A_142 : i32
      %sign3A_144 = arith.extui %sign3A_143 : i1 to i32
      %sign3A_145 = arith.subi %sign3A_141, %sign3A_144 : i32
      %sign3A_146 = arith.constant 0 : i32
      %sign3A_147 = arith.cmpi sgt, %jit3A, %sign3A_146 : i32
      %sign3A_148 = arith.extui %sign3A_147 : i1 to i32
      %sign3A_149 = arith.constant 0 : i32
      %sign3A_150 = arith.cmpi slt, %jit3A, %sign3A_149 : i32
      %sign3A_151 = arith.extui %sign3A_150 : i1 to i32
      %sign3A_152 = arith.subi %sign3A_148, %sign3A_151 : i32
      %ne3A = arith.cmpi ne, %sign3A_145, %sign3A_152 : i32
      %rem3A = arith.remsi %add3A_139, %jit3A : i32
      %ne3A_153 = arith.constant 0 : i32
      %ne3A_154 = arith.cmpi ne, %rem3A, %ne3A_153 : i32
      %and3A = arith.andi %ne3A, %ne3A_154 : i1
      %sub3A = arith.constant 1 : i32
      %sub3A_155 = arith.subi %div3A, %sub3A : i32
      %select_n3A = arith.select %and3A, %sub3A_155, %div3A : i32
      %jit3A_156 = arith.constant 5 : i32
      %eq3A = arith.constant 0 : i32
      %eq3A_157 = arith.cmpi eq, %jit3A_156, %eq3A : i32
      %jit3A_158 = arith.constant 1 : i32
      %select_n3A_159 = arith.select %eq3A_157, %jit3A_158, %jit3A_156 : i32
      %rem3A_160 = arith.remsi %add3A_139, %select_n3A_159 : i32
      %ne3A_161 = arith.constant 0 : i32
      %ne3A_162 = arith.cmpi ne, %rem3A_160, %ne3A_161 : i32
      %lt3A = arith.constant 0 : i32
      %lt3A_163 = arith.cmpi slt, %rem3A_160, %lt3A : i32
      %lt3A_164 = arith.constant 0 : i32
      %lt3A_165 = arith.cmpi slt, %select_n3A_159, %lt3A_164 : i32
      %ne3A_166 = arith.xori %lt3A_163, %lt3A_165 : i1
      %and3A_167 = arith.andi %ne3A_166, %ne3A_162 : i1
      %add3A_168 = arith.addi %rem3A_160, %select_n3A_159 : i32
      %select_n3A_169 = arith.select %and3A_167, %add3A_168, %rem3A_160 : i32
      %gt3A = arith.constant 0 : i32
      %gt3A_170 = arith.cmpi sgt, %scan3A_135, %gt3A : i32
      %convert_element_type3A = arith.extui %gt3A_170 : i1 to i32
      %cond3A = arith.constant 0 : i32
      %cond3A_171 = arith.cmpi ne, %convert_element_type3A, %cond3A : i32
      scf.if %cond3A_171 {
        %dma_wait3A_708 = arith.constant 0 : i32
        %dma_wait3A_709 = arith.constant 0 : i32
        %dma_wait3A_710 = arith.constant 0 : i32
        %dma_wait3A_711 = arith.constant 0 : i32
        %dma_wait3A_712 = tpu.memref_slice %arg4[%dma_wait3A_708, %dma_wait3A_709, %dma_wait3A_710, %dma_wait3A_711] : memref<9x4x10240x128xi32, #tpu.memory_space<hbm>> -> memref<1x1x64x128xi32, #tpu.memory_space<hbm>>
        %dma_wait3A_713 = tpu.memref_squeeze %dma_wait3A_712 : memref<1x1x64x128xi32, #tpu.memory_space<hbm>> -> memref<64x128xi32, #tpu.memory_space<hbm>>
        %dma_wait3A_714 = arith.constant 0 : i32
        %dma_wait3A_715 = arith.constant 0 : i32
        %dma_wait3A_716 = tpu.memref_slice %arg4[%dma_wait3A_708, %dma_wait3A_709, %dma_wait3A_714, %dma_wait3A_715] : memref<9x4x10240x128xi32, #tpu.memory_space<hbm>> -> memref<1x1x64x128xi32, #tpu.memory_space<hbm>>
        %dma_wait3A_717 = tpu.memref_squeeze %dma_wait3A_716 : memref<1x1x64x128xi32, #tpu.memory_space<hbm>> -> memref<64x128xi32, #tpu.memory_space<hbm>>
        tpu.wait_dma2 semaphore(%arg18 : memref<!tpu.dma_semaphore, #tpu.memory_space<semaphore_mem>>) src(%arg7 : memref<64x128xi32, #tpu.memory_space<vmem>>) dst(%dma_wait3A_717 : memref<64x128xi32, #tpu.memory_space<hbm>>)
      } else {
      }
      %dma_start3A_172 = arith.constant 0 : i32
      %dma_start3A_173 = tpu.memref_slice %arg6[%select_n3A, %select_n3A_169, %dma_start3A_172] : memref<9x5x64xi32, #tpu.memory_space<vmem>> -> memref<1x1x64xi32, #tpu.memory_space<vmem>>
      %dma_start3A_174 = tpu.memref_squeeze %dma_start3A_173 : memref<1x1x64xi32, #tpu.memory_space<vmem>> -> memref<64xi32, #tpu.memory_space<vmem>>
      %dma_start3A_175 = arith.constant 0 : i32
      %dma_start3A_176 = arith.constant 0 : i32
      %dma_start3A_177 = tpu.memref_slice %arg5[%dma_start3A_175, %dma_start3A_176] : memref<10112x128xi32, #tpu.memory_space<vmem_shared>> -> memref<10112x128xi32, #tpu.memory_space<vmem_shared>>
      tpu.enqueue_indirect_dma source(%dma_start3A_177 : memref<10112x128xi32, #tpu.memory_space<vmem_shared>>) target(%arg7 : memref<64x128xi32, #tpu.memory_space<vmem>>) offsets(%dma_start3A_174 : memref<64xi32, #tpu.memory_space<vmem>>) semaphore(%arg13 : memref<!tpu.dma_semaphore, #tpu.memory_space<semaphore_mem>>)
      %mul3A_178 = arith.constant 5 : i32
      %mul3A_179 = arith.muli %scan3A_135, %mul3A_178 : i32
      %add3A_180 = arith.constant 1 : i32
      %add3A_181 = arith.addi %mul3A_179, %add3A_180 : i32
      %jit3A_182 = arith.constant 5 : i32
      %div3A_183 = arith.divsi %add3A_181, %jit3A_182 : i32
      %sign3A_184 = arith.constant 0 : i32
      %sign3A_185 = arith.cmpi sgt, %add3A_181, %sign3A_184 : i32
      %sign3A_186 = arith.extui %sign3A_185 : i1 to i32
      %sign3A_187 = arith.constant 0 : i32
      %sign3A_188 = arith.cmpi slt, %add3A_181, %sign3A_187 : i32
      %sign3A_189 = arith.extui %sign3A_188 : i1 to i32
      %sign3A_190 = arith.subi %sign3A_186, %sign3A_189 : i32
      %sign3A_191 = arith.constant 0 : i32
      %sign3A_192 = arith.cmpi sgt, %jit3A_182, %sign3A_191 : i32
      %sign3A_193 = arith.extui %sign3A_192 : i1 to i32
      %sign3A_194 = arith.constant 0 : i32
      %sign3A_195 = arith.cmpi slt, %jit3A_182, %sign3A_194 : i32
      %sign3A_196 = arith.extui %sign3A_195 : i1 to i32
      %sign3A_197 = arith.subi %sign3A_193, %sign3A_196 : i32
      %ne3A_198 = arith.cmpi ne, %sign3A_190, %sign3A_197 : i32
      %rem3A_199 = arith.remsi %add3A_181, %jit3A_182 : i32
      %ne3A_200 = arith.constant 0 : i32
      %ne3A_201 = arith.cmpi ne, %rem3A_199, %ne3A_200 : i32
      %and3A_202 = arith.andi %ne3A_198, %ne3A_201 : i1
      %sub3A_203 = arith.constant 1 : i32
      %sub3A_204 = arith.subi %div3A_183, %sub3A_203 : i32
      %select_n3A_205 = arith.select %and3A_202, %sub3A_204, %div3A_183 : i32
      %jit3A_206 = arith.constant 5 : i32
      %eq3A_207 = arith.constant 0 : i32
      %eq3A_208 = arith.cmpi eq, %jit3A_206, %eq3A_207 : i32
      %jit3A_209 = arith.constant 1 : i32
      %select_n3A_210 = arith.select %eq3A_208, %jit3A_209, %jit3A_206 : i32
      %rem3A_211 = arith.remsi %add3A_181, %select_n3A_210 : i32
      %ne3A_212 = arith.constant 0 : i32
      %ne3A_213 = arith.cmpi ne, %rem3A_211, %ne3A_212 : i32
      %lt3A_214 = arith.constant 0 : i32
      %lt3A_215 = arith.cmpi slt, %rem3A_211, %lt3A_214 : i32
      %lt3A_216 = arith.constant 0 : i32
      %lt3A_217 = arith.cmpi slt, %select_n3A_210, %lt3A_216 : i32
      %ne3A_218 = arith.xori %lt3A_215, %lt3A_217 : i1
      %and3A_219 = arith.andi %ne3A_218, %ne3A_213 : i1
      %add3A_220 = arith.addi %rem3A_211, %select_n3A_210 : i32
      %select_n3A_221 = arith.select %and3A_219, %add3A_220, %rem3A_211 : i32
      %gt3A_222 = arith.constant 0 : i32
      %gt3A_223 = arith.cmpi sgt, %scan3A_135, %gt3A_222 : i32
      %convert_element_type3A_224 = arith.extui %gt3A_223 : i1 to i32
      %cond3A_225 = arith.constant 0 : i32
      %cond3A_226 = arith.cmpi ne, %convert_element_type3A_224, %cond3A_225 : i32
      scf.if %cond3A_226 {
        %dma_wait3A_708 = arith.constant 0 : i32
        %dma_wait3A_709 = arith.constant 0 : i32
        %dma_wait3A_710 = arith.constant 0 : i32
        %dma_wait3A_711 = arith.constant 0 : i32
        %dma_wait3A_712 = tpu.memref_slice %arg4[%dma_wait3A_708, %dma_wait3A_709, %dma_wait3A_710, %dma_wait3A_711] : memref<9x4x10240x128xi32, #tpu.memory_space<hbm>> -> memref<1x1x64x128xi32, #tpu.memory_space<hbm>>
        %dma_wait3A_713 = tpu.memref_squeeze %dma_wait3A_712 : memref<1x1x64x128xi32, #tpu.memory_space<hbm>> -> memref<64x128xi32, #tpu.memory_space<hbm>>
        %dma_wait3A_714 = arith.constant 0 : i32
        %dma_wait3A_715 = arith.constant 0 : i32
        %dma_wait3A_716 = tpu.memref_slice %arg4[%dma_wait3A_708, %dma_wait3A_709, %dma_wait3A_714, %dma_wait3A_715] : memref<9x4x10240x128xi32, #tpu.memory_space<hbm>> -> memref<1x1x64x128xi32, #tpu.memory_space<hbm>>
        %dma_wait3A_717 = tpu.memref_squeeze %dma_wait3A_716 : memref<1x1x64x128xi32, #tpu.memory_space<hbm>> -> memref<64x128xi32, #tpu.memory_space<hbm>>
        tpu.wait_dma2 semaphore(%arg19 : memref<!tpu.dma_semaphore, #tpu.memory_space<semaphore_mem>>) src(%arg8 : memref<64x128xi32, #tpu.memory_space<vmem>>) dst(%dma_wait3A_717 : memref<64x128xi32, #tpu.memory_space<hbm>>)
      } else {
      }
      %dma_start3A_227 = arith.constant 0 : i32
      %dma_start3A_228 = tpu.memref_slice %arg6[%select_n3A_205, %select_n3A_221, %dma_start3A_227] : memref<9x5x64xi32, #tpu.memory_space<vmem>> -> memref<1x1x64xi32, #tpu.memory_space<vmem>>
      %dma_start3A_229 = tpu.memref_squeeze %dma_start3A_228 : memref<1x1x64xi32, #tpu.memory_space<vmem>> -> memref<64xi32, #tpu.memory_space<vmem>>
      %dma_start3A_230 = arith.constant 0 : i32
      %dma_start3A_231 = arith.constant 0 : i32
      %dma_start3A_232 = tpu.memref_slice %arg5[%dma_start3A_230, %dma_start3A_231] : memref<10112x128xi32, #tpu.memory_space<vmem_shared>> -> memref<10112x128xi32, #tpu.memory_space<vmem_shared>>
      tpu.enqueue_indirect_dma source(%dma_start3A_232 : memref<10112x128xi32, #tpu.memory_space<vmem_shared>>) target(%arg8 : memref<64x128xi32, #tpu.memory_space<vmem>>) offsets(%dma_start3A_229 : memref<64xi32, #tpu.memory_space<vmem>>) semaphore(%arg14 : memref<!tpu.dma_semaphore, #tpu.memory_space<semaphore_mem>>)
      %mul3A_233 = arith.constant 5 : i32
      %mul3A_234 = arith.muli %scan3A_135, %mul3A_233 : i32
      %add3A_235 = arith.constant 2 : i32
      %add3A_236 = arith.addi %mul3A_234, %add3A_235 : i32
      %jit3A_237 = arith.constant 5 : i32
      %div3A_238 = arith.divsi %add3A_236, %jit3A_237 : i32
      %sign3A_239 = arith.constant 0 : i32
      %sign3A_240 = arith.cmpi sgt, %add3A_236, %sign3A_239 : i32
      %sign3A_241 = arith.extui %sign3A_240 : i1 to i32
      %sign3A_242 = arith.constant 0 : i32
      %sign3A_243 = arith.cmpi slt, %add3A_236, %sign3A_242 : i32
      %sign3A_244 = arith.extui %sign3A_243 : i1 to i32
      %sign3A_245 = arith.subi %sign3A_241, %sign3A_244 : i32
      %sign3A_246 = arith.constant 0 : i32
      %sign3A_247 = arith.cmpi sgt, %jit3A_237, %sign3A_246 : i32
      %sign3A_248 = arith.extui %sign3A_247 : i1 to i32
      %sign3A_249 = arith.constant 0 : i32
      %sign3A_250 = arith.cmpi slt, %jit3A_237, %sign3A_249 : i32
      %sign3A_251 = arith.extui %sign3A_250 : i1 to i32
      %sign3A_252 = arith.subi %sign3A_248, %sign3A_251 : i32
      %ne3A_253 = arith.cmpi ne, %sign3A_245, %sign3A_252 : i32
      %rem3A_254 = arith.remsi %add3A_236, %jit3A_237 : i32
      %ne3A_255 = arith.constant 0 : i32
      %ne3A_256 = arith.cmpi ne, %rem3A_254, %ne3A_255 : i32
      %and3A_257 = arith.andi %ne3A_253, %ne3A_256 : i1
      %sub3A_258 = arith.constant 1 : i32
      %sub3A_259 = arith.subi %div3A_238, %sub3A_258 : i32
      %select_n3A_260 = arith.select %and3A_257, %sub3A_259, %div3A_238 : i32
      %jit3A_261 = arith.constant 5 : i32
      %eq3A_262 = arith.constant 0 : i32
      %eq3A_263 = arith.cmpi eq, %jit3A_261, %eq3A_262 : i32
      %jit3A_264 = arith.constant 1 : i32
      %select_n3A_265 = arith.select %eq3A_263, %jit3A_264, %jit3A_261 : i32
      %rem3A_266 = arith.remsi %add3A_236, %select_n3A_265 : i32
      %ne3A_267 = arith.constant 0 : i32
      %ne3A_268 = arith.cmpi ne, %rem3A_266, %ne3A_267 : i32
      %lt3A_269 = arith.constant 0 : i32
      %lt3A_270 = arith.cmpi slt, %rem3A_266, %lt3A_269 : i32
      %lt3A_271 = arith.constant 0 : i32
      %lt3A_272 = arith.cmpi slt, %select_n3A_265, %lt3A_271 : i32
      %ne3A_273 = arith.xori %lt3A_270, %lt3A_272 : i1
      %and3A_274 = arith.andi %ne3A_273, %ne3A_268 : i1
      %add3A_275 = arith.addi %rem3A_266, %select_n3A_265 : i32
      %select_n3A_276 = arith.select %and3A_274, %add3A_275, %rem3A_266 : i32
      %gt3A_277 = arith.constant 0 : i32
      %gt3A_278 = arith.cmpi sgt, %scan3A_135, %gt3A_277 : i32
      %convert_element_type3A_279 = arith.extui %gt3A_278 : i1 to i32
      %cond3A_280 = arith.constant 0 : i32
      %cond3A_281 = arith.cmpi ne, %convert_element_type3A_279, %cond3A_280 : i32
      scf.if %cond3A_281 {
        %dma_wait3A_708 = arith.constant 0 : i32
        %dma_wait3A_709 = arith.constant 0 : i32
        %dma_wait3A_710 = arith.constant 0 : i32
        %dma_wait3A_711 = arith.constant 0 : i32
        %dma_wait3A_712 = tpu.memref_slice %arg4[%dma_wait3A_708, %dma_wait3A_709, %dma_wait3A_710, %dma_wait3A_711] : memref<9x4x10240x128xi32, #tpu.memory_space<hbm>> -> memref<1x1x64x128xi32, #tpu.memory_space<hbm>>
        %dma_wait3A_713 = tpu.memref_squeeze %dma_wait3A_712 : memref<1x1x64x128xi32, #tpu.memory_space<hbm>> -> memref<64x128xi32, #tpu.memory_space<hbm>>
        %dma_wait3A_714 = arith.constant 0 : i32
        %dma_wait3A_715 = arith.constant 0 : i32
        %dma_wait3A_716 = tpu.memref_slice %arg4[%dma_wait3A_708, %dma_wait3A_709, %dma_wait3A_714, %dma_wait3A_715] : memref<9x4x10240x128xi32, #tpu.memory_space<hbm>> -> memref<1x1x64x128xi32, #tpu.memory_space<hbm>>
        %dma_wait3A_717 = tpu.memref_squeeze %dma_wait3A_716 : memref<1x1x64x128xi32, #tpu.memory_space<hbm>> -> memref<64x128xi32, #tpu.memory_space<hbm>>
        tpu.wait_dma2 semaphore(%arg20 : memref<!tpu.dma_semaphore, #tpu.memory_space<semaphore_mem>>) src(%arg9 : memref<64x128xi32, #tpu.memory_space<vmem>>) dst(%dma_wait3A_717 : memref<64x128xi32, #tpu.memory_space<hbm>>)
      } else {
      }
      %dma_start3A_282 = arith.constant 0 : i32
      %dma_start3A_283 = tpu.memref_slice %arg6[%select_n3A_260, %select_n3A_276, %dma_start3A_282] : memref<9x5x64xi32, #tpu.memory_space<vmem>> -> memref<1x1x64xi32, #tpu.memory_space<vmem>>
      %dma_start3A_284 = tpu.memref_squeeze %dma_start3A_283 : memref<1x1x64xi32, #tpu.memory_space<vmem>> -> memref<64xi32, #tpu.memory_space<vmem>>
      %dma_start3A_285 = arith.constant 0 : i32
      %dma_start3A_286 = arith.constant 0 : i32
      %dma_start3A_287 = tpu.memref_slice %arg5[%dma_start3A_285, %dma_start3A_286] : memref<10112x128xi32, #tpu.memory_space<vmem_shared>> -> memref<10112x128xi32, #tpu.memory_space<vmem_shared>>
      tpu.enqueue_indirect_dma source(%dma_start3A_287 : memref<10112x128xi32, #tpu.memory_space<vmem_shared>>) target(%arg9 : memref<64x128xi32, #tpu.memory_space<vmem>>) offsets(%dma_start3A_284 : memref<64xi32, #tpu.memory_space<vmem>>) semaphore(%arg15 : memref<!tpu.dma_semaphore, #tpu.memory_space<semaphore_mem>>)
      %mul3A_288 = arith.constant 5 : i32
      %mul3A_289 = arith.muli %scan3A_135, %mul3A_288 : i32
      %add3A_290 = arith.constant 3 : i32
      %add3A_291 = arith.addi %mul3A_289, %add3A_290 : i32
      %jit3A_292 = arith.constant 5 : i32
      %div3A_293 = arith.divsi %add3A_291, %jit3A_292 : i32
      %sign3A_294 = arith.constant 0 : i32
      %sign3A_295 = arith.cmpi sgt, %add3A_291, %sign3A_294 : i32
      %sign3A_296 = arith.extui %sign3A_295 : i1 to i32
      %sign3A_297 = arith.constant 0 : i32
      %sign3A_298 = arith.cmpi slt, %add3A_291, %sign3A_297 : i32
      %sign3A_299 = arith.extui %sign3A_298 : i1 to i32
      %sign3A_300 = arith.subi %sign3A_296, %sign3A_299 : i32
      %sign3A_301 = arith.constant 0 : i32
      %sign3A_302 = arith.cmpi sgt, %jit3A_292, %sign3A_301 : i32
      %sign3A_303 = arith.extui %sign3A_302 : i1 to i32
      %sign3A_304 = arith.constant 0 : i32
      %sign3A_305 = arith.cmpi slt, %jit3A_292, %sign3A_304 : i32
      %sign3A_306 = arith.extui %sign3A_305 : i1 to i32
      %sign3A_307 = arith.subi %sign3A_303, %sign3A_306 : i32
      %ne3A_308 = arith.cmpi ne, %sign3A_300, %sign3A_307 : i32
      %rem3A_309 = arith.remsi %add3A_291, %jit3A_292 : i32
      %ne3A_310 = arith.constant 0 : i32
      %ne3A_311 = arith.cmpi ne, %rem3A_309, %ne3A_310 : i32
      %and3A_312 = arith.andi %ne3A_308, %ne3A_311 : i1
      %sub3A_313 = arith.constant 1 : i32
      %sub3A_314 = arith.subi %div3A_293, %sub3A_313 : i32
      %select_n3A_315 = arith.select %and3A_312, %sub3A_314, %div3A_293 : i32
      %jit3A_316 = arith.constant 5 : i32
      %eq3A_317 = arith.constant 0 : i32
      %eq3A_318 = arith.cmpi eq, %jit3A_316, %eq3A_317 : i32
      %jit3A_319 = arith.constant 1 : i32
      %select_n3A_320 = arith.select %eq3A_318, %jit3A_319, %jit3A_316 : i32
      %rem3A_321 = arith.remsi %add3A_291, %select_n3A_320 : i32
      %ne3A_322 = arith.constant 0 : i32
      %ne3A_323 = arith.cmpi ne, %rem3A_321, %ne3A_322 : i32
      %lt3A_324 = arith.constant 0 : i32
      %lt3A_325 = arith.cmpi slt, %rem3A_321, %lt3A_324 : i32
      %lt3A_326 = arith.constant 0 : i32
      %lt3A_327 = arith.cmpi slt, %select_n3A_320, %lt3A_326 : i32
      %ne3A_328 = arith.xori %lt3A_325, %lt3A_327 : i1
      %and3A_329 = arith.andi %ne3A_328, %ne3A_323 : i1
      %add3A_330 = arith.addi %rem3A_321, %select_n3A_320 : i32
      %select_n3A_331 = arith.select %and3A_329, %add3A_330, %rem3A_321 : i32
      %gt3A_332 = arith.constant 0 : i32
      %gt3A_333 = arith.cmpi sgt, %scan3A_135, %gt3A_332 : i32
      %convert_element_type3A_334 = arith.extui %gt3A_333 : i1 to i32
      %cond3A_335 = arith.constant 0 : i32
      %cond3A_336 = arith.cmpi ne, %convert_element_type3A_334, %cond3A_335 : i32
      scf.if %cond3A_336 {
        %dma_wait3A_708 = arith.constant 0 : i32
        %dma_wait3A_709 = arith.constant 0 : i32
        %dma_wait3A_710 = arith.constant 0 : i32
        %dma_wait3A_711 = arith.constant 0 : i32
        %dma_wait3A_712 = tpu.memref_slice %arg4[%dma_wait3A_708, %dma_wait3A_709, %dma_wait3A_710, %dma_wait3A_711] : memref<9x4x10240x128xi32, #tpu.memory_space<hbm>> -> memref<1x1x64x128xi32, #tpu.memory_space<hbm>>
        %dma_wait3A_713 = tpu.memref_squeeze %dma_wait3A_712 : memref<1x1x64x128xi32, #tpu.memory_space<hbm>> -> memref<64x128xi32, #tpu.memory_space<hbm>>
        %dma_wait3A_714 = arith.constant 0 : i32
        %dma_wait3A_715 = arith.constant 0 : i32
        %dma_wait3A_716 = tpu.memref_slice %arg4[%dma_wait3A_708, %dma_wait3A_709, %dma_wait3A_714, %dma_wait3A_715] : memref<9x4x10240x128xi32, #tpu.memory_space<hbm>> -> memref<1x1x64x128xi32, #tpu.memory_space<hbm>>
        %dma_wait3A_717 = tpu.memref_squeeze %dma_wait3A_716 : memref<1x1x64x128xi32, #tpu.memory_space<hbm>> -> memref<64x128xi32, #tpu.memory_space<hbm>>
        tpu.wait_dma2 semaphore(%arg21 : memref<!tpu.dma_semaphore, #tpu.memory_space<semaphore_mem>>) src(%arg10 : memref<64x128xi32, #tpu.memory_space<vmem>>) dst(%dma_wait3A_717 : memref<64x128xi32, #tpu.memory_space<hbm>>)
      } else {
      }
      %dma_start3A_337 = arith.constant 0 : i32
      %dma_start3A_338 = tpu.memref_slice %arg6[%select_n3A_315, %select_n3A_331, %dma_start3A_337] : memref<9x5x64xi32, #tpu.memory_space<vmem>> -> memref<1x1x64xi32, #tpu.memory_space<vmem>>
      %dma_start3A_339 = tpu.memref_squeeze %dma_start3A_338 : memref<1x1x64xi32, #tpu.memory_space<vmem>> -> memref<64xi32, #tpu.memory_space<vmem>>
      %dma_start3A_340 = arith.constant 0 : i32
      %dma_start3A_341 = arith.constant 0 : i32
      %dma_start3A_342 = tpu.memref_slice %arg5[%dma_start3A_340, %dma_start3A_341] : memref<10112x128xi32, #tpu.memory_space<vmem_shared>> -> memref<10112x128xi32, #tpu.memory_space<vmem_shared>>
      tpu.enqueue_indirect_dma source(%dma_start3A_342 : memref<10112x128xi32, #tpu.memory_space<vmem_shared>>) target(%arg10 : memref<64x128xi32, #tpu.memory_space<vmem>>) offsets(%dma_start3A_339 : memref<64xi32, #tpu.memory_space<vmem>>) semaphore(%arg16 : memref<!tpu.dma_semaphore, #tpu.memory_space<semaphore_mem>>)
      %mul3A_343 = arith.constant 5 : i32
      %mul3A_344 = arith.muli %scan3A_135, %mul3A_343 : i32
      %add3A_345 = arith.constant 4 : i32
      %add3A_346 = arith.addi %mul3A_344, %add3A_345 : i32
      %jit3A_347 = arith.constant 5 : i32
      %div3A_348 = arith.divsi %add3A_346, %jit3A_347 : i32
      %sign3A_349 = arith.constant 0 : i32
      %sign3A_350 = arith.cmpi sgt, %add3A_346, %sign3A_349 : i32
      %sign3A_351 = arith.extui %sign3A_350 : i1 to i32
      %sign3A_352 = arith.constant 0 : i32
      %sign3A_353 = arith.cmpi slt, %add3A_346, %sign3A_352 : i32
      %sign3A_354 = arith.extui %sign3A_353 : i1 to i32
      %sign3A_355 = arith.subi %sign3A_351, %sign3A_354 : i32
      %sign3A_356 = arith.constant 0 : i32
      %sign3A_357 = arith.cmpi sgt, %jit3A_347, %sign3A_356 : i32
      %sign3A_358 = arith.extui %sign3A_357 : i1 to i32
      %sign3A_359 = arith.constant 0 : i32
      %sign3A_360 = arith.cmpi slt, %jit3A_347, %sign3A_359 : i32
      %sign3A_361 = arith.extui %sign3A_360 : i1 to i32
      %sign3A_362 = arith.subi %sign3A_358, %sign3A_361 : i32
      %ne3A_363 = arith.cmpi ne, %sign3A_355, %sign3A_362 : i32
      %rem3A_364 = arith.remsi %add3A_346, %jit3A_347 : i32
      %ne3A_365 = arith.constant 0 : i32
      %ne3A_366 = arith.cmpi ne, %rem3A_364, %ne3A_365 : i32
      %and3A_367 = arith.andi %ne3A_363, %ne3A_366 : i1
      %sub3A_368 = arith.constant 1 : i32
      %sub3A_369 = arith.subi %div3A_348, %sub3A_368 : i32
      %select_n3A_370 = arith.select %and3A_367, %sub3A_369, %div3A_348 : i32
      %jit3A_371 = arith.constant 5 : i32
      %eq3A_372 = arith.constant 0 : i32
      %eq3A_373 = arith.cmpi eq, %jit3A_371, %eq3A_372 : i32
      %jit3A_374 = arith.constant 1 : i32
      %select_n3A_375 = arith.select %eq3A_373, %jit3A_374, %jit3A_371 : i32
      %rem3A_376 = arith.remsi %add3A_346, %select_n3A_375 : i32
      %ne3A_377 = arith.constant 0 : i32
      %ne3A_378 = arith.cmpi ne, %rem3A_376, %ne3A_377 : i32
      %lt3A_379 = arith.constant 0 : i32
      %lt3A_380 = arith.cmpi slt, %rem3A_376, %lt3A_379 : i32
      %lt3A_381 = arith.constant 0 : i32
      %lt3A_382 = arith.cmpi slt, %select_n3A_375, %lt3A_381 : i32
      %ne3A_383 = arith.xori %lt3A_380, %lt3A_382 : i1
      %and3A_384 = arith.andi %ne3A_383, %ne3A_378 : i1
      %add3A_385 = arith.addi %rem3A_376, %select_n3A_375 : i32
      %select_n3A_386 = arith.select %and3A_384, %add3A_385, %rem3A_376 : i32
      %gt3A_387 = arith.constant 0 : i32
      %gt3A_388 = arith.cmpi sgt, %scan3A_135, %gt3A_387 : i32
      %convert_element_type3A_389 = arith.extui %gt3A_388 : i1 to i32
      %cond3A_390 = arith.constant 0 : i32
      %cond3A_391 = arith.cmpi ne, %convert_element_type3A_389, %cond3A_390 : i32
      scf.if %cond3A_391 {
        %dma_wait3A_708 = arith.constant 0 : i32
        %dma_wait3A_709 = arith.constant 0 : i32
        %dma_wait3A_710 = arith.constant 0 : i32
        %dma_wait3A_711 = arith.constant 0 : i32
        %dma_wait3A_712 = tpu.memref_slice %arg4[%dma_wait3A_708, %dma_wait3A_709, %dma_wait3A_710, %dma_wait3A_711] : memref<9x4x10240x128xi32, #tpu.memory_space<hbm>> -> memref<1x1x64x128xi32, #tpu.memory_space<hbm>>
        %dma_wait3A_713 = tpu.memref_squeeze %dma_wait3A_712 : memref<1x1x64x128xi32, #tpu.memory_space<hbm>> -> memref<64x128xi32, #tpu.memory_space<hbm>>
        %dma_wait3A_714 = arith.constant 0 : i32
        %dma_wait3A_715 = arith.constant 0 : i32
        %dma_wait3A_716 = tpu.memref_slice %arg4[%dma_wait3A_708, %dma_wait3A_709, %dma_wait3A_714, %dma_wait3A_715] : memref<9x4x10240x128xi32, #tpu.memory_space<hbm>> -> memref<1x1x64x128xi32, #tpu.memory_space<hbm>>
        %dma_wait3A_717 = tpu.memref_squeeze %dma_wait3A_716 : memref<1x1x64x128xi32, #tpu.memory_space<hbm>> -> memref<64x128xi32, #tpu.memory_space<hbm>>
        tpu.wait_dma2 semaphore(%arg22 : memref<!tpu.dma_semaphore, #tpu.memory_space<semaphore_mem>>) src(%arg11 : memref<64x128xi32, #tpu.memory_space<vmem>>) dst(%dma_wait3A_717 : memref<64x128xi32, #tpu.memory_space<hbm>>)
      } else {
      }
      %dma_start3A_392 = arith.constant 0 : i32
      %dma_start3A_393 = tpu.memref_slice %arg6[%select_n3A_370, %select_n3A_386, %dma_start3A_392] : memref<9x5x64xi32, #tpu.memory_space<vmem>> -> memref<1x1x64xi32, #tpu.memory_space<vmem>>
      %dma_start3A_394 = tpu.memref_squeeze %dma_start3A_393 : memref<1x1x64xi32, #tpu.memory_space<vmem>> -> memref<64xi32, #tpu.memory_space<vmem>>
      %dma_start3A_395 = arith.constant 0 : i32
      %dma_start3A_396 = arith.constant 0 : i32
      %dma_start3A_397 = tpu.memref_slice %arg5[%dma_start3A_395, %dma_start3A_396] : memref<10112x128xi32, #tpu.memory_space<vmem_shared>> -> memref<10112x128xi32, #tpu.memory_space<vmem_shared>>
      tpu.enqueue_indirect_dma source(%dma_start3A_397 : memref<10112x128xi32, #tpu.memory_space<vmem_shared>>) target(%arg11 : memref<64x128xi32, #tpu.memory_space<vmem>>) offsets(%dma_start3A_394 : memref<64xi32, #tpu.memory_space<vmem>>) semaphore(%arg17 : memref<!tpu.dma_semaphore, #tpu.memory_space<semaphore_mem>>)
      %mul3A_398 = arith.constant 5 : i32
      %mul3A_399 = arith.muli %scan3A_135, %mul3A_398 : i32
      %add3A_400 = arith.constant 0 : i32
      %add3A_401 = arith.addi %mul3A_399, %add3A_400 : i32
      %jit3A_402 = arith.constant 5 : i32
      %div3A_403 = arith.divsi %add3A_401, %jit3A_402 : i32
      %sign3A_404 = arith.constant 0 : i32
      %sign3A_405 = arith.cmpi sgt, %add3A_401, %sign3A_404 : i32
      %sign3A_406 = arith.extui %sign3A_405 : i1 to i32
      %sign3A_407 = arith.constant 0 : i32
      %sign3A_408 = arith.cmpi slt, %add3A_401, %sign3A_407 : i32
      %sign3A_409 = arith.extui %sign3A_408 : i1 to i32
      %sign3A_410 = arith.subi %sign3A_406, %sign3A_409 : i32
      %sign3A_411 = arith.constant 0 : i32
      %sign3A_412 = arith.cmpi sgt, %jit3A_402, %sign3A_411 : i32
      %sign3A_413 = arith.extui %sign3A_412 : i1 to i32
      %sign3A_414 = arith.constant 0 : i32
      %sign3A_415 = arith.cmpi slt, %jit3A_402, %sign3A_414 : i32
      %sign3A_416 = arith.extui %sign3A_415 : i1 to i32
      %sign3A_417 = arith.subi %sign3A_413, %sign3A_416 : i32
      %ne3A_418 = arith.cmpi ne, %sign3A_410, %sign3A_417 : i32
      %rem3A_419 = arith.remsi %add3A_401, %jit3A_402 : i32
      %ne3A_420 = arith.constant 0 : i32
      %ne3A_421 = arith.cmpi ne, %rem3A_419, %ne3A_420 : i32
      %and3A_422 = arith.andi %ne3A_418, %ne3A_421 : i1
      %sub3A_423 = arith.constant 1 : i32
      %sub3A_424 = arith.subi %div3A_403, %sub3A_423 : i32
      %select_n3A_425 = arith.select %and3A_422, %sub3A_424, %div3A_403 : i32
      %jit3A_426 = arith.constant 5 : i32
      %eq3A_427 = arith.constant 0 : i32
      %eq3A_428 = arith.cmpi eq, %jit3A_426, %eq3A_427 : i32
      %jit3A_429 = arith.constant 1 : i32
      %select_n3A_430 = arith.select %eq3A_428, %jit3A_429, %jit3A_426 : i32
      %rem3A_431 = arith.remsi %add3A_401, %select_n3A_430 : i32
      %ne3A_432 = arith.constant 0 : i32
      %ne3A_433 = arith.cmpi ne, %rem3A_431, %ne3A_432 : i32
      %lt3A_434 = arith.constant 0 : i32
      %lt3A_435 = arith.cmpi slt, %rem3A_431, %lt3A_434 : i32
      %lt3A_436 = arith.constant 0 : i32
      %lt3A_437 = arith.cmpi slt, %select_n3A_430, %lt3A_436 : i32
      %ne3A_438 = arith.xori %lt3A_435, %lt3A_437 : i1
      %and3A_439 = arith.andi %ne3A_438, %ne3A_433 : i1
      %add3A_440 = arith.addi %rem3A_431, %select_n3A_430 : i32
      %select_n3A_441 = arith.select %and3A_439, %add3A_440, %rem3A_431 : i32
      %mul3A_442 = arith.constant 32 : i32
      %mul3A_443 = arith.muli %mul3A_442, %select_n3A_441 : i32
      %add3A_444 = arith.addi %add3A, %mul3A_443 : i32
      %dma_wait3A_445 = arith.constant 0 : i32
      %dma_wait3A_446 = tpu.memref_slice %arg6[%select_n3A, %select_n3A_169, %dma_wait3A_445] : memref<9x5x64xi32, #tpu.memory_space<vmem>> -> memref<1x1x64xi32, #tpu.memory_space<vmem>>
      %dma_wait3A_447 = tpu.memref_squeeze %dma_wait3A_446 : memref<1x1x64xi32, #tpu.memory_space<vmem>> -> memref<64xi32, #tpu.memory_space<vmem>>
      %dma_wait3A_448 = arith.constant 0 : i32
      %dma_wait3A_449 = arith.constant 0 : i32
      %dma_wait3A_450 = tpu.memref_slice %arg5[%dma_wait3A_448, %dma_wait3A_449] : memref<10112x128xi32, #tpu.memory_space<vmem_shared>> -> memref<10112x128xi32, #tpu.memory_space<vmem_shared>>
      tpu.wait_indirect_dma semaphore(%arg13 : memref<!tpu.dma_semaphore, #tpu.memory_space<semaphore_mem>>) src(%dma_wait3A_450 : memref<10112x128xi32, #tpu.memory_space<vmem_shared>>) dst(%arg7 : memref<64x128xi32, #tpu.memory_space<vmem>>)
      %mul3A_451 = arith.constant 64 : i32
      %mul3A_452 = arith.muli %add3A_444, %mul3A_451 : i32
      %dma_start3A_453 = arith.constant 0 : i32
      %dma_start3A_454 = arith.constant 0 : i32
      %dma_start3A_455 = tpu.memref_slice %arg4[%select_n3A_425, %dma_start3A_453, %mul3A_452, %dma_start3A_454] : memref<9x4x10240x128xi32, #tpu.memory_space<hbm>> -> memref<1x1x64x128xi32, #tpu.memory_space<hbm>>
      %dma_start3A_456 = tpu.memref_squeeze %dma_start3A_455 : memref<1x1x64x128xi32, #tpu.memory_space<hbm>> -> memref<64x128xi32, #tpu.memory_space<hbm>>
      %dma_start3A_457 = arith.constant 0 : i32
      %dma_start3A_458 = tpu.memref_slice %arg4[%select_n3A_425, %dma_start3A_453, %mul3A_452, %dma_start3A_457] : memref<9x4x10240x128xi32, #tpu.memory_space<hbm>> -> memref<1x1x64x128xi32, #tpu.memory_space<hbm>>
      %dma_start3A_459 = tpu.memref_squeeze %dma_start3A_458 : memref<1x1x64x128xi32, #tpu.memory_space<hbm>> -> memref<64x128xi32, #tpu.memory_space<hbm>>
      tpu.enqueue_dma source(%arg7 : memref<64x128xi32, #tpu.memory_space<vmem>>) target(%dma_start3A_459 : memref<64x128xi32, #tpu.memory_space<hbm>>) target_semaphore(%arg18 : memref<!tpu.dma_semaphore, #tpu.memory_space<semaphore_mem>>)
      %mul3A_460 = arith.constant 5 : i32
      %mul3A_461 = arith.muli %scan3A_135, %mul3A_460 : i32
      %add3A_462 = arith.constant 1 : i32
      %add3A_463 = arith.addi %mul3A_461, %add3A_462 : i32
      %jit3A_464 = arith.constant 5 : i32
      %div3A_465 = arith.divsi %add3A_463, %jit3A_464 : i32
      %sign3A_466 = arith.constant 0 : i32
      %sign3A_467 = arith.cmpi sgt, %add3A_463, %sign3A_466 : i32
      %sign3A_468 = arith.extui %sign3A_467 : i1 to i32
      %sign3A_469 = arith.constant 0 : i32
      %sign3A_470 = arith.cmpi slt, %add3A_463, %sign3A_469 : i32
      %sign3A_471 = arith.extui %sign3A_470 : i1 to i32
      %sign3A_472 = arith.subi %sign3A_468, %sign3A_471 : i32
      %sign3A_473 = arith.constant 0 : i32
      %sign3A_474 = arith.cmpi sgt, %jit3A_464, %sign3A_473 : i32
      %sign3A_475 = arith.extui %sign3A_474 : i1 to i32
      %sign3A_476 = arith.constant 0 : i32
      %sign3A_477 = arith.cmpi slt, %jit3A_464, %sign3A_476 : i32
      %sign3A_478 = arith.extui %sign3A_477 : i1 to i32
      %sign3A_479 = arith.subi %sign3A_475, %sign3A_478 : i32
      %ne3A_480 = arith.cmpi ne, %sign3A_472, %sign3A_479 : i32
      %rem3A_481 = arith.remsi %add3A_463, %jit3A_464 : i32
      %ne3A_482 = arith.constant 0 : i32
      %ne3A_483 = arith.cmpi ne, %rem3A_481, %ne3A_482 : i32
      %and3A_484 = arith.andi %ne3A_480, %ne3A_483 : i1
      %sub3A_485 = arith.constant 1 : i32
      %sub3A_486 = arith.subi %div3A_465, %sub3A_485 : i32
      %select_n3A_487 = arith.select %and3A_484, %sub3A_486, %div3A_465 : i32
      %jit3A_488 = arith.constant 5 : i32
      %eq3A_489 = arith.constant 0 : i32
      %eq3A_490 = arith.cmpi eq, %jit3A_488, %eq3A_489 : i32
      %jit3A_491 = arith.constant 1 : i32
      %select_n3A_492 = arith.select %eq3A_490, %jit3A_491, %jit3A_488 : i32
      %rem3A_493 = arith.remsi %add3A_463, %select_n3A_492 : i32
      %ne3A_494 = arith.constant 0 : i32
      %ne3A_495 = arith.cmpi ne, %rem3A_493, %ne3A_494 : i32
      %lt3A_496 = arith.constant 0 : i32
      %lt3A_497 = arith.cmpi slt, %rem3A_493, %lt3A_496 : i32
      %lt3A_498 = arith.constant 0 : i32
      %lt3A_499 = arith.cmpi slt, %select_n3A_492, %lt3A_498 : i32
      %ne3A_500 = arith.xori %lt3A_497, %lt3A_499 : i1
      %and3A_501 = arith.andi %ne3A_500, %ne3A_495 : i1
      %add3A_502 = arith.addi %rem3A_493, %select_n3A_492 : i32
      %select_n3A_503 = arith.select %and3A_501, %add3A_502, %rem3A_493 : i32
      %mul3A_504 = arith.constant 32 : i32
      %mul3A_505 = arith.muli %mul3A_504, %select_n3A_503 : i32
      %add3A_506 = arith.addi %add3A, %mul3A_505 : i32
      %dma_wait3A_507 = arith.constant 0 : i32
      %dma_wait3A_508 = tpu.memref_slice %arg6[%select_n3A_205, %select_n3A_221, %dma_wait3A_507] : memref<9x5x64xi32, #tpu.memory_space<vmem>> -> memref<1x1x64xi32, #tpu.memory_space<vmem>>
      %dma_wait3A_509 = tpu.memref_squeeze %dma_wait3A_508 : memref<1x1x64xi32, #tpu.memory_space<vmem>> -> memref<64xi32, #tpu.memory_space<vmem>>
      %dma_wait3A_510 = arith.constant 0 : i32
      %dma_wait3A_511 = arith.constant 0 : i32
      %dma_wait3A_512 = tpu.memref_slice %arg5[%dma_wait3A_510, %dma_wait3A_511] : memref<10112x128xi32, #tpu.memory_space<vmem_shared>> -> memref<10112x128xi32, #tpu.memory_space<vmem_shared>>
      tpu.wait_indirect_dma semaphore(%arg14 : memref<!tpu.dma_semaphore, #tpu.memory_space<semaphore_mem>>) src(%dma_wait3A_512 : memref<10112x128xi32, #tpu.memory_space<vmem_shared>>) dst(%arg8 : memref<64x128xi32, #tpu.memory_space<vmem>>)
      %mul3A_513 = arith.constant 64 : i32
      %mul3A_514 = arith.muli %add3A_506, %mul3A_513 : i32
      %dma_start3A_515 = arith.constant 0 : i32
      %dma_start3A_516 = arith.constant 0 : i32
      %dma_start3A_517 = tpu.memref_slice %arg4[%select_n3A_487, %dma_start3A_515, %mul3A_514, %dma_start3A_516] : memref<9x4x10240x128xi32, #tpu.memory_space<hbm>> -> memref<1x1x64x128xi32, #tpu.memory_space<hbm>>
      %dma_start3A_518 = tpu.memref_squeeze %dma_start3A_517 : memref<1x1x64x128xi32, #tpu.memory_space<hbm>> -> memref<64x128xi32, #tpu.memory_space<hbm>>
      %dma_start3A_519 = arith.constant 0 : i32
      %dma_start3A_520 = tpu.memref_slice %arg4[%select_n3A_487, %dma_start3A_515, %mul3A_514, %dma_start3A_519] : memref<9x4x10240x128xi32, #tpu.memory_space<hbm>> -> memref<1x1x64x128xi32, #tpu.memory_space<hbm>>
      %dma_start3A_521 = tpu.memref_squeeze %dma_start3A_520 : memref<1x1x64x128xi32, #tpu.memory_space<hbm>> -> memref<64x128xi32, #tpu.memory_space<hbm>>
      tpu.enqueue_dma source(%arg8 : memref<64x128xi32, #tpu.memory_space<vmem>>) target(%dma_start3A_521 : memref<64x128xi32, #tpu.memory_space<hbm>>) target_semaphore(%arg19 : memref<!tpu.dma_semaphore, #tpu.memory_space<semaphore_mem>>)
      %mul3A_522 = arith.constant 5 : i32
      %mul3A_523 = arith.muli %scan3A_135, %mul3A_522 : i32
      %add3A_524 = arith.constant 2 : i32
      %add3A_525 = arith.addi %mul3A_523, %add3A_524 : i32
      %jit3A_526 = arith.constant 5 : i32
      %div3A_527 = arith.divsi %add3A_525, %jit3A_526 : i32
      %sign3A_528 = arith.constant 0 : i32
      %sign3A_529 = arith.cmpi sgt, %add3A_525, %sign3A_528 : i32
      %sign3A_530 = arith.extui %sign3A_529 : i1 to i32
      %sign3A_531 = arith.constant 0 : i32
      %sign3A_532 = arith.cmpi slt, %add3A_525, %sign3A_531 : i32
      %sign3A_533 = arith.extui %sign3A_532 : i1 to i32
      %sign3A_534 = arith.subi %sign3A_530, %sign3A_533 : i32
      %sign3A_535 = arith.constant 0 : i32
      %sign3A_536 = arith.cmpi sgt, %jit3A_526, %sign3A_535 : i32
      %sign3A_537 = arith.extui %sign3A_536 : i1 to i32
      %sign3A_538 = arith.constant 0 : i32
      %sign3A_539 = arith.cmpi slt, %jit3A_526, %sign3A_538 : i32
      %sign3A_540 = arith.extui %sign3A_539 : i1 to i32
      %sign3A_541 = arith.subi %sign3A_537, %sign3A_540 : i32
      %ne3A_542 = arith.cmpi ne, %sign3A_534, %sign3A_541 : i32
      %rem3A_543 = arith.remsi %add3A_525, %jit3A_526 : i32
      %ne3A_544 = arith.constant 0 : i32
      %ne3A_545 = arith.cmpi ne, %rem3A_543, %ne3A_544 : i32
      %and3A_546 = arith.andi %ne3A_542, %ne3A_545 : i1
      %sub3A_547 = arith.constant 1 : i32
      %sub3A_548 = arith.subi %div3A_527, %sub3A_547 : i32
      %select_n3A_549 = arith.select %and3A_546, %sub3A_548, %div3A_527 : i32
      %jit3A_550 = arith.constant 5 : i32
      %eq3A_551 = arith.constant 0 : i32
      %eq3A_552 = arith.cmpi eq, %jit3A_550, %eq3A_551 : i32
      %jit3A_553 = arith.constant 1 : i32
      %select_n3A_554 = arith.select %eq3A_552, %jit3A_553, %jit3A_550 : i32
      %rem3A_555 = arith.remsi %add3A_525, %select_n3A_554 : i32
      %ne3A_556 = arith.constant 0 : i32
      %ne3A_557 = arith.cmpi ne, %rem3A_555, %ne3A_556 : i32
      %lt3A_558 = arith.constant 0 : i32
      %lt3A_559 = arith.cmpi slt, %rem3A_555, %lt3A_558 : i32
      %lt3A_560 = arith.constant 0 : i32
      %lt3A_561 = arith.cmpi slt, %select_n3A_554, %lt3A_560 : i32
      %ne3A_562 = arith.xori %lt3A_559, %lt3A_561 : i1
      %and3A_563 = arith.andi %ne3A_562, %ne3A_557 : i1
      %add3A_564 = arith.addi %rem3A_555, %select_n3A_554 : i32
      %select_n3A_565 = arith.select %and3A_563, %add3A_564, %rem3A_555 : i32
      %mul3A_566 = arith.constant 32 : i32
      %mul3A_567 = arith.muli %mul3A_566, %select_n3A_565 : i32
      %add3A_568 = arith.addi %add3A, %mul3A_567 : i32
      %dma_wait3A_569 = arith.constant 0 : i32
      %dma_wait3A_570 = tpu.memref_slice %arg6[%select_n3A_260, %select_n3A_276, %dma_wait3A_569] : memref<9x5x64xi32, #tpu.memory_space<vmem>> -> memref<1x1x64xi32, #tpu.memory_space<vmem>>
      %dma_wait3A_571 = tpu.memref_squeeze %dma_wait3A_570 : memref<1x1x64xi32, #tpu.memory_space<vmem>> -> memref<64xi32, #tpu.memory_space<vmem>>
      %dma_wait3A_572 = arith.constant 0 : i32
      %dma_wait3A_573 = arith.constant 0 : i32
      %dma_wait3A_574 = tpu.memref_slice %arg5[%dma_wait3A_572, %dma_wait3A_573] : memref<10112x128xi32, #tpu.memory_space<vmem_shared>> -> memref<10112x128xi32, #tpu.memory_space<vmem_shared>>
      tpu.wait_indirect_dma semaphore(%arg15 : memref<!tpu.dma_semaphore, #tpu.memory_space<semaphore_mem>>) src(%dma_wait3A_574 : memref<10112x128xi32, #tpu.memory_space<vmem_shared>>) dst(%arg9 : memref<64x128xi32, #tpu.memory_space<vmem>>)
      %mul3A_575 = arith.constant 64 : i32
      %mul3A_576 = arith.muli %add3A_568, %mul3A_575 : i32
      %dma_start3A_577 = arith.constant 0 : i32
      %dma_start3A_578 = arith.constant 0 : i32
      %dma_start3A_579 = tpu.memref_slice %arg4[%select_n3A_549, %dma_start3A_577, %mul3A_576, %dma_start3A_578] : memref<9x4x10240x128xi32, #tpu.memory_space<hbm>> -> memref<1x1x64x128xi32, #tpu.memory_space<hbm>>
      %dma_start3A_580 = tpu.memref_squeeze %dma_start3A_579 : memref<1x1x64x128xi32, #tpu.memory_space<hbm>> -> memref<64x128xi32, #tpu.memory_space<hbm>>
      %dma_start3A_581 = arith.constant 0 : i32
      %dma_start3A_582 = tpu.memref_slice %arg4[%select_n3A_549, %dma_start3A_577, %mul3A_576, %dma_start3A_581] : memref<9x4x10240x128xi32, #tpu.memory_space<hbm>> -> memref<1x1x64x128xi32, #tpu.memory_space<hbm>>
      %dma_start3A_583 = tpu.memref_squeeze %dma_start3A_582 : memref<1x1x64x128xi32, #tpu.memory_space<hbm>> -> memref<64x128xi32, #tpu.memory_space<hbm>>
      tpu.enqueue_dma source(%arg9 : memref<64x128xi32, #tpu.memory_space<vmem>>) target(%dma_start3A_583 : memref<64x128xi32, #tpu.memory_space<hbm>>) target_semaphore(%arg20 : memref<!tpu.dma_semaphore, #tpu.memory_space<semaphore_mem>>)
      %mul3A_584 = arith.constant 5 : i32
      %mul3A_585 = arith.muli %scan3A_135, %mul3A_584 : i32
      %add3A_586 = arith.constant 3 : i32
      %add3A_587 = arith.addi %mul3A_585, %add3A_586 : i32
      %jit3A_588 = arith.constant 5 : i32
      %div3A_589 = arith.divsi %add3A_587, %jit3A_588 : i32
      %sign3A_590 = arith.constant 0 : i32
      %sign3A_591 = arith.cmpi sgt, %add3A_587, %sign3A_590 : i32
      %sign3A_592 = arith.extui %sign3A_591 : i1 to i32
      %sign3A_593 = arith.constant 0 : i32
      %sign3A_594 = arith.cmpi slt, %add3A_587, %sign3A_593 : i32
      %sign3A_595 = arith.extui %sign3A_594 : i1 to i32
      %sign3A_596 = arith.subi %sign3A_592, %sign3A_595 : i32
      %sign3A_597 = arith.constant 0 : i32
      %sign3A_598 = arith.cmpi sgt, %jit3A_588, %sign3A_597 : i32
      %sign3A_599 = arith.extui %sign3A_598 : i1 to i32
      %sign3A_600 = arith.constant 0 : i32
      %sign3A_601 = arith.cmpi slt, %jit3A_588, %sign3A_600 : i32
      %sign3A_602 = arith.extui %sign3A_601 : i1 to i32
      %sign3A_603 = arith.subi %sign3A_599, %sign3A_602 : i32
      %ne3A_604 = arith.cmpi ne, %sign3A_596, %sign3A_603 : i32
      %rem3A_605 = arith.remsi %add3A_587, %jit3A_588 : i32
      %ne3A_606 = arith.constant 0 : i32
      %ne3A_607 = arith.cmpi ne, %rem3A_605, %ne3A_606 : i32
      %and3A_608 = arith.andi %ne3A_604, %ne3A_607 : i1
      %sub3A_609 = arith.constant 1 : i32
      %sub3A_610 = arith.subi %div3A_589, %sub3A_609 : i32
      %select_n3A_611 = arith.select %and3A_608, %sub3A_610, %div3A_589 : i32
      %jit3A_612 = arith.constant 5 : i32
      %eq3A_613 = arith.constant 0 : i32
      %eq3A_614 = arith.cmpi eq, %jit3A_612, %eq3A_613 : i32
      %jit3A_615 = arith.constant 1 : i32
      %select_n3A_616 = arith.select %eq3A_614, %jit3A_615, %jit3A_612 : i32
      %rem3A_617 = arith.remsi %add3A_587, %select_n3A_616 : i32
      %ne3A_618 = arith.constant 0 : i32
      %ne3A_619 = arith.cmpi ne, %rem3A_617, %ne3A_618 : i32
      %lt3A_620 = arith.constant 0 : i32
      %lt3A_621 = arith.cmpi slt, %rem3A_617, %lt3A_620 : i32
      %lt3A_622 = arith.constant 0 : i32
      %lt3A_623 = arith.cmpi slt, %select_n3A_616, %lt3A_622 : i32
      %ne3A_624 = arith.xori %lt3A_621, %lt3A_623 : i1
      %and3A_625 = arith.andi %ne3A_624, %ne3A_619 : i1
      %add3A_626 = arith.addi %rem3A_617, %select_n3A_616 : i32
      %select_n3A_627 = arith.select %and3A_625, %add3A_626, %rem3A_617 : i32
      %mul3A_628 = arith.constant 32 : i32
      %mul3A_629 = arith.muli %mul3A_628, %select_n3A_627 : i32
      %add3A_630 = arith.addi %add3A, %mul3A_629 : i32
      %dma_wait3A_631 = arith.constant 0 : i32
      %dma_wait3A_632 = tpu.memref_slice %arg6[%select_n3A_315, %select_n3A_331, %dma_wait3A_631] : memref<9x5x64xi32, #tpu.memory_space<vmem>> -> memref<1x1x64xi32, #tpu.memory_space<vmem>>
      %dma_wait3A_633 = tpu.memref_squeeze %dma_wait3A_632 : memref<1x1x64xi32, #tpu.memory_space<vmem>> -> memref<64xi32, #tpu.memory_space<vmem>>
      %dma_wait3A_634 = arith.constant 0 : i32
      %dma_wait3A_635 = arith.constant 0 : i32
      %dma_wait3A_636 = tpu.memref_slice %arg5[%dma_wait3A_634, %dma_wait3A_635] : memref<10112x128xi32, #tpu.memory_space<vmem_shared>> -> memref<10112x128xi32, #tpu.memory_space<vmem_shared>>
      tpu.wait_indirect_dma semaphore(%arg16 : memref<!tpu.dma_semaphore, #tpu.memory_space<semaphore_mem>>) src(%dma_wait3A_636 : memref<10112x128xi32, #tpu.memory_space<vmem_shared>>) dst(%arg10 : memref<64x128xi32, #tpu.memory_space<vmem>>)
      %mul3A_637 = arith.constant 64 : i32
      %mul3A_638 = arith.muli %add3A_630, %mul3A_637 : i32
      %dma_start3A_639 = arith.constant 0 : i32
      %dma_start3A_640 = arith.constant 0 : i32
      %dma_start3A_641 = tpu.memref_slice %arg4[%select_n3A_611, %dma_start3A_639, %mul3A_638, %dma_start3A_640] : memref<9x4x10240x128xi32, #tpu.memory_space<hbm>> -> memref<1x1x64x128xi32, #tpu.memory_space<hbm>>
      %dma_start3A_642 = tpu.memref_squeeze %dma_start3A_641 : memref<1x1x64x128xi32, #tpu.memory_space<hbm>> -> memref<64x128xi32, #tpu.memory_space<hbm>>
      %dma_start3A_643 = arith.constant 0 : i32
      %dma_start3A_644 = tpu.memref_slice %arg4[%select_n3A_611, %dma_start3A_639, %mul3A_638, %dma_start3A_643] : memref<9x4x10240x128xi32, #tpu.memory_space<hbm>> -> memref<1x1x64x128xi32, #tpu.memory_space<hbm>>
      %dma_start3A_645 = tpu.memref_squeeze %dma_start3A_644 : memref<1x1x64x128xi32, #tpu.memory_space<hbm>> -> memref<64x128xi32, #tpu.memory_space<hbm>>
      tpu.enqueue_dma source(%arg10 : memref<64x128xi32, #tpu.memory_space<vmem>>) target(%dma_start3A_645 : memref<64x128xi32, #tpu.memory_space<hbm>>) target_semaphore(%arg21 : memref<!tpu.dma_semaphore, #tpu.memory_space<semaphore_mem>>)
      %mul3A_646 = arith.constant 5 : i32
      %mul3A_647 = arith.muli %scan3A_135, %mul3A_646 : i32
      %add3A_648 = arith.constant 4 : i32
      %add3A_649 = arith.addi %mul3A_647, %add3A_648 : i32
      %jit3A_650 = arith.constant 5 : i32
      %div3A_651 = arith.divsi %add3A_649, %jit3A_650 : i32
      %sign3A_652 = arith.constant 0 : i32
      %sign3A_653 = arith.cmpi sgt, %add3A_649, %sign3A_652 : i32
      %sign3A_654 = arith.extui %sign3A_653 : i1 to i32
      %sign3A_655 = arith.constant 0 : i32
      %sign3A_656 = arith.cmpi slt, %add3A_649, %sign3A_655 : i32
      %sign3A_657 = arith.extui %sign3A_656 : i1 to i32
      %sign3A_658 = arith.subi %sign3A_654, %sign3A_657 : i32
      %sign3A_659 = arith.constant 0 : i32
      %sign3A_660 = arith.cmpi sgt, %jit3A_650, %sign3A_659 : i32
      %sign3A_661 = arith.extui %sign3A_660 : i1 to i32
      %sign3A_662 = arith.constant 0 : i32
      %sign3A_663 = arith.cmpi slt, %jit3A_650, %sign3A_662 : i32
      %sign3A_664 = arith.extui %sign3A_663 : i1 to i32
      %sign3A_665 = arith.subi %sign3A_661, %sign3A_664 : i32
      %ne3A_666 = arith.cmpi ne, %sign3A_658, %sign3A_665 : i32
      %rem3A_667 = arith.remsi %add3A_649, %jit3A_650 : i32
      %ne3A_668 = arith.constant 0 : i32
      %ne3A_669 = arith.cmpi ne, %rem3A_667, %ne3A_668 : i32
      %and3A_670 = arith.andi %ne3A_666, %ne3A_669 : i1
      %sub3A_671 = arith.constant 1 : i32
      %sub3A_672 = arith.subi %div3A_651, %sub3A_671 : i32
      %select_n3A_673 = arith.select %and3A_670, %sub3A_672, %div3A_651 : i32
      %jit3A_674 = arith.constant 5 : i32
      %eq3A_675 = arith.constant 0 : i32
      %eq3A_676 = arith.cmpi eq, %jit3A_674, %eq3A_675 : i32
      %jit3A_677 = arith.constant 1 : i32
      %select_n3A_678 = arith.select %eq3A_676, %jit3A_677, %jit3A_674 : i32
      %rem3A_679 = arith.remsi %add3A_649, %select_n3A_678 : i32
      %ne3A_680 = arith.constant 0 : i32
      %ne3A_681 = arith.cmpi ne, %rem3A_679, %ne3A_680 : i32
      %lt3A_682 = arith.constant 0 : i32
      %lt3A_683 = arith.cmpi slt, %rem3A_679, %lt3A_682 : i32
      %lt3A_684 = arith.constant 0 : i32
      %lt3A_685 = arith.cmpi slt, %select_n3A_678, %lt3A_684 : i32
      %ne3A_686 = arith.xori %lt3A_683, %lt3A_685 : i1
      %and3A_687 = arith.andi %ne3A_686, %ne3A_681 : i1
      %add3A_688 = arith.addi %rem3A_679, %select_n3A_678 : i32
      %select_n3A_689 = arith.select %and3A_687, %add3A_688, %rem3A_679 : i32
      %mul3A_690 = arith.constant 32 : i32
      %mul3A_691 = arith.muli %mul3A_690, %select_n3A_689 : i32
      %add3A_692 = arith.addi %add3A, %mul3A_691 : i32
      %dma_wait3A_693 = arith.constant 0 : i32
      %dma_wait3A_694 = tpu.memref_slice %arg6[%select_n3A_370, %select_n3A_386, %dma_wait3A_693] : memref<9x5x64xi32, #tpu.memory_space<vmem>> -> memref<1x1x64xi32, #tpu.memory_space<vmem>>
      %dma_wait3A_695 = tpu.memref_squeeze %dma_wait3A_694 : memref<1x1x64xi32, #tpu.memory_space<vmem>> -> memref<64xi32, #tpu.memory_space<vmem>>
      %dma_wait3A_696 = arith.constant 0 : i32
      %dma_wait3A_697 = arith.constant 0 : i32
      %dma_wait3A_698 = tpu.memref_slice %arg5[%dma_wait3A_696, %dma_wait3A_697] : memref<10112x128xi32, #tpu.memory_space<vmem_shared>> -> memref<10112x128xi32, #tpu.memory_space<vmem_shared>>
      tpu.wait_indirect_dma semaphore(%arg17 : memref<!tpu.dma_semaphore, #tpu.memory_space<semaphore_mem>>) src(%dma_wait3A_698 : memref<10112x128xi32, #tpu.memory_space<vmem_shared>>) dst(%arg11 : memref<64x128xi32, #tpu.memory_space<vmem>>)
      %mul3A_699 = arith.constant 64 : i32
      %mul3A_700 = arith.muli %add3A_692, %mul3A_699 : i32
      %dma_start3A_701 = arith.constant 0 : i32
      %dma_start3A_702 = arith.constant 0 : i32
      %dma_start3A_703 = tpu.memref_slice %arg4[%select_n3A_673, %dma_start3A_701, %mul3A_700, %dma_start3A_702] : memref<9x4x10240x128xi32, #tpu.memory_space<hbm>> -> memref<1x1x64x128xi32, #tpu.memory_space<hbm>>
      %dma_start3A_704 = tpu.memref_squeeze %dma_start3A_703 : memref<1x1x64x128xi32, #tpu.memory_space<hbm>> -> memref<64x128xi32, #tpu.memory_space<hbm>>
      %dma_start3A_705 = arith.constant 0 : i32
      %dma_start3A_706 = tpu.memref_slice %arg4[%select_n3A_673, %dma_start3A_701, %mul3A_700, %dma_start3A_705] : memref<9x4x10240x128xi32, #tpu.memory_space<hbm>> -> memref<1x1x64x128xi32, #tpu.memory_space<hbm>>
      %dma_start3A_707 = tpu.memref_squeeze %dma_start3A_706 : memref<1x1x64x128xi32, #tpu.memory_space<hbm>> -> memref<64x128xi32, #tpu.memory_space<hbm>>
      tpu.enqueue_dma source(%arg11 : memref<64x128xi32, #tpu.memory_space<vmem>>) target(%dma_start3A_707 : memref<64x128xi32, #tpu.memory_space<hbm>>) target_semaphore(%arg22 : memref<!tpu.dma_semaphore, #tpu.memory_space<semaphore_mem>>)
    }
    %scan3A_17 = arith.constant 9 : i32
    %barrier3A_18 = arith.constant 0 : index
    tpu.barrier barrier_id(%barrier3A_18)
    %mul3A_19 = arith.constant 632 : i32
    %mul3A_20 = arith.muli %arg1, %mul3A_19 : i32
    %add3A_21 = arith.constant 10112 : i32
    %add3A_22 = arith.addi %add3A_21, %mul3A_20 : i32
    %mul3A_23 = arith.constant 632 : i32
    %mul3A_24 = arith.muli %arg1, %mul3A_23 : i32
    %dma_start3A_25 = arith.constant 0 : i32
    %dma_start3A_26 = tpu.memref_slice %arg5[%mul3A_24, %dma_start3A_25] : memref<10112x128xi32, #tpu.memory_space<vmem_shared>> -> memref<632x128xi32, #tpu.memory_space<vmem_shared>>
    %dma_start3A_27 = arith.constant 0 : i32
    %dma_start3A_28 = tpu.memref_slice %arg2[%add3A_22, %dma_start3A_27] : memref<40448x128xi32, #tpu.memory_space<hbm>> -> memref<632x128xi32, #tpu.memory_space<hbm>>
    tpu.enqueue_dma source(%dma_start3A_28 : memref<632x128xi32, #tpu.memory_space<hbm>>) target(%dma_start3A_26 : memref<632x128xi32, #tpu.memory_space<vmem_shared>>) target_semaphore(%arg12 : memref<!tpu.dma_semaphore, #tpu.memory_space<semaphore_mem>>)
    %dma_wait3A_29 = arith.constant 0 : i32
    %dma_wait3A_30 = tpu.memref_slice %arg5[%mul3A_24, %dma_wait3A_29] : memref<10112x128xi32, #tpu.memory_space<vmem_shared>> -> memref<632x128xi32, #tpu.memory_space<vmem_shared>>
    %dma_wait3A_31 = arith.constant 0 : i32
    %dma_wait3A_32 = tpu.memref_slice %arg2[%add3A_22, %dma_wait3A_31] : memref<40448x128xi32, #tpu.memory_space<hbm>> -> memref<632x128xi32, #tpu.memory_space<hbm>>
    tpu.wait_dma2 semaphore(%arg12 : memref<!tpu.dma_semaphore, #tpu.memory_space<semaphore_mem>>) src(%dma_wait3A_32 : memref<632x128xi32, #tpu.memory_space<hbm>>) dst(%dma_wait3A_30 : memref<632x128xi32, #tpu.memory_space<vmem_shared>>)
    %barrier3A_33 = arith.constant 0 : index
    tpu.barrier barrier_id(%barrier3A_33)
    %scan3A_34 = arith.constant 0 : i32
    %scan3A_35 = arith.constant 0 : i32
    %scan3A_36 = arith.constant 9 : i32
    %scan3A_37 = arith.addi %scan3A_35, %scan3A_36 : i32
    %scan3A_38 = arith.constant 1 : i32
    scf.for %scan3A_135 = %scan3A_35 to %scan3A_37 step %scan3A_38  : i32 {
      %mul3A_136 = arith.constant 5 : i32
      %mul3A_137 = arith.muli %scan3A_135, %mul3A_136 : i32
      %add3A_138 = arith.constant 0 : i32
      %add3A_139 = arith.addi %mul3A_137, %add3A_138 : i32
      %jit3A = arith.constant 5 : i32
      %div3A = arith.divsi %add3A_139, %jit3A : i32
      %sign3A = arith.constant 0 : i32
      %sign3A_140 = arith.cmpi sgt, %add3A_139, %sign3A : i32
      %sign3A_141 = arith.extui %sign3A_140 : i1 to i32
      %sign3A_142 = arith.constant 0 : i32
      %sign3A_143 = arith.cmpi slt, %add3A_139, %sign3A_142 : i32
      %sign3A_144 = arith.extui %sign3A_143 : i1 to i32
      %sign3A_145 = arith.subi %sign3A_141, %sign3A_144 : i32
      %sign3A_146 = arith.constant 0 : i32
      %sign3A_147 = arith.cmpi sgt, %jit3A, %sign3A_146 : i32
      %sign3A_148 = arith.extui %sign3A_147 : i1 to i32
      %sign3A_149 = arith.constant 0 : i32
      %sign3A_150 = arith.cmpi slt, %jit3A, %sign3A_149 : i32
      %sign3A_151 = arith.extui %sign3A_150 : i1 to i32
      %sign3A_152 = arith.subi %sign3A_148, %sign3A_151 : i32
      %ne3A = arith.cmpi ne, %sign3A_145, %sign3A_152 : i32
      %rem3A = arith.remsi %add3A_139, %jit3A : i32
      %ne3A_153 = arith.constant 0 : i32
      %ne3A_154 = arith.cmpi ne, %rem3A, %ne3A_153 : i32
      %and3A = arith.andi %ne3A, %ne3A_154 : i1
      %sub3A = arith.constant 1 : i32
      %sub3A_155 = arith.subi %div3A, %sub3A : i32
      %select_n3A = arith.select %and3A, %sub3A_155, %div3A : i32
      %jit3A_156 = arith.constant 5 : i32
      %eq3A = arith.constant 0 : i32
      %eq3A_157 = arith.cmpi eq, %jit3A_156, %eq3A : i32
      %jit3A_158 = arith.constant 1 : i32
      %select_n3A_159 = arith.select %eq3A_157, %jit3A_158, %jit3A_156 : i32
      %rem3A_160 = arith.remsi %add3A_139, %select_n3A_159 : i32
      %ne3A_161 = arith.constant 0 : i32
      %ne3A_162 = arith.cmpi ne, %rem3A_160, %ne3A_161 : i32
      %lt3A = arith.constant 0 : i32
      %lt3A_163 = arith.cmpi slt, %rem3A_160, %lt3A : i32
      %lt3A_164 = arith.constant 0 : i32
      %lt3A_165 = arith.cmpi slt, %select_n3A_159, %lt3A_164 : i32
      %ne3A_166 = arith.xori %lt3A_163, %lt3A_165 : i1
      %and3A_167 = arith.andi %ne3A_166, %ne3A_162 : i1
      %add3A_168 = arith.addi %rem3A_160, %select_n3A_159 : i32
      %select_n3A_169 = arith.select %and3A_167, %add3A_168, %rem3A_160 : i32
      %dma_wait3A_170 = arith.constant 0 : i32
      %dma_wait3A_171 = arith.constant 0 : i32
      %dma_wait3A_172 = arith.constant 0 : i32
      %dma_wait3A_173 = arith.constant 0 : i32
      %dma_wait3A_174 = tpu.memref_slice %arg4[%dma_wait3A_170, %dma_wait3A_171, %dma_wait3A_172, %dma_wait3A_173] : memref<9x4x10240x128xi32, #tpu.memory_space<hbm>> -> memref<1x1x64x128xi32, #tpu.memory_space<hbm>>
      %dma_wait3A_175 = tpu.memref_squeeze %dma_wait3A_174 : memref<1x1x64x128xi32, #tpu.memory_space<hbm>> -> memref<64x128xi32, #tpu.memory_space<hbm>>
      %dma_wait3A_176 = arith.constant 0 : i32
      %dma_wait3A_177 = arith.constant 0 : i32
      %dma_wait3A_178 = tpu.memref_slice %arg4[%dma_wait3A_170, %dma_wait3A_171, %dma_wait3A_176, %dma_wait3A_177] : memref<9x4x10240x128xi32, #tpu.memory_space<hbm>> -> memref<1x1x64x128xi32, #tpu.memory_space<hbm>>
      %dma_wait3A_179 = tpu.memref_squeeze %dma_wait3A_178 : memref<1x1x64x128xi32, #tpu.memory_space<hbm>> -> memref<64x128xi32, #tpu.memory_space<hbm>>
      tpu.wait_dma2 semaphore(%arg18 : memref<!tpu.dma_semaphore, #tpu.memory_space<semaphore_mem>>) src(%arg7 : memref<64x128xi32, #tpu.memory_space<vmem>>) dst(%dma_wait3A_179 : memref<64x128xi32, #tpu.memory_space<hbm>>)
      %dma_start3A_180 = arith.constant 0 : i32
      %dma_start3A_181 = tpu.memref_slice %arg6[%select_n3A, %select_n3A_169, %dma_start3A_180] : memref<9x5x64xi32, #tpu.memory_space<vmem>> -> memref<1x1x64xi32, #tpu.memory_space<vmem>>
      %dma_start3A_182 = tpu.memref_squeeze %dma_start3A_181 : memref<1x1x64xi32, #tpu.memory_space<vmem>> -> memref<64xi32, #tpu.memory_space<vmem>>
      %dma_start3A_183 = arith.constant 0 : i32
      %dma_start3A_184 = arith.constant 0 : i32
      %dma_start3A_185 = tpu.memref_slice %arg5[%dma_start3A_183, %dma_start3A_184] : memref<10112x128xi32, #tpu.memory_space<vmem_shared>> -> memref<10112x128xi32, #tpu.memory_space<vmem_shared>>
      tpu.enqueue_indirect_dma source(%dma_start3A_185 : memref<10112x128xi32, #tpu.memory_space<vmem_shared>>) target(%arg7 : memref<64x128xi32, #tpu.memory_space<vmem>>) offsets(%dma_start3A_182 : memref<64xi32, #tpu.memory_space<vmem>>) semaphore(%arg13 : memref<!tpu.dma_semaphore, #tpu.memory_space<semaphore_mem>>)
      %mul3A_186 = arith.constant 5 : i32
      %mul3A_187 = arith.muli %scan3A_135, %mul3A_186 : i32
      %add3A_188 = arith.constant 1 : i32
      %add3A_189 = arith.addi %mul3A_187, %add3A_188 : i32
      %jit3A_190 = arith.constant 5 : i32
      %div3A_191 = arith.divsi %add3A_189, %jit3A_190 : i32
      %sign3A_192 = arith.constant 0 : i32
      %sign3A_193 = arith.cmpi sgt, %add3A_189, %sign3A_192 : i32
      %sign3A_194 = arith.extui %sign3A_193 : i1 to i32
      %sign3A_195 = arith.constant 0 : i32
      %sign3A_196 = arith.cmpi slt, %add3A_189, %sign3A_195 : i32
      %sign3A_197 = arith.extui %sign3A_196 : i1 to i32
      %sign3A_198 = arith.subi %sign3A_194, %sign3A_197 : i32
      %sign3A_199 = arith.constant 0 : i32
      %sign3A_200 = arith.cmpi sgt, %jit3A_190, %sign3A_199 : i32
      %sign3A_201 = arith.extui %sign3A_200 : i1 to i32
      %sign3A_202 = arith.constant 0 : i32
      %sign3A_203 = arith.cmpi slt, %jit3A_190, %sign3A_202 : i32
      %sign3A_204 = arith.extui %sign3A_203 : i1 to i32
      %sign3A_205 = arith.subi %sign3A_201, %sign3A_204 : i32
      %ne3A_206 = arith.cmpi ne, %sign3A_198, %sign3A_205 : i32
      %rem3A_207 = arith.remsi %add3A_189, %jit3A_190 : i32
      %ne3A_208 = arith.constant 0 : i32
      %ne3A_209 = arith.cmpi ne, %rem3A_207, %ne3A_208 : i32
      %and3A_210 = arith.andi %ne3A_206, %ne3A_209 : i1
      %sub3A_211 = arith.constant 1 : i32
      %sub3A_212 = arith.subi %div3A_191, %sub3A_211 : i32
      %select_n3A_213 = arith.select %and3A_210, %sub3A_212, %div3A_191 : i32
      %jit3A_214 = arith.constant 5 : i32
      %eq3A_215 = arith.constant 0 : i32
      %eq3A_216 = arith.cmpi eq, %jit3A_214, %eq3A_215 : i32
      %jit3A_217 = arith.constant 1 : i32
      %select_n3A_218 = arith.select %eq3A_216, %jit3A_217, %jit3A_214 : i32
      %rem3A_219 = arith.remsi %add3A_189, %select_n3A_218 : i32
      %ne3A_220 = arith.constant 0 : i32
      %ne3A_221 = arith.cmpi ne, %rem3A_219, %ne3A_220 : i32
      %lt3A_222 = arith.constant 0 : i32
      %lt3A_223 = arith.cmpi slt, %rem3A_219, %lt3A_222 : i32
      %lt3A_224 = arith.constant 0 : i32
      %lt3A_225 = arith.cmpi slt, %select_n3A_218, %lt3A_224 : i32
      %ne3A_226 = arith.xori %lt3A_223, %lt3A_225 : i1
      %and3A_227 = arith.andi %ne3A_226, %ne3A_221 : i1
      %add3A_228 = arith.addi %rem3A_219, %select_n3A_218 : i32
      %select_n3A_229 = arith.select %and3A_227, %add3A_228, %rem3A_219 : i32
      %dma_wait3A_230 = arith.constant 0 : i32
      %dma_wait3A_231 = arith.constant 0 : i32
      %dma_wait3A_232 = arith.constant 0 : i32
      %dma_wait3A_233 = arith.constant 0 : i32
      %dma_wait3A_234 = tpu.memref_slice %arg4[%dma_wait3A_230, %dma_wait3A_231, %dma_wait3A_232, %dma_wait3A_233] : memref<9x4x10240x128xi32, #tpu.memory_space<hbm>> -> memref<1x1x64x128xi32, #tpu.memory_space<hbm>>
      %dma_wait3A_235 = tpu.memref_squeeze %dma_wait3A_234 : memref<1x1x64x128xi32, #tpu.memory_space<hbm>> -> memref<64x128xi32, #tpu.memory_space<hbm>>
      %dma_wait3A_236 = arith.constant 0 : i32
      %dma_wait3A_237 = arith.constant 0 : i32
      %dma_wait3A_238 = tpu.memref_slice %arg4[%dma_wait3A_230, %dma_wait3A_231, %dma_wait3A_236, %dma_wait3A_237] : memref<9x4x10240x128xi32, #tpu.memory_space<hbm>> -> memref<1x1x64x128xi32, #tpu.memory_space<hbm>>
      %dma_wait3A_239 = tpu.memref_squeeze %dma_wait3A_238 : memref<1x1x64x128xi32, #tpu.memory_space<hbm>> -> memref<64x128xi32, #tpu.memory_space<hbm>>
      tpu.wait_dma2 semaphore(%arg19 : memref<!tpu.dma_semaphore, #tpu.memory_space<semaphore_mem>>) src(%arg8 : memref<64x128xi32, #tpu.memory_space<vmem>>) dst(%dma_wait3A_239 : memref<64x128xi32, #tpu.memory_space<hbm>>)
      %dma_start3A_240 = arith.constant 0 : i32
      %dma_start3A_241 = tpu.memref_slice %arg6[%select_n3A_213, %select_n3A_229, %dma_start3A_240] : memref<9x5x64xi32, #tpu.memory_space<vmem>> -> memref<1x1x64xi32, #tpu.memory_space<vmem>>
      %dma_start3A_242 = tpu.memref_squeeze %dma_start3A_241 : memref<1x1x64xi32, #tpu.memory_space<vmem>> -> memref<64xi32, #tpu.memory_space<vmem>>
      %dma_start3A_243 = arith.constant 0 : i32
      %dma_start3A_244 = arith.constant 0 : i32
      %dma_start3A_245 = tpu.memref_slice %arg5[%dma_start3A_243, %dma_start3A_244] : memref<10112x128xi32, #tpu.memory_space<vmem_shared>> -> memref<10112x128xi32, #tpu.memory_space<vmem_shared>>
      tpu.enqueue_indirect_dma source(%dma_start3A_245 : memref<10112x128xi32, #tpu.memory_space<vmem_shared>>) target(%arg8 : memref<64x128xi32, #tpu.memory_space<vmem>>) offsets(%dma_start3A_242 : memref<64xi32, #tpu.memory_space<vmem>>) semaphore(%arg14 : memref<!tpu.dma_semaphore, #tpu.memory_space<semaphore_mem>>)
      %mul3A_246 = arith.constant 5 : i32
      %mul3A_247 = arith.muli %scan3A_135, %mul3A_246 : i32
      %add3A_248 = arith.constant 2 : i32
      %add3A_249 = arith.addi %mul3A_247, %add3A_248 : i32
      %jit3A_250 = arith.constant 5 : i32
      %div3A_251 = arith.divsi %add3A_249, %jit3A_250 : i32
      %sign3A_252 = arith.constant 0 : i32
      %sign3A_253 = arith.cmpi sgt, %add3A_249, %sign3A_252 : i32
      %sign3A_254 = arith.extui %sign3A_253 : i1 to i32
      %sign3A_255 = arith.constant 0 : i32
      %sign3A_256 = arith.cmpi slt, %add3A_249, %sign3A_255 : i32
      %sign3A_257 = arith.extui %sign3A_256 : i1 to i32
      %sign3A_258 = arith.subi %sign3A_254, %sign3A_257 : i32
      %sign3A_259 = arith.constant 0 : i32
      %sign3A_260 = arith.cmpi sgt, %jit3A_250, %sign3A_259 : i32
      %sign3A_261 = arith.extui %sign3A_260 : i1 to i32
      %sign3A_262 = arith.constant 0 : i32
      %sign3A_263 = arith.cmpi slt, %jit3A_250, %sign3A_262 : i32
      %sign3A_264 = arith.extui %sign3A_263 : i1 to i32
      %sign3A_265 = arith.subi %sign3A_261, %sign3A_264 : i32
      %ne3A_266 = arith.cmpi ne, %sign3A_258, %sign3A_265 : i32
      %rem3A_267 = arith.remsi %add3A_249, %jit3A_250 : i32
      %ne3A_268 = arith.constant 0 : i32
      %ne3A_269 = arith.cmpi ne, %rem3A_267, %ne3A_268 : i32
      %and3A_270 = arith.andi %ne3A_266, %ne3A_269 : i1
      %sub3A_271 = arith.constant 1 : i32
      %sub3A_272 = arith.subi %div3A_251, %sub3A_271 : i32
      %select_n3A_273 = arith.select %and3A_270, %sub3A_272, %div3A_251 : i32
      %jit3A_274 = arith.constant 5 : i32
      %eq3A_275 = arith.constant 0 : i32
      %eq3A_276 = arith.cmpi eq, %jit3A_274, %eq3A_275 : i32
      %jit3A_277 = arith.constant 1 : i32
      %select_n3A_278 = arith.select %eq3A_276, %jit3A_277, %jit3A_274 : i32
      %rem3A_279 = arith.remsi %add3A_249, %select_n3A_278 : i32
      %ne3A_280 = arith.constant 0 : i32
      %ne3A_281 = arith.cmpi ne, %rem3A_279, %ne3A_280 : i32
      %lt3A_282 = arith.constant 0 : i32
      %lt3A_283 = arith.cmpi slt, %rem3A_279, %lt3A_282 : i32
      %lt3A_284 = arith.constant 0 : i32
      %lt3A_285 = arith.cmpi slt, %select_n3A_278, %lt3A_284 : i32
      %ne3A_286 = arith.xori %lt3A_283, %lt3A_285 : i1
      %and3A_287 = arith.andi %ne3A_286, %ne3A_281 : i1
      %add3A_288 = arith.addi %rem3A_279, %select_n3A_278 : i32
      %select_n3A_289 = arith.select %and3A_287, %add3A_288, %rem3A_279 : i32
      %dma_wait3A_290 = arith.constant 0 : i32
      %dma_wait3A_291 = arith.constant 0 : i32
      %dma_wait3A_292 = arith.constant 0 : i32
      %dma_wait3A_293 = arith.constant 0 : i32
      %dma_wait3A_294 = tpu.memref_slice %arg4[%dma_wait3A_290, %dma_wait3A_291, %dma_wait3A_292, %dma_wait3A_293] : memref<9x4x10240x128xi32, #tpu.memory_space<hbm>> -> memref<1x1x64x128xi32, #tpu.memory_space<hbm>>
      %dma_wait3A_295 = tpu.memref_squeeze %dma_wait3A_294 : memref<1x1x64x128xi32, #tpu.memory_space<hbm>> -> memref<64x128xi32, #tpu.memory_space<hbm>>
      %dma_wait3A_296 = arith.constant 0 : i32
      %dma_wait3A_297 = arith.constant 0 : i32
      %dma_wait3A_298 = tpu.memref_slice %arg4[%dma_wait3A_290, %dma_wait3A_291, %dma_wait3A_296, %dma_wait3A_297] : memref<9x4x10240x128xi32, #tpu.memory_space<hbm>> -> memref<1x1x64x128xi32, #tpu.memory_space<hbm>>
      %dma_wait3A_299 = tpu.memref_squeeze %dma_wait3A_298 : memref<1x1x64x128xi32, #tpu.memory_space<hbm>> -> memref<64x128xi32, #tpu.memory_space<hbm>>
      tpu.wait_dma2 semaphore(%arg20 : memref<!tpu.dma_semaphore, #tpu.memory_space<semaphore_mem>>) src(%arg9 : memref<64x128xi32, #tpu.memory_space<vmem>>) dst(%dma_wait3A_299 : memref<64x128xi32, #tpu.memory_space<hbm>>)
      %dma_start3A_300 = arith.constant 0 : i32
      %dma_start3A_301 = tpu.memref_slice %arg6[%select_n3A_273, %select_n3A_289, %dma_start3A_300] : memref<9x5x64xi32, #tpu.memory_space<vmem>> -> memref<1x1x64xi32, #tpu.memory_space<vmem>>
      %dma_start3A_302 = tpu.memref_squeeze %dma_start3A_301 : memref<1x1x64xi32, #tpu.memory_space<vmem>> -> memref<64xi32, #tpu.memory_space<vmem>>
      %dma_start3A_303 = arith.constant 0 : i32
      %dma_start3A_304 = arith.constant 0 : i32
      %dma_start3A_305 = tpu.memref_slice %arg5[%dma_start3A_303, %dma_start3A_304] : memref<10112x128xi32, #tpu.memory_space<vmem_shared>> -> memref<10112x128xi32, #tpu.memory_space<vmem_shared>>
      tpu.enqueue_indirect_dma source(%dma_start3A_305 : memref<10112x128xi32, #tpu.memory_space<vmem_shared>>) target(%arg9 : memref<64x128xi32, #tpu.memory_space<vmem>>) offsets(%dma_start3A_302 : memref<64xi32, #tpu.memory_space<vmem>>) semaphore(%arg15 : memref<!tpu.dma_semaphore, #tpu.memory_space<semaphore_mem>>)
      %mul3A_306 = arith.constant 5 : i32
      %mul3A_307 = arith.muli %scan3A_135, %mul3A_306 : i32
      %add3A_308 = arith.constant 3 : i32
      %add3A_309 = arith.addi %mul3A_307, %add3A_308 : i32
      %jit3A_310 = arith.constant 5 : i32
      %div3A_311 = arith.divsi %add3A_309, %jit3A_310 : i32
      %sign3A_312 = arith.constant 0 : i32
      %sign3A_313 = arith.cmpi sgt, %add3A_309, %sign3A_312 : i32
      %sign3A_314 = arith.extui %sign3A_313 : i1 to i32
      %sign3A_315 = arith.constant 0 : i32
      %sign3A_316 = arith.cmpi slt, %add3A_309, %sign3A_315 : i32
      %sign3A_317 = arith.extui %sign3A_316 : i1 to i32
      %sign3A_318 = arith.subi %sign3A_314, %sign3A_317 : i32
      %sign3A_319 = arith.constant 0 : i32
      %sign3A_320 = arith.cmpi sgt, %jit3A_310, %sign3A_319 : i32
      %sign3A_321 = arith.extui %sign3A_320 : i1 to i32
      %sign3A_322 = arith.constant 0 : i32
      %sign3A_323 = arith.cmpi slt, %jit3A_310, %sign3A_322 : i32
      %sign3A_324 = arith.extui %sign3A_323 : i1 to i32
      %sign3A_325 = arith.subi %sign3A_321, %sign3A_324 : i32
      %ne3A_326 = arith.cmpi ne, %sign3A_318, %sign3A_325 : i32
      %rem3A_327 = arith.remsi %add3A_309, %jit3A_310 : i32
      %ne3A_328 = arith.constant 0 : i32
      %ne3A_329 = arith.cmpi ne, %rem3A_327, %ne3A_328 : i32
      %and3A_330 = arith.andi %ne3A_326, %ne3A_329 : i1
      %sub3A_331 = arith.constant 1 : i32
      %sub3A_332 = arith.subi %div3A_311, %sub3A_331 : i32
      %select_n3A_333 = arith.select %and3A_330, %sub3A_332, %div3A_311 : i32
      %jit3A_334 = arith.constant 5 : i32
      %eq3A_335 = arith.constant 0 : i32
      %eq3A_336 = arith.cmpi eq, %jit3A_334, %eq3A_335 : i32
      %jit3A_337 = arith.constant 1 : i32
      %select_n3A_338 = arith.select %eq3A_336, %jit3A_337, %jit3A_334 : i32
      %rem3A_339 = arith.remsi %add3A_309, %select_n3A_338 : i32
      %ne3A_340 = arith.constant 0 : i32
      %ne3A_341 = arith.cmpi ne, %rem3A_339, %ne3A_340 : i32
      %lt3A_342 = arith.constant 0 : i32
      %lt3A_343 = arith.cmpi slt, %rem3A_339, %lt3A_342 : i32
      %lt3A_344 = arith.constant 0 : i32
      %lt3A_345 = arith.cmpi slt, %select_n3A_338, %lt3A_344 : i32
      %ne3A_346 = arith.xori %lt3A_343, %lt3A_345 : i1
      %and3A_347 = arith.andi %ne3A_346, %ne3A_341 : i1
      %add3A_348 = arith.addi %rem3A_339, %select_n3A_338 : i32
      %select_n3A_349 = arith.select %and3A_347, %add3A_348, %rem3A_339 : i32
      %dma_wait3A_350 = arith.constant 0 : i32
      %dma_wait3A_351 = arith.constant 0 : i32
      %dma_wait3A_352 = arith.constant 0 : i32
      %dma_wait3A_353 = arith.constant 0 : i32
      %dma_wait3A_354 = tpu.memref_slice %arg4[%dma_wait3A_350, %dma_wait3A_351, %dma_wait3A_352, %dma_wait3A_353] : memref<9x4x10240x128xi32, #tpu.memory_space<hbm>> -> memref<1x1x64x128xi32, #tpu.memory_space<hbm>>
      %dma_wait3A_355 = tpu.memref_squeeze %dma_wait3A_354 : memref<1x1x64x128xi32, #tpu.memory_space<hbm>> -> memref<64x128xi32, #tpu.memory_space<hbm>>
      %dma_wait3A_356 = arith.constant 0 : i32
      %dma_wait3A_357 = arith.constant 0 : i32
      %dma_wait3A_358 = tpu.memref_slice %arg4[%dma_wait3A_350, %dma_wait3A_351, %dma_wait3A_356, %dma_wait3A_357] : memref<9x4x10240x128xi32, #tpu.memory_space<hbm>> -> memref<1x1x64x128xi32, #tpu.memory_space<hbm>>
      %dma_wait3A_359 = tpu.memref_squeeze %dma_wait3A_358 : memref<1x1x64x128xi32, #tpu.memory_space<hbm>> -> memref<64x128xi32, #tpu.memory_space<hbm>>
      tpu.wait_dma2 semaphore(%arg21 : memref<!tpu.dma_semaphore, #tpu.memory_space<semaphore_mem>>) src(%arg10 : memref<64x128xi32, #tpu.memory_space<vmem>>) dst(%dma_wait3A_359 : memref<64x128xi32, #tpu.memory_space<hbm>>)
      %dma_start3A_360 = arith.constant 0 : i32
      %dma_start3A_361 = tpu.memref_slice %arg6[%select_n3A_333, %select_n3A_349, %dma_start3A_360] : memref<9x5x64xi32, #tpu.memory_space<vmem>> -> memref<1x1x64xi32, #tpu.memory_space<vmem>>
      %dma_start3A_362 = tpu.memref_squeeze %dma_start3A_361 : memref<1x1x64xi32, #tpu.memory_space<vmem>> -> memref<64xi32, #tpu.memory_space<vmem>>
      %dma_start3A_363 = arith.constant 0 : i32
      %dma_start3A_364 = arith.constant 0 : i32
      %dma_start3A_365 = tpu.memref_slice %arg5[%dma_start3A_363, %dma_start3A_364] : memref<10112x128xi32, #tpu.memory_space<vmem_shared>> -> memref<10112x128xi32, #tpu.memory_space<vmem_shared>>
      tpu.enqueue_indirect_dma source(%dma_start3A_365 : memref<10112x128xi32, #tpu.memory_space<vmem_shared>>) target(%arg10 : memref<64x128xi32, #tpu.memory_space<vmem>>) offsets(%dma_start3A_362 : memref<64xi32, #tpu.memory_space<vmem>>) semaphore(%arg16 : memref<!tpu.dma_semaphore, #tpu.memory_space<semaphore_mem>>)
      %mul3A_366 = arith.constant 5 : i32
      %mul3A_367 = arith.muli %scan3A_135, %mul3A_366 : i32
      %add3A_368 = arith.constant 4 : i32
      %add3A_369 = arith.addi %mul3A_367, %add3A_368 : i32
      %jit3A_370 = arith.constant 5 : i32
      %div3A_371 = arith.divsi %add3A_369, %jit3A_370 : i32
      %sign3A_372 = arith.constant 0 : i32
      %sign3A_373 = arith.cmpi sgt, %add3A_369, %sign3A_372 : i32
      %sign3A_374 = arith.extui %sign3A_373 : i1 to i32
      %sign3A_375 = arith.constant 0 : i32
      %sign3A_376 = arith.cmpi slt, %add3A_369, %sign3A_375 : i32
      %sign3A_377 = arith.extui %sign3A_376 : i1 to i32
      %sign3A_378 = arith.subi %sign3A_374, %sign3A_377 : i32
      %sign3A_379 = arith.constant 0 : i32
      %sign3A_380 = arith.cmpi sgt, %jit3A_370, %sign3A_379 : i32
      %sign3A_381 = arith.extui %sign3A_380 : i1 to i32
      %sign3A_382 = arith.constant 0 : i32
      %sign3A_383 = arith.cmpi slt, %jit3A_370, %sign3A_382 : i32
      %sign3A_384 = arith.extui %sign3A_383 : i1 to i32
      %sign3A_385 = arith.subi %sign3A_381, %sign3A_384 : i32
      %ne3A_386 = arith.cmpi ne, %sign3A_378, %sign3A_385 : i32
      %rem3A_387 = arith.remsi %add3A_369, %jit3A_370 : i32
      %ne3A_388 = arith.constant 0 : i32
      %ne3A_389 = arith.cmpi ne, %rem3A_387, %ne3A_388 : i32
      %and3A_390 = arith.andi %ne3A_386, %ne3A_389 : i1
      %sub3A_391 = arith.constant 1 : i32
      %sub3A_392 = arith.subi %div3A_371, %sub3A_391 : i32
      %select_n3A_393 = arith.select %and3A_390, %sub3A_392, %div3A_371 : i32
      %jit3A_394 = arith.constant 5 : i32
      %eq3A_395 = arith.constant 0 : i32
      %eq3A_396 = arith.cmpi eq, %jit3A_394, %eq3A_395 : i32
      %jit3A_397 = arith.constant 1 : i32
      %select_n3A_398 = arith.select %eq3A_396, %jit3A_397, %jit3A_394 : i32
      %rem3A_399 = arith.remsi %add3A_369, %select_n3A_398 : i32
      %ne3A_400 = arith.constant 0 : i32
      %ne3A_401 = arith.cmpi ne, %rem3A_399, %ne3A_400 : i32
      %lt3A_402 = arith.constant 0 : i32
      %lt3A_403 = arith.cmpi slt, %rem3A_399, %lt3A_402 : i32
      %lt3A_404 = arith.constant 0 : i32
      %lt3A_405 = arith.cmpi slt, %select_n3A_398, %lt3A_404 : i32
      %ne3A_406 = arith.xori %lt3A_403, %lt3A_405 : i1
      %and3A_407 = arith.andi %ne3A_406, %ne3A_401 : i1
      %add3A_408 = arith.addi %rem3A_399, %select_n3A_398 : i32
      %select_n3A_409 = arith.select %and3A_407, %add3A_408, %rem3A_399 : i32
      %dma_wait3A_410 = arith.constant 0 : i32
      %dma_wait3A_411 = arith.constant 0 : i32
      %dma_wait3A_412 = arith.constant 0 : i32
      %dma_wait3A_413 = arith.constant 0 : i32
      %dma_wait3A_414 = tpu.memref_slice %arg4[%dma_wait3A_410, %dma_wait3A_411, %dma_wait3A_412, %dma_wait3A_413] : memref<9x4x10240x128xi32, #tpu.memory_space<hbm>> -> memref<1x1x64x128xi32, #tpu.memory_space<hbm>>
      %dma_wait3A_415 = tpu.memref_squeeze %dma_wait3A_414 : memref<1x1x64x128xi32, #tpu.memory_space<hbm>> -> memref<64x128xi32, #tpu.memory_space<hbm>>
      %dma_wait3A_416 = arith.constant 0 : i32
      %dma_wait3A_417 = arith.constant 0 : i32
      %dma_wait3A_418 = tpu.memref_slice %arg4[%dma_wait3A_410, %dma_wait3A_411, %dma_wait3A_416, %dma_wait3A_417] : memref<9x4x10240x128xi32, #tpu.memory_space<hbm>> -> memref<1x1x64x128xi32, #tpu.memory_space<hbm>>
      %dma_wait3A_419 = tpu.memref_squeeze %dma_wait3A_418 : memref<1x1x64x128xi32, #tpu.memory_space<hbm>> -> memref<64x128xi32, #tpu.memory_space<hbm>>
      tpu.wait_dma2 semaphore(%arg22 : memref<!tpu.dma_semaphore, #tpu.memory_space<semaphore_mem>>) src(%arg11 : memref<64x128xi32, #tpu.memory_space<vmem>>) dst(%dma_wait3A_419 : memref<64x128xi32, #tpu.memory_space<hbm>>)
      %dma_start3A_420 = arith.constant 0 : i32
      %dma_start3A_421 = tpu.memref_slice %arg6[%select_n3A_393, %select_n3A_409, %dma_start3A_420] : memref<9x5x64xi32, #tpu.memory_space<vmem>> -> memref<1x1x64xi32, #tpu.memory_space<vmem>>
      %dma_start3A_422 = tpu.memref_squeeze %dma_start3A_421 : memref<1x1x64xi32, #tpu.memory_space<vmem>> -> memref<64xi32, #tpu.memory_space<vmem>>
      %dma_start3A_423 = arith.constant 0 : i32
      %dma_start3A_424 = arith.constant 0 : i32
      %dma_start3A_425 = tpu.memref_slice %arg5[%dma_start3A_423, %dma_start3A_424] : memref<10112x128xi32, #tpu.memory_space<vmem_shared>> -> memref<10112x128xi32, #tpu.memory_space<vmem_shared>>
      tpu.enqueue_indirect_dma source(%dma_start3A_425 : memref<10112x128xi32, #tpu.memory_space<vmem_shared>>) target(%arg11 : memref<64x128xi32, #tpu.memory_space<vmem>>) offsets(%dma_start3A_422 : memref<64xi32, #tpu.memory_space<vmem>>) semaphore(%arg17 : memref<!tpu.dma_semaphore, #tpu.memory_space<semaphore_mem>>)
      %mul3A_426 = arith.constant 5 : i32
      %mul3A_427 = arith.muli %scan3A_135, %mul3A_426 : i32
      %add3A_428 = arith.constant 0 : i32
      %add3A_429 = arith.addi %mul3A_427, %add3A_428 : i32
      %jit3A_430 = arith.constant 5 : i32
      %div3A_431 = arith.divsi %add3A_429, %jit3A_430 : i32
      %sign3A_432 = arith.constant 0 : i32
      %sign3A_433 = arith.cmpi sgt, %add3A_429, %sign3A_432 : i32
      %sign3A_434 = arith.extui %sign3A_433 : i1 to i32
      %sign3A_435 = arith.constant 0 : i32
      %sign3A_436 = arith.cmpi slt, %add3A_429, %sign3A_435 : i32
      %sign3A_437 = arith.extui %sign3A_436 : i1 to i32
      %sign3A_438 = arith.subi %sign3A_434, %sign3A_437 : i32
      %sign3A_439 = arith.constant 0 : i32
      %sign3A_440 = arith.cmpi sgt, %jit3A_430, %sign3A_439 : i32
      %sign3A_441 = arith.extui %sign3A_440 : i1 to i32
      %sign3A_442 = arith.constant 0 : i32
      %sign3A_443 = arith.cmpi slt, %jit3A_430, %sign3A_442 : i32
      %sign3A_444 = arith.extui %sign3A_443 : i1 to i32
      %sign3A_445 = arith.subi %sign3A_441, %sign3A_444 : i32
      %ne3A_446 = arith.cmpi ne, %sign3A_438, %sign3A_445 : i32
      %rem3A_447 = arith.remsi %add3A_429, %jit3A_430 : i32
      %ne3A_448 = arith.constant 0 : i32
      %ne3A_449 = arith.cmpi ne, %rem3A_447, %ne3A_448 : i32
      %and3A_450 = arith.andi %ne3A_446, %ne3A_449 : i1
      %sub3A_451 = arith.constant 1 : i32
      %sub3A_452 = arith.subi %div3A_431, %sub3A_451 : i32
      %select_n3A_453 = arith.select %and3A_450, %sub3A_452, %div3A_431 : i32
      %jit3A_454 = arith.constant 5 : i32
      %eq3A_455 = arith.constant 0 : i32
      %eq3A_456 = arith.cmpi eq, %jit3A_454, %eq3A_455 : i32
      %jit3A_457 = arith.constant 1 : i32
      %select_n3A_458 = arith.select %eq3A_456, %jit3A_457, %jit3A_454 : i32
      %rem3A_459 = arith.remsi %add3A_429, %select_n3A_458 : i32
      %ne3A_460 = arith.constant 0 : i32
      %ne3A_461 = arith.cmpi ne, %rem3A_459, %ne3A_460 : i32
      %lt3A_462 = arith.constant 0 : i32
      %lt3A_463 = arith.cmpi slt, %rem3A_459, %lt3A_462 : i32
      %lt3A_464 = arith.constant 0 : i32
      %lt3A_465 = arith.cmpi slt, %select_n3A_458, %lt3A_464 : i32
      %ne3A_466 = arith.xori %lt3A_463, %lt3A_465 : i1
      %and3A_467 = arith.andi %ne3A_466, %ne3A_461 : i1
      %add3A_468 = arith.addi %rem3A_459, %select_n3A_458 : i32
      %select_n3A_469 = arith.select %and3A_467, %add3A_468, %rem3A_459 : i32
      %mul3A_470 = arith.constant 32 : i32
      %mul3A_471 = arith.muli %mul3A_470, %select_n3A_469 : i32
      %add3A_472 = arith.addi %add3A, %mul3A_471 : i32
      %dma_wait3A_473 = arith.constant 0 : i32
      %dma_wait3A_474 = tpu.memref_slice %arg6[%select_n3A, %select_n3A_169, %dma_wait3A_473] : memref<9x5x64xi32, #tpu.memory_space<vmem>> -> memref<1x1x64xi32, #tpu.memory_space<vmem>>
      %dma_wait3A_475 = tpu.memref_squeeze %dma_wait3A_474 : memref<1x1x64xi32, #tpu.memory_space<vmem>> -> memref<64xi32, #tpu.memory_space<vmem>>
      %dma_wait3A_476 = arith.constant 0 : i32
      %dma_wait3A_477 = arith.constant 0 : i32
      %dma_wait3A_478 = tpu.memref_slice %arg5[%dma_wait3A_476, %dma_wait3A_477] : memref<10112x128xi32, #tpu.memory_space<vmem_shared>> -> memref<10112x128xi32, #tpu.memory_space<vmem_shared>>
      tpu.wait_indirect_dma semaphore(%arg13 : memref<!tpu.dma_semaphore, #tpu.memory_space<semaphore_mem>>) src(%dma_wait3A_478 : memref<10112x128xi32, #tpu.memory_space<vmem_shared>>) dst(%arg7 : memref<64x128xi32, #tpu.memory_space<vmem>>)
      %mul3A_479 = arith.constant 64 : i32
      %mul3A_480 = arith.muli %add3A_472, %mul3A_479 : i32
      %dma_start3A_481 = arith.constant 1 : i32
      %dma_start3A_482 = arith.constant 0 : i32
      %dma_start3A_483 = tpu.memref_slice %arg4[%select_n3A_453, %dma_start3A_481, %mul3A_480, %dma_start3A_482] : memref<9x4x10240x128xi32, #tpu.memory_space<hbm>> -> memref<1x1x64x128xi32, #tpu.memory_space<hbm>>
      %dma_start3A_484 = tpu.memref_squeeze %dma_start3A_483 : memref<1x1x64x128xi32, #tpu.memory_space<hbm>> -> memref<64x128xi32, #tpu.memory_space<hbm>>
      %dma_start3A_485 = arith.constant 0 : i32
      %dma_start3A_486 = tpu.memref_slice %arg4[%select_n3A_453, %dma_start3A_481, %mul3A_480, %dma_start3A_485] : memref<9x4x10240x128xi32, #tpu.memory_space<hbm>> -> memref<1x1x64x128xi32, #tpu.memory_space<hbm>>
      %dma_start3A_487 = tpu.memref_squeeze %dma_start3A_486 : memref<1x1x64x128xi32, #tpu.memory_space<hbm>> -> memref<64x128xi32, #tpu.memory_space<hbm>>
      tpu.enqueue_dma source(%arg7 : memref<64x128xi32, #tpu.memory_space<vmem>>) target(%dma_start3A_487 : memref<64x128xi32, #tpu.memory_space<hbm>>) target_semaphore(%arg18 : memref<!tpu.dma_semaphore, #tpu.memory_space<semaphore_mem>>)
      %mul3A_488 = arith.constant 5 : i32
      %mul3A_489 = arith.muli %scan3A_135, %mul3A_488 : i32
      %add3A_490 = arith.constant 1 : i32
      %add3A_491 = arith.addi %mul3A_489, %add3A_490 : i32
      %jit3A_492 = arith.constant 5 : i32
      %div3A_493 = arith.divsi %add3A_491, %jit3A_492 : i32
      %sign3A_494 = arith.constant 0 : i32
      %sign3A_495 = arith.cmpi sgt, %add3A_491, %sign3A_494 : i32
      %sign3A_496 = arith.extui %sign3A_495 : i1 to i32
      %sign3A_497 = arith.constant 0 : i32
      %sign3A_498 = arith.cmpi slt, %add3A_491, %sign3A_497 : i32
      %sign3A_499 = arith.extui %sign3A_498 : i1 to i32
      %sign3A_500 = arith.subi %sign3A_496, %sign3A_499 : i32
      %sign3A_501 = arith.constant 0 : i32
      %sign3A_502 = arith.cmpi sgt, %jit3A_492, %sign3A_501 : i32
      %sign3A_503 = arith.extui %sign3A_502 : i1 to i32
      %sign3A_504 = arith.constant 0 : i32
      %sign3A_505 = arith.cmpi slt, %jit3A_492, %sign3A_504 : i32
      %sign3A_506 = arith.extui %sign3A_505 : i1 to i32
      %sign3A_507 = arith.subi %sign3A_503, %sign3A_506 : i32
      %ne3A_508 = arith.cmpi ne, %sign3A_500, %sign3A_507 : i32
      %rem3A_509 = arith.remsi %add3A_491, %jit3A_492 : i32
      %ne3A_510 = arith.constant 0 : i32
      %ne3A_511 = arith.cmpi ne, %rem3A_509, %ne3A_510 : i32
      %and3A_512 = arith.andi %ne3A_508, %ne3A_511 : i1
      %sub3A_513 = arith.constant 1 : i32
      %sub3A_514 = arith.subi %div3A_493, %sub3A_513 : i32
      %select_n3A_515 = arith.select %and3A_512, %sub3A_514, %div3A_493 : i32
      %jit3A_516 = arith.constant 5 : i32
      %eq3A_517 = arith.constant 0 : i32
      %eq3A_518 = arith.cmpi eq, %jit3A_516, %eq3A_517 : i32
      %jit3A_519 = arith.constant 1 : i32
      %select_n3A_520 = arith.select %eq3A_518, %jit3A_519, %jit3A_516 : i32
      %rem3A_521 = arith.remsi %add3A_491, %select_n3A_520 : i32
      %ne3A_522 = arith.constant 0 : i32
      %ne3A_523 = arith.cmpi ne, %rem3A_521, %ne3A_522 : i32
      %lt3A_524 = arith.constant 0 : i32
      %lt3A_525 = arith.cmpi slt, %rem3A_521, %lt3A_524 : i32
      %lt3A_526 = arith.constant 0 : i32
      %lt3A_527 = arith.cmpi slt, %select_n3A_520, %lt3A_526 : i32
      %ne3A_528 = arith.xori %lt3A_525, %lt3A_527 : i1
      %and3A_529 = arith.andi %ne3A_528, %ne3A_523 : i1
      %add3A_530 = arith.addi %rem3A_521, %select_n3A_520 : i32
      %select_n3A_531 = arith.select %and3A_529, %add3A_530, %rem3A_521 : i32
      %mul3A_532 = arith.constant 32 : i32
      %mul3A_533 = arith.muli %mul3A_532, %select_n3A_531 : i32
      %add3A_534 = arith.addi %add3A, %mul3A_533 : i32
      %dma_wait3A_535 = arith.constant 0 : i32
      %dma_wait3A_536 = tpu.memref_slice %arg6[%select_n3A_213, %select_n3A_229, %dma_wait3A_535] : memref<9x5x64xi32, #tpu.memory_space<vmem>> -> memref<1x1x64xi32, #tpu.memory_space<vmem>>
      %dma_wait3A_537 = tpu.memref_squeeze %dma_wait3A_536 : memref<1x1x64xi32, #tpu.memory_space<vmem>> -> memref<64xi32, #tpu.memory_space<vmem>>
      %dma_wait3A_538 = arith.constant 0 : i32
      %dma_wait3A_539 = arith.constant 0 : i32
      %dma_wait3A_540 = tpu.memref_slice %arg5[%dma_wait3A_538, %dma_wait3A_539] : memref<10112x128xi32, #tpu.memory_space<vmem_shared>> -> memref<10112x128xi32, #tpu.memory_space<vmem_shared>>
      tpu.wait_indirect_dma semaphore(%arg14 : memref<!tpu.dma_semaphore, #tpu.memory_space<semaphore_mem>>) src(%dma_wait3A_540 : memref<10112x128xi32, #tpu.memory_space<vmem_shared>>) dst(%arg8 : memref<64x128xi32, #tpu.memory_space<vmem>>)
      %mul3A_541 = arith.constant 64 : i32
      %mul3A_542 = arith.muli %add3A_534, %mul3A_541 : i32
      %dma_start3A_543 = arith.constant 1 : i32
      %dma_start3A_544 = arith.constant 0 : i32
      %dma_start3A_545 = tpu.memref_slice %arg4[%select_n3A_515, %dma_start3A_543, %mul3A_542, %dma_start3A_544] : memref<9x4x10240x128xi32, #tpu.memory_space<hbm>> -> memref<1x1x64x128xi32, #tpu.memory_space<hbm>>
      %dma_start3A_546 = tpu.memref_squeeze %dma_start3A_545 : memref<1x1x64x128xi32, #tpu.memory_space<hbm>> -> memref<64x128xi32, #tpu.memory_space<hbm>>
      %dma_start3A_547 = arith.constant 0 : i32
      %dma_start3A_548 = tpu.memref_slice %arg4[%select_n3A_515, %dma_start3A_543, %mul3A_542, %dma_start3A_547] : memref<9x4x10240x128xi32, #tpu.memory_space<hbm>> -> memref<1x1x64x128xi32, #tpu.memory_space<hbm>>
      %dma_start3A_549 = tpu.memref_squeeze %dma_start3A_548 : memref<1x1x64x128xi32, #tpu.memory_space<hbm>> -> memref<64x128xi32, #tpu.memory_space<hbm>>
      tpu.enqueue_dma source(%arg8 : memref<64x128xi32, #tpu.memory_space<vmem>>) target(%dma_start3A_549 : memref<64x128xi32, #tpu.memory_space<hbm>>) target_semaphore(%arg19 : memref<!tpu.dma_semaphore, #tpu.memory_space<semaphore_mem>>)
      %mul3A_550 = arith.constant 5 : i32
      %mul3A_551 = arith.muli %scan3A_135, %mul3A_550 : i32
      %add3A_552 = arith.constant 2 : i32
      %add3A_553 = arith.addi %mul3A_551, %add3A_552 : i32
      %jit3A_554 = arith.constant 5 : i32
      %div3A_555 = arith.divsi %add3A_553, %jit3A_554 : i32
      %sign3A_556 = arith.constant 0 : i32
      %sign3A_557 = arith.cmpi sgt, %add3A_553, %sign3A_556 : i32
      %sign3A_558 = arith.extui %sign3A_557 : i1 to i32
      %sign3A_559 = arith.constant 0 : i32
      %sign3A_560 = arith.cmpi slt, %add3A_553, %sign3A_559 : i32
      %sign3A_561 = arith.extui %sign3A_560 : i1 to i32
      %sign3A_562 = arith.subi %sign3A_558, %sign3A_561 : i32
      %sign3A_563 = arith.constant 0 : i32
      %sign3A_564 = arith.cmpi sgt, %jit3A_554, %sign3A_563 : i32
      %sign3A_565 = arith.extui %sign3A_564 : i1 to i32
      %sign3A_566 = arith.constant 0 : i32
      %sign3A_567 = arith.cmpi slt, %jit3A_554, %sign3A_566 : i32
      %sign3A_568 = arith.extui %sign3A_567 : i1 to i32
      %sign3A_569 = arith.subi %sign3A_565, %sign3A_568 : i32
      %ne3A_570 = arith.cmpi ne, %sign3A_562, %sign3A_569 : i32
      %rem3A_571 = arith.remsi %add3A_553, %jit3A_554 : i32
      %ne3A_572 = arith.constant 0 : i32
      %ne3A_573 = arith.cmpi ne, %rem3A_571, %ne3A_572 : i32
      %and3A_574 = arith.andi %ne3A_570, %ne3A_573 : i1
      %sub3A_575 = arith.constant 1 : i32
      %sub3A_576 = arith.subi %div3A_555, %sub3A_575 : i32
      %select_n3A_577 = arith.select %and3A_574, %sub3A_576, %div3A_555 : i32
      %jit3A_578 = arith.constant 5 : i32
      %eq3A_579 = arith.constant 0 : i32
      %eq3A_580 = arith.cmpi eq, %jit3A_578, %eq3A_579 : i32
      %jit3A_581 = arith.constant 1 : i32
      %select_n3A_582 = arith.select %eq3A_580, %jit3A_581, %jit3A_578 : i32
      %rem3A_583 = arith.remsi %add3A_553, %select_n3A_582 : i32
      %ne3A_584 = arith.constant 0 : i32
      %ne3A_585 = arith.cmpi ne, %rem3A_583, %ne3A_584 : i32
      %lt3A_586 = arith.constant 0 : i32
      %lt3A_587 = arith.cmpi slt, %rem3A_583, %lt3A_586 : i32
      %lt3A_588 = arith.constant 0 : i32
      %lt3A_589 = arith.cmpi slt, %select_n3A_582, %lt3A_588 : i32
      %ne3A_590 = arith.xori %lt3A_587, %lt3A_589 : i1
      %and3A_591 = arith.andi %ne3A_590, %ne3A_585 : i1
      %add3A_592 = arith.addi %rem3A_583, %select_n3A_582 : i32
      %select_n3A_593 = arith.select %and3A_591, %add3A_592, %rem3A_583 : i32
      %mul3A_594 = arith.constant 32 : i32
      %mul3A_595 = arith.muli %mul3A_594, %select_n3A_593 : i32
      %add3A_596 = arith.addi %add3A, %mul3A_595 : i32
      %dma_wait3A_597 = arith.constant 0 : i32
      %dma_wait3A_598 = tpu.memref_slice %arg6[%select_n3A_273, %select_n3A_289, %dma_wait3A_597] : memref<9x5x64xi32, #tpu.memory_space<vmem>> -> memref<1x1x64xi32, #tpu.memory_space<vmem>>
      %dma_wait3A_599 = tpu.memref_squeeze %dma_wait3A_598 : memref<1x1x64xi32, #tpu.memory_space<vmem>> -> memref<64xi32, #tpu.memory_space<vmem>>
      %dma_wait3A_600 = arith.constant 0 : i32
      %dma_wait3A_601 = arith.constant 0 : i32
      %dma_wait3A_602 = tpu.memref_slice %arg5[%dma_wait3A_600, %dma_wait3A_601] : memref<10112x128xi32, #tpu.memory_space<vmem_shared>> -> memref<10112x128xi32, #tpu.memory_space<vmem_shared>>
      tpu.wait_indirect_dma semaphore(%arg15 : memref<!tpu.dma_semaphore, #tpu.memory_space<semaphore_mem>>) src(%dma_wait3A_602 : memref<10112x128xi32, #tpu.memory_space<vmem_shared>>) dst(%arg9 : memref<64x128xi32, #tpu.memory_space<vmem>>)
      %mul3A_603 = arith.constant 64 : i32
      %mul3A_604 = arith.muli %add3A_596, %mul3A_603 : i32
      %dma_start3A_605 = arith.constant 1 : i32
      %dma_start3A_606 = arith.constant 0 : i32
      %dma_start3A_607 = tpu.memref_slice %arg4[%select_n3A_577, %dma_start3A_605, %mul3A_604, %dma_start3A_606] : memref<9x4x10240x128xi32, #tpu.memory_space<hbm>> -> memref<1x1x64x128xi32, #tpu.memory_space<hbm>>
      %dma_start3A_608 = tpu.memref_squeeze %dma_start3A_607 : memref<1x1x64x128xi32, #tpu.memory_space<hbm>> -> memref<64x128xi32, #tpu.memory_space<hbm>>
      %dma_start3A_609 = arith.constant 0 : i32
      %dma_start3A_610 = tpu.memref_slice %arg4[%select_n3A_577, %dma_start3A_605, %mul3A_604, %dma_start3A_609] : memref<9x4x10240x128xi32, #tpu.memory_space<hbm>> -> memref<1x1x64x128xi32, #tpu.memory_space<hbm>>
      %dma_start3A_611 = tpu.memref_squeeze %dma_start3A_610 : memref<1x1x64x128xi32, #tpu.memory_space<hbm>> -> memref<64x128xi32, #tpu.memory_space<hbm>>
      tpu.enqueue_dma source(%arg9 : memref<64x128xi32, #tpu.memory_space<vmem>>) target(%dma_start3A_611 : memref<64x128xi32, #tpu.memory_space<hbm>>) target_semaphore(%arg20 : memref<!tpu.dma_semaphore, #tpu.memory_space<semaphore_mem>>)
      %mul3A_612 = arith.constant 5 : i32
      %mul3A_613 = arith.muli %scan3A_135, %mul3A_612 : i32
      %add3A_614 = arith.constant 3 : i32
      %add3A_615 = arith.addi %mul3A_613, %add3A_614 : i32
      %jit3A_616 = arith.constant 5 : i32
      %div3A_617 = arith.divsi %add3A_615, %jit3A_616 : i32
      %sign3A_618 = arith.constant 0 : i32
      %sign3A_619 = arith.cmpi sgt, %add3A_615, %sign3A_618 : i32
      %sign3A_620 = arith.extui %sign3A_619 : i1 to i32
      %sign3A_621 = arith.constant 0 : i32
      %sign3A_622 = arith.cmpi slt, %add3A_615, %sign3A_621 : i32
      %sign3A_623 = arith.extui %sign3A_622 : i1 to i32
      %sign3A_624 = arith.subi %sign3A_620, %sign3A_623 : i32
      %sign3A_625 = arith.constant 0 : i32
      %sign3A_626 = arith.cmpi sgt, %jit3A_616, %sign3A_625 : i32
      %sign3A_627 = arith.extui %sign3A_626 : i1 to i32
      %sign3A_628 = arith.constant 0 : i32
      %sign3A_629 = arith.cmpi slt, %jit3A_616, %sign3A_628 : i32
      %sign3A_630 = arith.extui %sign3A_629 : i1 to i32
      %sign3A_631 = arith.subi %sign3A_627, %sign3A_630 : i32
      %ne3A_632 = arith.cmpi ne, %sign3A_624, %sign3A_631 : i32
      %rem3A_633 = arith.remsi %add3A_615, %jit3A_616 : i32
      %ne3A_634 = arith.constant 0 : i32
      %ne3A_635 = arith.cmpi ne, %rem3A_633, %ne3A_634 : i32
      %and3A_636 = arith.andi %ne3A_632, %ne3A_635 : i1
      %sub3A_637 = arith.constant 1 : i32
      %sub3A_638 = arith.subi %div3A_617, %sub3A_637 : i32
      %select_n3A_639 = arith.select %and3A_636, %sub3A_638, %div3A_617 : i32
      %jit3A_640 = arith.constant 5 : i32
      %eq3A_641 = arith.constant 0 : i32
      %eq3A_642 = arith.cmpi eq, %jit3A_640, %eq3A_641 : i32
      %jit3A_643 = arith.constant 1 : i32
      %select_n3A_644 = arith.select %eq3A_642, %jit3A_643, %jit3A_640 : i32
      %rem3A_645 = arith.remsi %add3A_615, %select_n3A_644 : i32
      %ne3A_646 = arith.constant 0 : i32
      %ne3A_647 = arith.cmpi ne, %rem3A_645, %ne3A_646 : i32
      %lt3A_648 = arith.constant 0 : i32
      %lt3A_649 = arith.cmpi slt, %rem3A_645, %lt3A_648 : i32
      %lt3A_650 = arith.constant 0 : i32
      %lt3A_651 = arith.cmpi slt, %select_n3A_644, %lt3A_650 : i32
      %ne3A_652 = arith.xori %lt3A_649, %lt3A_651 : i1
      %and3A_653 = arith.andi %ne3A_652, %ne3A_647 : i1
      %add3A_654 = arith.addi %rem3A_645, %select_n3A_644 : i32
      %select_n3A_655 = arith.select %and3A_653, %add3A_654, %rem3A_645 : i32
      %mul3A_656 = arith.constant 32 : i32
      %mul3A_657 = arith.muli %mul3A_656, %select_n3A_655 : i32
      %add3A_658 = arith.addi %add3A, %mul3A_657 : i32
      %dma_wait3A_659 = arith.constant 0 : i32
      %dma_wait3A_660 = tpu.memref_slice %arg6[%select_n3A_333, %select_n3A_349, %dma_wait3A_659] : memref<9x5x64xi32, #tpu.memory_space<vmem>> -> memref<1x1x64xi32, #tpu.memory_space<vmem>>
      %dma_wait3A_661 = tpu.memref_squeeze %dma_wait3A_660 : memref<1x1x64xi32, #tpu.memory_space<vmem>> -> memref<64xi32, #tpu.memory_space<vmem>>
      %dma_wait3A_662 = arith.constant 0 : i32
      %dma_wait3A_663 = arith.constant 0 : i32
      %dma_wait3A_664 = tpu.memref_slice %arg5[%dma_wait3A_662, %dma_wait3A_663] : memref<10112x128xi32, #tpu.memory_space<vmem_shared>> -> memref<10112x128xi32, #tpu.memory_space<vmem_shared>>
      tpu.wait_indirect_dma semaphore(%arg16 : memref<!tpu.dma_semaphore, #tpu.memory_space<semaphore_mem>>) src(%dma_wait3A_664 : memref<10112x128xi32, #tpu.memory_space<vmem_shared>>) dst(%arg10 : memref<64x128xi32, #tpu.memory_space<vmem>>)
      %mul3A_665 = arith.constant 64 : i32
      %mul3A_666 = arith.muli %add3A_658, %mul3A_665 : i32
      %dma_start3A_667 = arith.constant 1 : i32
      %dma_start3A_668 = arith.constant 0 : i32
      %dma_start3A_669 = tpu.memref_slice %arg4[%select_n3A_639, %dma_start3A_667, %mul3A_666, %dma_start3A_668] : memref<9x4x10240x128xi32, #tpu.memory_space<hbm>> -> memref<1x1x64x128xi32, #tpu.memory_space<hbm>>
      %dma_start3A_670 = tpu.memref_squeeze %dma_start3A_669 : memref<1x1x64x128xi32, #tpu.memory_space<hbm>> -> memref<64x128xi32, #tpu.memory_space<hbm>>
      %dma_start3A_671 = arith.constant 0 : i32
      %dma_start3A_672 = tpu.memref_slice %arg4[%select_n3A_639, %dma_start3A_667, %mul3A_666, %dma_start3A_671] : memref<9x4x10240x128xi32, #tpu.memory_space<hbm>> -> memref<1x1x64x128xi32, #tpu.memory_space<hbm>>
      %dma_start3A_673 = tpu.memref_squeeze %dma_start3A_672 : memref<1x1x64x128xi32, #tpu.memory_space<hbm>> -> memref<64x128xi32, #tpu.memory_space<hbm>>
      tpu.enqueue_dma source(%arg10 : memref<64x128xi32, #tpu.memory_space<vmem>>) target(%dma_start3A_673 : memref<64x128xi32, #tpu.memory_space<hbm>>) target_semaphore(%arg21 : memref<!tpu.dma_semaphore, #tpu.memory_space<semaphore_mem>>)
      %mul3A_674 = arith.constant 5 : i32
      %mul3A_675 = arith.muli %scan3A_135, %mul3A_674 : i32
      %add3A_676 = arith.constant 4 : i32
      %add3A_677 = arith.addi %mul3A_675, %add3A_676 : i32
      %jit3A_678 = arith.constant 5 : i32
      %div3A_679 = arith.divsi %add3A_677, %jit3A_678 : i32
      %sign3A_680 = arith.constant 0 : i32
      %sign3A_681 = arith.cmpi sgt, %add3A_677, %sign3A_680 : i32
      %sign3A_682 = arith.extui %sign3A_681 : i1 to i32
      %sign3A_683 = arith.constant 0 : i32
      %sign3A_684 = arith.cmpi slt, %add3A_677, %sign3A_683 : i32
      %sign3A_685 = arith.extui %sign3A_684 : i1 to i32
      %sign3A_686 = arith.subi %sign3A_682, %sign3A_685 : i32
      %sign3A_687 = arith.constant 0 : i32
      %sign3A_688 = arith.cmpi sgt, %jit3A_678, %sign3A_687 : i32
      %sign3A_689 = arith.extui %sign3A_688 : i1 to i32
      %sign3A_690 = arith.constant 0 : i32
      %sign3A_691 = arith.cmpi slt, %jit3A_678, %sign3A_690 : i32
      %sign3A_692 = arith.extui %sign3A_691 : i1 to i32
      %sign3A_693 = arith.subi %sign3A_689, %sign3A_692 : i32
      %ne3A_694 = arith.cmpi ne, %sign3A_686, %sign3A_693 : i32
      %rem3A_695 = arith.remsi %add3A_677, %jit3A_678 : i32
      %ne3A_696 = arith.constant 0 : i32
      %ne3A_697 = arith.cmpi ne, %rem3A_695, %ne3A_696 : i32
      %and3A_698 = arith.andi %ne3A_694, %ne3A_697 : i1
      %sub3A_699 = arith.constant 1 : i32
      %sub3A_700 = arith.subi %div3A_679, %sub3A_699 : i32
      %select_n3A_701 = arith.select %and3A_698, %sub3A_700, %div3A_679 : i32
      %jit3A_702 = arith.constant 5 : i32
      %eq3A_703 = arith.constant 0 : i32
      %eq3A_704 = arith.cmpi eq, %jit3A_702, %eq3A_703 : i32
      %jit3A_705 = arith.constant 1 : i32
      %select_n3A_706 = arith.select %eq3A_704, %jit3A_705, %jit3A_702 : i32
      %rem3A_707 = arith.remsi %add3A_677, %select_n3A_706 : i32
      %ne3A_708 = arith.constant 0 : i32
      %ne3A_709 = arith.cmpi ne, %rem3A_707, %ne3A_708 : i32
      %lt3A_710 = arith.constant 0 : i32
      %lt3A_711 = arith.cmpi slt, %rem3A_707, %lt3A_710 : i32
      %lt3A_712 = arith.constant 0 : i32
      %lt3A_713 = arith.cmpi slt, %select_n3A_706, %lt3A_712 : i32
      %ne3A_714 = arith.xori %lt3A_711, %lt3A_713 : i1
      %and3A_715 = arith.andi %ne3A_714, %ne3A_709 : i1
      %add3A_716 = arith.addi %rem3A_707, %select_n3A_706 : i32
      %select_n3A_717 = arith.select %and3A_715, %add3A_716, %rem3A_707 : i32
      %mul3A_718 = arith.constant 32 : i32
      %mul3A_719 = arith.muli %mul3A_718, %select_n3A_717 : i32
      %add3A_720 = arith.addi %add3A, %mul3A_719 : i32
      %dma_wait3A_721 = arith.constant 0 : i32
      %dma_wait3A_722 = tpu.memref_slice %arg6[%select_n3A_393, %select_n3A_409, %dma_wait3A_721] : memref<9x5x64xi32, #tpu.memory_space<vmem>> -> memref<1x1x64xi32, #tpu.memory_space<vmem>>
      %dma_wait3A_723 = tpu.memref_squeeze %dma_wait3A_722 : memref<1x1x64xi32, #tpu.memory_space<vmem>> -> memref<64xi32, #tpu.memory_space<vmem>>
      %dma_wait3A_724 = arith.constant 0 : i32
      %dma_wait3A_725 = arith.constant 0 : i32
      %dma_wait3A_726 = tpu.memref_slice %arg5[%dma_wait3A_724, %dma_wait3A_725] : memref<10112x128xi32, #tpu.memory_space<vmem_shared>> -> memref<10112x128xi32, #tpu.memory_space<vmem_shared>>
      tpu.wait_indirect_dma semaphore(%arg17 : memref<!tpu.dma_semaphore, #tpu.memory_space<semaphore_mem>>) src(%dma_wait3A_726 : memref<10112x128xi32, #tpu.memory_space<vmem_shared>>) dst(%arg11 : memref<64x128xi32, #tpu.memory_space<vmem>>)
      %mul3A_727 = arith.constant 64 : i32
      %mul3A_728 = arith.muli %add3A_720, %mul3A_727 : i32
      %dma_start3A_729 = arith.constant 1 : i32
      %dma_start3A_730 = arith.constant 0 : i32
      %dma_start3A_731 = tpu.memref_slice %arg4[%select_n3A_701, %dma_start3A_729, %mul3A_728, %dma_start3A_730] : memref<9x4x10240x128xi32, #tpu.memory_space<hbm>> -> memref<1x1x64x128xi32, #tpu.memory_space<hbm>>
      %dma_start3A_732 = tpu.memref_squeeze %dma_start3A_731 : memref<1x1x64x128xi32, #tpu.memory_space<hbm>> -> memref<64x128xi32, #tpu.memory_space<hbm>>
      %dma_start3A_733 = arith.constant 0 : i32
      %dma_start3A_734 = tpu.memref_slice %arg4[%select_n3A_701, %dma_start3A_729, %mul3A_728, %dma_start3A_733] : memref<9x4x10240x128xi32, #tpu.memory_space<hbm>> -> memref<1x1x64x128xi32, #tpu.memory_space<hbm>>
      %dma_start3A_735 = tpu.memref_squeeze %dma_start3A_734 : memref<1x1x64x128xi32, #tpu.memory_space<hbm>> -> memref<64x128xi32, #tpu.memory_space<hbm>>
      tpu.enqueue_dma source(%arg11 : memref<64x128xi32, #tpu.memory_space<vmem>>) target(%dma_start3A_735 : memref<64x128xi32, #tpu.memory_space<hbm>>) target_semaphore(%arg22 : memref<!tpu.dma_semaphore, #tpu.memory_space<semaphore_mem>>)
    }
    %scan3A_39 = arith.constant 9 : i32
    %barrier3A_40 = arith.constant 0 : index
    tpu.barrier barrier_id(%barrier3A_40)
    %mul3A_41 = arith.constant 632 : i32
    %mul3A_42 = arith.muli %arg1, %mul3A_41 : i32
    %add3A_43 = arith.constant 20224 : i32
    %add3A_44 = arith.addi %add3A_43, %mul3A_42 : i32
    %mul3A_45 = arith.constant 632 : i32
    %mul3A_46 = arith.muli %arg1, %mul3A_45 : i32
    %dma_start3A_47 = arith.constant 0 : i32
    %dma_start3A_48 = tpu.memref_slice %arg5[%mul3A_46, %dma_start3A_47] : memref<10112x128xi32, #tpu.memory_space<vmem_shared>> -> memref<632x128xi32, #tpu.memory_space<vmem_shared>>
    %dma_start3A_49 = arith.constant 0 : i32
    %dma_start3A_50 = tpu.memref_slice %arg2[%add3A_44, %dma_start3A_49] : memref<40448x128xi32, #tpu.memory_space<hbm>> -> memref<632x128xi32, #tpu.memory_space<hbm>>
    tpu.enqueue_dma source(%dma_start3A_50 : memref<632x128xi32, #tpu.memory_space<hbm>>) target(%dma_start3A_48 : memref<632x128xi32, #tpu.memory_space<vmem_shared>>) target_semaphore(%arg12 : memref<!tpu.dma_semaphore, #tpu.memory_space<semaphore_mem>>)
    %dma_wait3A_51 = arith.constant 0 : i32
    %dma_wait3A_52 = tpu.memref_slice %arg5[%mul3A_46, %dma_wait3A_51] : memref<10112x128xi32, #tpu.memory_space<vmem_shared>> -> memref<632x128xi32, #tpu.memory_space<vmem_shared>>
    %dma_wait3A_53 = arith.constant 0 : i32
    %dma_wait3A_54 = tpu.memref_slice %arg2[%add3A_44, %dma_wait3A_53] : memref<40448x128xi32, #tpu.memory_space<hbm>> -> memref<632x128xi32, #tpu.memory_space<hbm>>
    tpu.wait_dma2 semaphore(%arg12 : memref<!tpu.dma_semaphore, #tpu.memory_space<semaphore_mem>>) src(%dma_wait3A_54 : memref<632x128xi32, #tpu.memory_space<hbm>>) dst(%dma_wait3A_52 : memref<632x128xi32, #tpu.memory_space<vmem_shared>>)
    %barrier3A_55 = arith.constant 0 : index
    tpu.barrier barrier_id(%barrier3A_55)
    %scan3A_56 = arith.constant 0 : i32
    %scan3A_57 = arith.constant 0 : i32
    %scan3A_58 = arith.constant 9 : i32
    %scan3A_59 = arith.addi %scan3A_57, %scan3A_58 : i32
    %scan3A_60 = arith.constant 1 : i32
    scf.for %scan3A_135 = %scan3A_57 to %scan3A_59 step %scan3A_60  : i32 {
      %mul3A_136 = arith.constant 5 : i32
      %mul3A_137 = arith.muli %scan3A_135, %mul3A_136 : i32
      %add3A_138 = arith.constant 0 : i32
      %add3A_139 = arith.addi %mul3A_137, %add3A_138 : i32
      %jit3A = arith.constant 5 : i32
      %div3A = arith.divsi %add3A_139, %jit3A : i32
      %sign3A = arith.constant 0 : i32
      %sign3A_140 = arith.cmpi sgt, %add3A_139, %sign3A : i32
      %sign3A_141 = arith.extui %sign3A_140 : i1 to i32
      %sign3A_142 = arith.constant 0 : i32
      %sign3A_143 = arith.cmpi slt, %add3A_139, %sign3A_142 : i32
      %sign3A_144 = arith.extui %sign3A_143 : i1 to i32
      %sign3A_145 = arith.subi %sign3A_141, %sign3A_144 : i32
      %sign3A_146 = arith.constant 0 : i32
      %sign3A_147 = arith.cmpi sgt, %jit3A, %sign3A_146 : i32
      %sign3A_148 = arith.extui %sign3A_147 : i1 to i32
      %sign3A_149 = arith.constant 0 : i32
      %sign3A_150 = arith.cmpi slt, %jit3A, %sign3A_149 : i32
      %sign3A_151 = arith.extui %sign3A_150 : i1 to i32
      %sign3A_152 = arith.subi %sign3A_148, %sign3A_151 : i32
      %ne3A = arith.cmpi ne, %sign3A_145, %sign3A_152 : i32
      %rem3A = arith.remsi %add3A_139, %jit3A : i32
      %ne3A_153 = arith.constant 0 : i32
      %ne3A_154 = arith.cmpi ne, %rem3A, %ne3A_153 : i32
      %and3A = arith.andi %ne3A, %ne3A_154 : i1
      %sub3A = arith.constant 1 : i32
      %sub3A_155 = arith.subi %div3A, %sub3A : i32
      %select_n3A = arith.select %and3A, %sub3A_155, %div3A : i32
      %jit3A_156 = arith.constant 5 : i32
      %eq3A = arith.constant 0 : i32
      %eq3A_157 = arith.cmpi eq, %jit3A_156, %eq3A : i32
      %jit3A_158 = arith.constant 1 : i32
      %select_n3A_159 = arith.select %eq3A_157, %jit3A_158, %jit3A_156 : i32
      %rem3A_160 = arith.remsi %add3A_139, %select_n3A_159 : i32
      %ne3A_161 = arith.constant 0 : i32
      %ne3A_162 = arith.cmpi ne, %rem3A_160, %ne3A_161 : i32
      %lt3A = arith.constant 0 : i32
      %lt3A_163 = arith.cmpi slt, %rem3A_160, %lt3A : i32
      %lt3A_164 = arith.constant 0 : i32
      %lt3A_165 = arith.cmpi slt, %select_n3A_159, %lt3A_164 : i32
      %ne3A_166 = arith.xori %lt3A_163, %lt3A_165 : i1
      %and3A_167 = arith.andi %ne3A_166, %ne3A_162 : i1
      %add3A_168 = arith.addi %rem3A_160, %select_n3A_159 : i32
      %select_n3A_169 = arith.select %and3A_167, %add3A_168, %rem3A_160 : i32
      %dma_wait3A_170 = arith.constant 0 : i32
      %dma_wait3A_171 = arith.constant 0 : i32
      %dma_wait3A_172 = arith.constant 0 : i32
      %dma_wait3A_173 = arith.constant 0 : i32
      %dma_wait3A_174 = tpu.memref_slice %arg4[%dma_wait3A_170, %dma_wait3A_171, %dma_wait3A_172, %dma_wait3A_173] : memref<9x4x10240x128xi32, #tpu.memory_space<hbm>> -> memref<1x1x64x128xi32, #tpu.memory_space<hbm>>
      %dma_wait3A_175 = tpu.memref_squeeze %dma_wait3A_174 : memref<1x1x64x128xi32, #tpu.memory_space<hbm>> -> memref<64x128xi32, #tpu.memory_space<hbm>>
      %dma_wait3A_176 = arith.constant 0 : i32
      %dma_wait3A_177 = arith.constant 0 : i32
      %dma_wait3A_178 = tpu.memref_slice %arg4[%dma_wait3A_170, %dma_wait3A_171, %dma_wait3A_176, %dma_wait3A_177] : memref<9x4x10240x128xi32, #tpu.memory_space<hbm>> -> memref<1x1x64x128xi32, #tpu.memory_space<hbm>>
      %dma_wait3A_179 = tpu.memref_squeeze %dma_wait3A_178 : memref<1x1x64x128xi32, #tpu.memory_space<hbm>> -> memref<64x128xi32, #tpu.memory_space<hbm>>
      tpu.wait_dma2 semaphore(%arg18 : memref<!tpu.dma_semaphore, #tpu.memory_space<semaphore_mem>>) src(%arg7 : memref<64x128xi32, #tpu.memory_space<vmem>>) dst(%dma_wait3A_179 : memref<64x128xi32, #tpu.memory_space<hbm>>)
      %dma_start3A_180 = arith.constant 0 : i32
      %dma_start3A_181 = tpu.memref_slice %arg6[%select_n3A, %select_n3A_169, %dma_start3A_180] : memref<9x5x64xi32, #tpu.memory_space<vmem>> -> memref<1x1x64xi32, #tpu.memory_space<vmem>>
      %dma_start3A_182 = tpu.memref_squeeze %dma_start3A_181 : memref<1x1x64xi32, #tpu.memory_space<vmem>> -> memref<64xi32, #tpu.memory_space<vmem>>
      %dma_start3A_183 = arith.constant 0 : i32
      %dma_start3A_184 = arith.constant 0 : i32
      %dma_start3A_185 = tpu.memref_slice %arg5[%dma_start3A_183, %dma_start3A_184] : memref<10112x128xi32, #tpu.memory_space<vmem_shared>> -> memref<10112x128xi32, #tpu.memory_space<vmem_shared>>
      tpu.enqueue_indirect_dma source(%dma_start3A_185 : memref<10112x128xi32, #tpu.memory_space<vmem_shared>>) target(%arg7 : memref<64x128xi32, #tpu.memory_space<vmem>>) offsets(%dma_start3A_182 : memref<64xi32, #tpu.memory_space<vmem>>) semaphore(%arg13 : memref<!tpu.dma_semaphore, #tpu.memory_space<semaphore_mem>>)
      %mul3A_186 = arith.constant 5 : i32
      %mul3A_187 = arith.muli %scan3A_135, %mul3A_186 : i32
      %add3A_188 = arith.constant 1 : i32
      %add3A_189 = arith.addi %mul3A_187, %add3A_188 : i32
      %jit3A_190 = arith.constant 5 : i32
      %div3A_191 = arith.divsi %add3A_189, %jit3A_190 : i32
      %sign3A_192 = arith.constant 0 : i32
      %sign3A_193 = arith.cmpi sgt, %add3A_189, %sign3A_192 : i32
      %sign3A_194 = arith.extui %sign3A_193 : i1 to i32
      %sign3A_195 = arith.constant 0 : i32
      %sign3A_196 = arith.cmpi slt, %add3A_189, %sign3A_195 : i32
      %sign3A_197 = arith.extui %sign3A_196 : i1 to i32
      %sign3A_198 = arith.subi %sign3A_194, %sign3A_197 : i32
      %sign3A_199 = arith.constant 0 : i32
      %sign3A_200 = arith.cmpi sgt, %jit3A_190, %sign3A_199 : i32
      %sign3A_201 = arith.extui %sign3A_200 : i1 to i32
      %sign3A_202 = arith.constant 0 : i32
      %sign3A_203 = arith.cmpi slt, %jit3A_190, %sign3A_202 : i32
      %sign3A_204 = arith.extui %sign3A_203 : i1 to i32
      %sign3A_205 = arith.subi %sign3A_201, %sign3A_204 : i32
      %ne3A_206 = arith.cmpi ne, %sign3A_198, %sign3A_205 : i32
      %rem3A_207 = arith.remsi %add3A_189, %jit3A_190 : i32
      %ne3A_208 = arith.constant 0 : i32
      %ne3A_209 = arith.cmpi ne, %rem3A_207, %ne3A_208 : i32
      %and3A_210 = arith.andi %ne3A_206, %ne3A_209 : i1
      %sub3A_211 = arith.constant 1 : i32
      %sub3A_212 = arith.subi %div3A_191, %sub3A_211 : i32
      %select_n3A_213 = arith.select %and3A_210, %sub3A_212, %div3A_191 : i32
      %jit3A_214 = arith.constant 5 : i32
      %eq3A_215 = arith.constant 0 : i32
      %eq3A_216 = arith.cmpi eq, %jit3A_214, %eq3A_215 : i32
      %jit3A_217 = arith.constant 1 : i32
      %select_n3A_218 = arith.select %eq3A_216, %jit3A_217, %jit3A_214 : i32
      %rem3A_219 = arith.remsi %add3A_189, %select_n3A_218 : i32
      %ne3A_220 = arith.constant 0 : i32
      %ne3A_221 = arith.cmpi ne, %rem3A_219, %ne3A_220 : i32
      %lt3A_222 = arith.constant 0 : i32
      %lt3A_223 = arith.cmpi slt, %rem3A_219, %lt3A_222 : i32
      %lt3A_224 = arith.constant 0 : i32
      %lt3A_225 = arith.cmpi slt, %select_n3A_218, %lt3A_224 : i32
      %ne3A_226 = arith.xori %lt3A_223, %lt3A_225 : i1
      %and3A_227 = arith.andi %ne3A_226, %ne3A_221 : i1
      %add3A_228 = arith.addi %rem3A_219, %select_n3A_218 : i32
      %select_n3A_229 = arith.select %and3A_227, %add3A_228, %rem3A_219 : i32
      %dma_wait3A_230 = arith.constant 0 : i32
      %dma_wait3A_231 = arith.constant 0 : i32
      %dma_wait3A_232 = arith.constant 0 : i32
      %dma_wait3A_233 = arith.constant 0 : i32
      %dma_wait3A_234 = tpu.memref_slice %arg4[%dma_wait3A_230, %dma_wait3A_231, %dma_wait3A_232, %dma_wait3A_233] : memref<9x4x10240x128xi32, #tpu.memory_space<hbm>> -> memref<1x1x64x128xi32, #tpu.memory_space<hbm>>
      %dma_wait3A_235 = tpu.memref_squeeze %dma_wait3A_234 : memref<1x1x64x128xi32, #tpu.memory_space<hbm>> -> memref<64x128xi32, #tpu.memory_space<hbm>>
      %dma_wait3A_236 = arith.constant 0 : i32
      %dma_wait3A_237 = arith.constant 0 : i32
      %dma_wait3A_238 = tpu.memref_slice %arg4[%dma_wait3A_230, %dma_wait3A_231, %dma_wait3A_236, %dma_wait3A_237] : memref<9x4x10240x128xi32, #tpu.memory_space<hbm>> -> memref<1x1x64x128xi32, #tpu.memory_space<hbm>>
      %dma_wait3A_239 = tpu.memref_squeeze %dma_wait3A_238 : memref<1x1x64x128xi32, #tpu.memory_space<hbm>> -> memref<64x128xi32, #tpu.memory_space<hbm>>
      tpu.wait_dma2 semaphore(%arg19 : memref<!tpu.dma_semaphore, #tpu.memory_space<semaphore_mem>>) src(%arg8 : memref<64x128xi32, #tpu.memory_space<vmem>>) dst(%dma_wait3A_239 : memref<64x128xi32, #tpu.memory_space<hbm>>)
      %dma_start3A_240 = arith.constant 0 : i32
      %dma_start3A_241 = tpu.memref_slice %arg6[%select_n3A_213, %select_n3A_229, %dma_start3A_240] : memref<9x5x64xi32, #tpu.memory_space<vmem>> -> memref<1x1x64xi32, #tpu.memory_space<vmem>>
      %dma_start3A_242 = tpu.memref_squeeze %dma_start3A_241 : memref<1x1x64xi32, #tpu.memory_space<vmem>> -> memref<64xi32, #tpu.memory_space<vmem>>
      %dma_start3A_243 = arith.constant 0 : i32
      %dma_start3A_244 = arith.constant 0 : i32
      %dma_start3A_245 = tpu.memref_slice %arg5[%dma_start3A_243, %dma_start3A_244] : memref<10112x128xi32, #tpu.memory_space<vmem_shared>> -> memref<10112x128xi32, #tpu.memory_space<vmem_shared>>
      tpu.enqueue_indirect_dma source(%dma_start3A_245 : memref<10112x128xi32, #tpu.memory_space<vmem_shared>>) target(%arg8 : memref<64x128xi32, #tpu.memory_space<vmem>>) offsets(%dma_start3A_242 : memref<64xi32, #tpu.memory_space<vmem>>) semaphore(%arg14 : memref<!tpu.dma_semaphore, #tpu.memory_space<semaphore_mem>>)
      %mul3A_246 = arith.constant 5 : i32
      %mul3A_247 = arith.muli %scan3A_135, %mul3A_246 : i32
      %add3A_248 = arith.constant 2 : i32
      %add3A_249 = arith.addi %mul3A_247, %add3A_248 : i32
      %jit3A_250 = arith.constant 5 : i32
      %div3A_251 = arith.divsi %add3A_249, %jit3A_250 : i32
      %sign3A_252 = arith.constant 0 : i32
      %sign3A_253 = arith.cmpi sgt, %add3A_249, %sign3A_252 : i32
      %sign3A_254 = arith.extui %sign3A_253 : i1 to i32
      %sign3A_255 = arith.constant 0 : i32
      %sign3A_256 = arith.cmpi slt, %add3A_249, %sign3A_255 : i32
      %sign3A_257 = arith.extui %sign3A_256 : i1 to i32
      %sign3A_258 = arith.subi %sign3A_254, %sign3A_257 : i32
      %sign3A_259 = arith.constant 0 : i32
      %sign3A_260 = arith.cmpi sgt, %jit3A_250, %sign3A_259 : i32
      %sign3A_261 = arith.extui %sign3A_260 : i1 to i32
      %sign3A_262 = arith.constant 0 : i32
      %sign3A_263 = arith.cmpi slt, %jit3A_250, %sign3A_262 : i32
      %sign3A_264 = arith.extui %sign3A_263 : i1 to i32
      %sign3A_265 = arith.subi %sign3A_261, %sign3A_264 : i32
      %ne3A_266 = arith.cmpi ne, %sign3A_258, %sign3A_265 : i32
      %rem3A_267 = arith.remsi %add3A_249, %jit3A_250 : i32
      %ne3A_268 = arith.constant 0 : i32
      %ne3A_269 = arith.cmpi ne, %rem3A_267, %ne3A_268 : i32
      %and3A_270 = arith.andi %ne3A_266, %ne3A_269 : i1
      %sub3A_271 = arith.constant 1 : i32
      %sub3A_272 = arith.subi %div3A_251, %sub3A_271 : i32
      %select_n3A_273 = arith.select %and3A_270, %sub3A_272, %div3A_251 : i32
      %jit3A_274 = arith.constant 5 : i32
      %eq3A_275 = arith.constant 0 : i32
      %eq3A_276 = arith.cmpi eq, %jit3A_274, %eq3A_275 : i32
      %jit3A_277 = arith.constant 1 : i32
      %select_n3A_278 = arith.select %eq3A_276, %jit3A_277, %jit3A_274 : i32
      %rem3A_279 = arith.remsi %add3A_249, %select_n3A_278 : i32
      %ne3A_280 = arith.constant 0 : i32
      %ne3A_281 = arith.cmpi ne, %rem3A_279, %ne3A_280 : i32
      %lt3A_282 = arith.constant 0 : i32
      %lt3A_283 = arith.cmpi slt, %rem3A_279, %lt3A_282 : i32
      %lt3A_284 = arith.constant 0 : i32
      %lt3A_285 = arith.cmpi slt, %select_n3A_278, %lt3A_284 : i32
      %ne3A_286 = arith.xori %lt3A_283, %lt3A_285 : i1
      %and3A_287 = arith.andi %ne3A_286, %ne3A_281 : i1
      %add3A_288 = arith.addi %rem3A_279, %select_n3A_278 : i32
      %select_n3A_289 = arith.select %and3A_287, %add3A_288, %rem3A_279 : i32
      %dma_wait3A_290 = arith.constant 0 : i32
      %dma_wait3A_291 = arith.constant 0 : i32
      %dma_wait3A_292 = arith.constant 0 : i32
      %dma_wait3A_293 = arith.constant 0 : i32
      %dma_wait3A_294 = tpu.memref_slice %arg4[%dma_wait3A_290, %dma_wait3A_291, %dma_wait3A_292, %dma_wait3A_293] : memref<9x4x10240x128xi32, #tpu.memory_space<hbm>> -> memref<1x1x64x128xi32, #tpu.memory_space<hbm>>
      %dma_wait3A_295 = tpu.memref_squeeze %dma_wait3A_294 : memref<1x1x64x128xi32, #tpu.memory_space<hbm>> -> memref<64x128xi32, #tpu.memory_space<hbm>>
      %dma_wait3A_296 = arith.constant 0 : i32
      %dma_wait3A_297 = arith.constant 0 : i32
      %dma_wait3A_298 = tpu.memref_slice %arg4[%dma_wait3A_290, %dma_wait3A_291, %dma_wait3A_296, %dma_wait3A_297] : memref<9x4x10240x128xi32, #tpu.memory_space<hbm>> -> memref<1x1x64x128xi32, #tpu.memory_space<hbm>>
      %dma_wait3A_299 = tpu.memref_squeeze %dma_wait3A_298 : memref<1x1x64x128xi32, #tpu.memory_space<hbm>> -> memref<64x128xi32, #tpu.memory_space<hbm>>
      tpu.wait_dma2 semaphore(%arg20 : memref<!tpu.dma_semaphore, #tpu.memory_space<semaphore_mem>>) src(%arg9 : memref<64x128xi32, #tpu.memory_space<vmem>>) dst(%dma_wait3A_299 : memref<64x128xi32, #tpu.memory_space<hbm>>)
      %dma_start3A_300 = arith.constant 0 : i32
      %dma_start3A_301 = tpu.memref_slice %arg6[%select_n3A_273, %select_n3A_289, %dma_start3A_300] : memref<9x5x64xi32, #tpu.memory_space<vmem>> -> memref<1x1x64xi32, #tpu.memory_space<vmem>>
      %dma_start3A_302 = tpu.memref_squeeze %dma_start3A_301 : memref<1x1x64xi32, #tpu.memory_space<vmem>> -> memref<64xi32, #tpu.memory_space<vmem>>
      %dma_start3A_303 = arith.constant 0 : i32
      %dma_start3A_304 = arith.constant 0 : i32
      %dma_start3A_305 = tpu.memref_slice %arg5[%dma_start3A_303, %dma_start3A_304] : memref<10112x128xi32, #tpu.memory_space<vmem_shared>> -> memref<10112x128xi32, #tpu.memory_space<vmem_shared>>
      tpu.enqueue_indirect_dma source(%dma_start3A_305 : memref<10112x128xi32, #tpu.memory_space<vmem_shared>>) target(%arg9 : memref<64x128xi32, #tpu.memory_space<vmem>>) offsets(%dma_start3A_302 : memref<64xi32, #tpu.memory_space<vmem>>) semaphore(%arg15 : memref<!tpu.dma_semaphore, #tpu.memory_space<semaphore_mem>>)
      %mul3A_306 = arith.constant 5 : i32
      %mul3A_307 = arith.muli %scan3A_135, %mul3A_306 : i32
      %add3A_308 = arith.constant 3 : i32
      %add3A_309 = arith.addi %mul3A_307, %add3A_308 : i32
      %jit3A_310 = arith.constant 5 : i32
      %div3A_311 = arith.divsi %add3A_309, %jit3A_310 : i32
      %sign3A_312 = arith.constant 0 : i32
      %sign3A_313 = arith.cmpi sgt, %add3A_309, %sign3A_312 : i32
      %sign3A_314 = arith.extui %sign3A_313 : i1 to i32
      %sign3A_315 = arith.constant 0 : i32
      %sign3A_316 = arith.cmpi slt, %add3A_309, %sign3A_315 : i32
      %sign3A_317 = arith.extui %sign3A_316 : i1 to i32
      %sign3A_318 = arith.subi %sign3A_314, %sign3A_317 : i32
      %sign3A_319 = arith.constant 0 : i32
      %sign3A_320 = arith.cmpi sgt, %jit3A_310, %sign3A_319 : i32
      %sign3A_321 = arith.extui %sign3A_320 : i1 to i32
      %sign3A_322 = arith.constant 0 : i32
      %sign3A_323 = arith.cmpi slt, %jit3A_310, %sign3A_322 : i32
      %sign3A_324 = arith.extui %sign3A_323 : i1 to i32
      %sign3A_325 = arith.subi %sign3A_321, %sign3A_324 : i32
      %ne3A_326 = arith.cmpi ne, %sign3A_318, %sign3A_325 : i32
      %rem3A_327 = arith.remsi %add3A_309, %jit3A_310 : i32
      %ne3A_328 = arith.constant 0 : i32
      %ne3A_329 = arith.cmpi ne, %rem3A_327, %ne3A_328 : i32
      %and3A_330 = arith.andi %ne3A_326, %ne3A_329 : i1
      %sub3A_331 = arith.constant 1 : i32
      %sub3A_332 = arith.subi %div3A_311, %sub3A_331 : i32
      %select_n3A_333 = arith.select %and3A_330, %sub3A_332, %div3A_311 : i32
      %jit3A_334 = arith.constant 5 : i32
      %eq3A_335 = arith.constant 0 : i32
      %eq3A_336 = arith.cmpi eq, %jit3A_334, %eq3A_335 : i32
      %jit3A_337 = arith.constant 1 : i32
      %select_n3A_338 = arith.select %eq3A_336, %jit3A_337, %jit3A_334 : i32
      %rem3A_339 = arith.remsi %add3A_309, %select_n3A_338 : i32
      %ne3A_340 = arith.constant 0 : i32
      %ne3A_341 = arith.cmpi ne, %rem3A_339, %ne3A_340 : i32
      %lt3A_342 = arith.constant 0 : i32
      %lt3A_343 = arith.cmpi slt, %rem3A_339, %lt3A_342 : i32
      %lt3A_344 = arith.constant 0 : i32
      %lt3A_345 = arith.cmpi slt, %select_n3A_338, %lt3A_344 : i32
      %ne3A_346 = arith.xori %lt3A_343, %lt3A_345 : i1
      %and3A_347 = arith.andi %ne3A_346, %ne3A_341 : i1
      %add3A_348 = arith.addi %rem3A_339, %select_n3A_338 : i32
      %select_n3A_349 = arith.select %and3A_347, %add3A_348, %rem3A_339 : i32
      %dma_wait3A_350 = arith.constant 0 : i32
      %dma_wait3A_351 = arith.constant 0 : i32
      %dma_wait3A_352 = arith.constant 0 : i32
      %dma_wait3A_353 = arith.constant 0 : i32
      %dma_wait3A_354 = tpu.memref_slice %arg4[%dma_wait3A_350, %dma_wait3A_351, %dma_wait3A_352, %dma_wait3A_353] : memref<9x4x10240x128xi32, #tpu.memory_space<hbm>> -> memref<1x1x64x128xi32, #tpu.memory_space<hbm>>
      %dma_wait3A_355 = tpu.memref_squeeze %dma_wait3A_354 : memref<1x1x64x128xi32, #tpu.memory_space<hbm>> -> memref<64x128xi32, #tpu.memory_space<hbm>>
      %dma_wait3A_356 = arith.constant 0 : i32
      %dma_wait3A_357 = arith.constant 0 : i32
      %dma_wait3A_358 = tpu.memref_slice %arg4[%dma_wait3A_350, %dma_wait3A_351, %dma_wait3A_356, %dma_wait3A_357] : memref<9x4x10240x128xi32, #tpu.memory_space<hbm>> -> memref<1x1x64x128xi32, #tpu.memory_space<hbm>>
      %dma_wait3A_359 = tpu.memref_squeeze %dma_wait3A_358 : memref<1x1x64x128xi32, #tpu.memory_space<hbm>> -> memref<64x128xi32, #tpu.memory_space<hbm>>
      tpu.wait_dma2 semaphore(%arg21 : memref<!tpu.dma_semaphore, #tpu.memory_space<semaphore_mem>>) src(%arg10 : memref<64x128xi32, #tpu.memory_space<vmem>>) dst(%dma_wait3A_359 : memref<64x128xi32, #tpu.memory_space<hbm>>)
      %dma_start3A_360 = arith.constant 0 : i32
      %dma_start3A_361 = tpu.memref_slice %arg6[%select_n3A_333, %select_n3A_349, %dma_start3A_360] : memref<9x5x64xi32, #tpu.memory_space<vmem>> -> memref<1x1x64xi32, #tpu.memory_space<vmem>>
      %dma_start3A_362 = tpu.memref_squeeze %dma_start3A_361 : memref<1x1x64xi32, #tpu.memory_space<vmem>> -> memref<64xi32, #tpu.memory_space<vmem>>
      %dma_start3A_363 = arith.constant 0 : i32
      %dma_start3A_364 = arith.constant 0 : i32
      %dma_start3A_365 = tpu.memref_slice %arg5[%dma_start3A_363, %dma_start3A_364] : memref<10112x128xi32, #tpu.memory_space<vmem_shared>> -> memref<10112x128xi32, #tpu.memory_space<vmem_shared>>
      tpu.enqueue_indirect_dma source(%dma_start3A_365 : memref<10112x128xi32, #tpu.memory_space<vmem_shared>>) target(%arg10 : memref<64x128xi32, #tpu.memory_space<vmem>>) offsets(%dma_start3A_362 : memref<64xi32, #tpu.memory_space<vmem>>) semaphore(%arg16 : memref<!tpu.dma_semaphore, #tpu.memory_space<semaphore_mem>>)
      %mul3A_366 = arith.constant 5 : i32
      %mul3A_367 = arith.muli %scan3A_135, %mul3A_366 : i32
      %add3A_368 = arith.constant 4 : i32
      %add3A_369 = arith.addi %mul3A_367, %add3A_368 : i32
      %jit3A_370 = arith.constant 5 : i32
      %div3A_371 = arith.divsi %add3A_369, %jit3A_370 : i32
      %sign3A_372 = arith.constant 0 : i32
      %sign3A_373 = arith.cmpi sgt, %add3A_369, %sign3A_372 : i32
      %sign3A_374 = arith.extui %sign3A_373 : i1 to i32
      %sign3A_375 = arith.constant 0 : i32
      %sign3A_376 = arith.cmpi slt, %add3A_369, %sign3A_375 : i32
      %sign3A_377 = arith.extui %sign3A_376 : i1 to i32
      %sign3A_378 = arith.subi %sign3A_374, %sign3A_377 : i32
      %sign3A_379 = arith.constant 0 : i32
      %sign3A_380 = arith.cmpi sgt, %jit3A_370, %sign3A_379 : i32
      %sign3A_381 = arith.extui %sign3A_380 : i1 to i32
      %sign3A_382 = arith.constant 0 : i32
      %sign3A_383 = arith.cmpi slt, %jit3A_370, %sign3A_382 : i32
      %sign3A_384 = arith.extui %sign3A_383 : i1 to i32
      %sign3A_385 = arith.subi %sign3A_381, %sign3A_384 : i32
      %ne3A_386 = arith.cmpi ne, %sign3A_378, %sign3A_385 : i32
      %rem3A_387 = arith.remsi %add3A_369, %jit3A_370 : i32
      %ne3A_388 = arith.constant 0 : i32
      %ne3A_389 = arith.cmpi ne, %rem3A_387, %ne3A_388 : i32
      %and3A_390 = arith.andi %ne3A_386, %ne3A_389 : i1
      %sub3A_391 = arith.constant 1 : i32
      %sub3A_392 = arith.subi %div3A_371, %sub3A_391 : i32
      %select_n3A_393 = arith.select %and3A_390, %sub3A_392, %div3A_371 : i32
      %jit3A_394 = arith.constant 5 : i32
      %eq3A_395 = arith.constant 0 : i32
      %eq3A_396 = arith.cmpi eq, %jit3A_394, %eq3A_395 : i32
      %jit3A_397 = arith.constant 1 : i32
      %select_n3A_398 = arith.select %eq3A_396, %jit3A_397, %jit3A_394 : i32
      %rem3A_399 = arith.remsi %add3A_369, %select_n3A_398 : i32
      %ne3A_400 = arith.constant 0 : i32
      %ne3A_401 = arith.cmpi ne, %rem3A_399, %ne3A_400 : i32
      %lt3A_402 = arith.constant 0 : i32
      %lt3A_403 = arith.cmpi slt, %rem3A_399, %lt3A_402 : i32
      %lt3A_404 = arith.constant 0 : i32
      %lt3A_405 = arith.cmpi slt, %select_n3A_398, %lt3A_404 : i32
      %ne3A_406 = arith.xori %lt3A_403, %lt3A_405 : i1
      %and3A_407 = arith.andi %ne3A_406, %ne3A_401 : i1
      %add3A_408 = arith.addi %rem3A_399, %select_n3A_398 : i32
      %select_n3A_409 = arith.select %and3A_407, %add3A_408, %rem3A_399 : i32
      %dma_wait3A_410 = arith.constant 0 : i32
      %dma_wait3A_411 = arith.constant 0 : i32
      %dma_wait3A_412 = arith.constant 0 : i32
      %dma_wait3A_413 = arith.constant 0 : i32
      %dma_wait3A_414 = tpu.memref_slice %arg4[%dma_wait3A_410, %dma_wait3A_411, %dma_wait3A_412, %dma_wait3A_413] : memref<9x4x10240x128xi32, #tpu.memory_space<hbm>> -> memref<1x1x64x128xi32, #tpu.memory_space<hbm>>
      %dma_wait3A_415 = tpu.memref_squeeze %dma_wait3A_414 : memref<1x1x64x128xi32, #tpu.memory_space<hbm>> -> memref<64x128xi32, #tpu.memory_space<hbm>>
      %dma_wait3A_416 = arith.constant 0 : i32
      %dma_wait3A_417 = arith.constant 0 : i32
      %dma_wait3A_418 = tpu.memref_slice %arg4[%dma_wait3A_410, %dma_wait3A_411, %dma_wait3A_416, %dma_wait3A_417] : memref<9x4x10240x128xi32, #tpu.memory_space<hbm>> -> memref<1x1x64x128xi32, #tpu.memory_space<hbm>>
      %dma_wait3A_419 = tpu.memref_squeeze %dma_wait3A_418 : memref<1x1x64x128xi32, #tpu.memory_space<hbm>> -> memref<64x128xi32, #tpu.memory_space<hbm>>
      tpu.wait_dma2 semaphore(%arg22 : memref<!tpu.dma_semaphore, #tpu.memory_space<semaphore_mem>>) src(%arg11 : memref<64x128xi32, #tpu.memory_space<vmem>>) dst(%dma_wait3A_419 : memref<64x128xi32, #tpu.memory_space<hbm>>)
      %dma_start3A_420 = arith.constant 0 : i32
      %dma_start3A_421 = tpu.memref_slice %arg6[%select_n3A_393, %select_n3A_409, %dma_start3A_420] : memref<9x5x64xi32, #tpu.memory_space<vmem>> -> memref<1x1x64xi32, #tpu.memory_space<vmem>>
      %dma_start3A_422 = tpu.memref_squeeze %dma_start3A_421 : memref<1x1x64xi32, #tpu.memory_space<vmem>> -> memref<64xi32, #tpu.memory_space<vmem>>
      %dma_start3A_423 = arith.constant 0 : i32
      %dma_start3A_424 = arith.constant 0 : i32
      %dma_start3A_425 = tpu.memref_slice %arg5[%dma_start3A_423, %dma_start3A_424] : memref<10112x128xi32, #tpu.memory_space<vmem_shared>> -> memref<10112x128xi32, #tpu.memory_space<vmem_shared>>
      tpu.enqueue_indirect_dma source(%dma_start3A_425 : memref<10112x128xi32, #tpu.memory_space<vmem_shared>>) target(%arg11 : memref<64x128xi32, #tpu.memory_space<vmem>>) offsets(%dma_start3A_422 : memref<64xi32, #tpu.memory_space<vmem>>) semaphore(%arg17 : memref<!tpu.dma_semaphore, #tpu.memory_space<semaphore_mem>>)
      %mul3A_426 = arith.constant 5 : i32
      %mul3A_427 = arith.muli %scan3A_135, %mul3A_426 : i32
      %add3A_428 = arith.constant 0 : i32
      %add3A_429 = arith.addi %mul3A_427, %add3A_428 : i32
      %jit3A_430 = arith.constant 5 : i32
      %div3A_431 = arith.divsi %add3A_429, %jit3A_430 : i32
      %sign3A_432 = arith.constant 0 : i32
      %sign3A_433 = arith.cmpi sgt, %add3A_429, %sign3A_432 : i32
      %sign3A_434 = arith.extui %sign3A_433 : i1 to i32
      %sign3A_435 = arith.constant 0 : i32
      %sign3A_436 = arith.cmpi slt, %add3A_429, %sign3A_435 : i32
      %sign3A_437 = arith.extui %sign3A_436 : i1 to i32
      %sign3A_438 = arith.subi %sign3A_434, %sign3A_437 : i32
      %sign3A_439 = arith.constant 0 : i32
      %sign3A_440 = arith.cmpi sgt, %jit3A_430, %sign3A_439 : i32
      %sign3A_441 = arith.extui %sign3A_440 : i1 to i32
      %sign3A_442 = arith.constant 0 : i32
      %sign3A_443 = arith.cmpi slt, %jit3A_430, %sign3A_442 : i32
      %sign3A_444 = arith.extui %sign3A_443 : i1 to i32
      %sign3A_445 = arith.subi %sign3A_441, %sign3A_444 : i32
      %ne3A_446 = arith.cmpi ne, %sign3A_438, %sign3A_445 : i32
      %rem3A_447 = arith.remsi %add3A_429, %jit3A_430 : i32
      %ne3A_448 = arith.constant 0 : i32
      %ne3A_449 = arith.cmpi ne, %rem3A_447, %ne3A_448 : i32
      %and3A_450 = arith.andi %ne3A_446, %ne3A_449 : i1
      %sub3A_451 = arith.constant 1 : i32
      %sub3A_452 = arith.subi %div3A_431, %sub3A_451 : i32
      %select_n3A_453 = arith.select %and3A_450, %sub3A_452, %div3A_431 : i32
      %jit3A_454 = arith.constant 5 : i32
      %eq3A_455 = arith.constant 0 : i32
      %eq3A_456 = arith.cmpi eq, %jit3A_454, %eq3A_455 : i32
      %jit3A_457 = arith.constant 1 : i32
      %select_n3A_458 = arith.select %eq3A_456, %jit3A_457, %jit3A_454 : i32
      %rem3A_459 = arith.remsi %add3A_429, %select_n3A_458 : i32
      %ne3A_460 = arith.constant 0 : i32
      %ne3A_461 = arith.cmpi ne, %rem3A_459, %ne3A_460 : i32
      %lt3A_462 = arith.constant 0 : i32
      %lt3A_463 = arith.cmpi slt, %rem3A_459, %lt3A_462 : i32
      %lt3A_464 = arith.constant 0 : i32
      %lt3A_465 = arith.cmpi slt, %select_n3A_458, %lt3A_464 : i32
      %ne3A_466 = arith.xori %lt3A_463, %lt3A_465 : i1
      %and3A_467 = arith.andi %ne3A_466, %ne3A_461 : i1
      %add3A_468 = arith.addi %rem3A_459, %select_n3A_458 : i32
      %select_n3A_469 = arith.select %and3A_467, %add3A_468, %rem3A_459 : i32
      %mul3A_470 = arith.constant 32 : i32
      %mul3A_471 = arith.muli %mul3A_470, %select_n3A_469 : i32
      %add3A_472 = arith.addi %add3A, %mul3A_471 : i32
      %dma_wait3A_473 = arith.constant 0 : i32
      %dma_wait3A_474 = tpu.memref_slice %arg6[%select_n3A, %select_n3A_169, %dma_wait3A_473] : memref<9x5x64xi32, #tpu.memory_space<vmem>> -> memref<1x1x64xi32, #tpu.memory_space<vmem>>
      %dma_wait3A_475 = tpu.memref_squeeze %dma_wait3A_474 : memref<1x1x64xi32, #tpu.memory_space<vmem>> -> memref<64xi32, #tpu.memory_space<vmem>>
      %dma_wait3A_476 = arith.constant 0 : i32
      %dma_wait3A_477 = arith.constant 0 : i32
      %dma_wait3A_478 = tpu.memref_slice %arg5[%dma_wait3A_476, %dma_wait3A_477] : memref<10112x128xi32, #tpu.memory_space<vmem_shared>> -> memref<10112x128xi32, #tpu.memory_space<vmem_shared>>
      tpu.wait_indirect_dma semaphore(%arg13 : memref<!tpu.dma_semaphore, #tpu.memory_space<semaphore_mem>>) src(%dma_wait3A_478 : memref<10112x128xi32, #tpu.memory_space<vmem_shared>>) dst(%arg7 : memref<64x128xi32, #tpu.memory_space<vmem>>)
      %mul3A_479 = arith.constant 64 : i32
      %mul3A_480 = arith.muli %add3A_472, %mul3A_479 : i32
      %dma_start3A_481 = arith.constant 2 : i32
      %dma_start3A_482 = arith.constant 0 : i32
      %dma_start3A_483 = tpu.memref_slice %arg4[%select_n3A_453, %dma_start3A_481, %mul3A_480, %dma_start3A_482] : memref<9x4x10240x128xi32, #tpu.memory_space<hbm>> -> memref<1x1x64x128xi32, #tpu.memory_space<hbm>>
      %dma_start3A_484 = tpu.memref_squeeze %dma_start3A_483 : memref<1x1x64x128xi32, #tpu.memory_space<hbm>> -> memref<64x128xi32, #tpu.memory_space<hbm>>
      %dma_start3A_485 = arith.constant 0 : i32
      %dma_start3A_486 = tpu.memref_slice %arg4[%select_n3A_453, %dma_start3A_481, %mul3A_480, %dma_start3A_485] : memref<9x4x10240x128xi32, #tpu.memory_space<hbm>> -> memref<1x1x64x128xi32, #tpu.memory_space<hbm>>
      %dma_start3A_487 = tpu.memref_squeeze %dma_start3A_486 : memref<1x1x64x128xi32, #tpu.memory_space<hbm>> -> memref<64x128xi32, #tpu.memory_space<hbm>>
      tpu.enqueue_dma source(%arg7 : memref<64x128xi32, #tpu.memory_space<vmem>>) target(%dma_start3A_487 : memref<64x128xi32, #tpu.memory_space<hbm>>) target_semaphore(%arg18 : memref<!tpu.dma_semaphore, #tpu.memory_space<semaphore_mem>>)
      %mul3A_488 = arith.constant 5 : i32
      %mul3A_489 = arith.muli %scan3A_135, %mul3A_488 : i32
      %add3A_490 = arith.constant 1 : i32
      %add3A_491 = arith.addi %mul3A_489, %add3A_490 : i32
      %jit3A_492 = arith.constant 5 : i32
      %div3A_493 = arith.divsi %add3A_491, %jit3A_492 : i32
      %sign3A_494 = arith.constant 0 : i32
      %sign3A_495 = arith.cmpi sgt, %add3A_491, %sign3A_494 : i32
      %sign3A_496 = arith.extui %sign3A_495 : i1 to i32
      %sign3A_497 = arith.constant 0 : i32
      %sign3A_498 = arith.cmpi slt, %add3A_491, %sign3A_497 : i32
      %sign3A_499 = arith.extui %sign3A_498 : i1 to i32
      %sign3A_500 = arith.subi %sign3A_496, %sign3A_499 : i32
      %sign3A_501 = arith.constant 0 : i32
      %sign3A_502 = arith.cmpi sgt, %jit3A_492, %sign3A_501 : i32
      %sign3A_503 = arith.extui %sign3A_502 : i1 to i32
      %sign3A_504 = arith.constant 0 : i32
      %sign3A_505 = arith.cmpi slt, %jit3A_492, %sign3A_504 : i32
      %sign3A_506 = arith.extui %sign3A_505 : i1 to i32
      %sign3A_507 = arith.subi %sign3A_503, %sign3A_506 : i32
      %ne3A_508 = arith.cmpi ne, %sign3A_500, %sign3A_507 : i32
      %rem3A_509 = arith.remsi %add3A_491, %jit3A_492 : i32
      %ne3A_510 = arith.constant 0 : i32
      %ne3A_511 = arith.cmpi ne, %rem3A_509, %ne3A_510 : i32
      %and3A_512 = arith.andi %ne3A_508, %ne3A_511 : i1
      %sub3A_513 = arith.constant 1 : i32
      %sub3A_514 = arith.subi %div3A_493, %sub3A_513 : i32
      %select_n3A_515 = arith.select %and3A_512, %sub3A_514, %div3A_493 : i32
      %jit3A_516 = arith.constant 5 : i32
      %eq3A_517 = arith.constant 0 : i32
      %eq3A_518 = arith.cmpi eq, %jit3A_516, %eq3A_517 : i32
      %jit3A_519 = arith.constant 1 : i32
      %select_n3A_520 = arith.select %eq3A_518, %jit3A_519, %jit3A_516 : i32
      %rem3A_521 = arith.remsi %add3A_491, %select_n3A_520 : i32
      %ne3A_522 = arith.constant 0 : i32
      %ne3A_523 = arith.cmpi ne, %rem3A_521, %ne3A_522 : i32
      %lt3A_524 = arith.constant 0 : i32
      %lt3A_525 = arith.cmpi slt, %rem3A_521, %lt3A_524 : i32
      %lt3A_526 = arith.constant 0 : i32
      %lt3A_527 = arith.cmpi slt, %select_n3A_520, %lt3A_526 : i32
      %ne3A_528 = arith.xori %lt3A_525, %lt3A_527 : i1
      %and3A_529 = arith.andi %ne3A_528, %ne3A_523 : i1
      %add3A_530 = arith.addi %rem3A_521, %select_n3A_520 : i32
      %select_n3A_531 = arith.select %and3A_529, %add3A_530, %rem3A_521 : i32
      %mul3A_532 = arith.constant 32 : i32
      %mul3A_533 = arith.muli %mul3A_532, %select_n3A_531 : i32
      %add3A_534 = arith.addi %add3A, %mul3A_533 : i32
      %dma_wait3A_535 = arith.constant 0 : i32
      %dma_wait3A_536 = tpu.memref_slice %arg6[%select_n3A_213, %select_n3A_229, %dma_wait3A_535] : memref<9x5x64xi32, #tpu.memory_space<vmem>> -> memref<1x1x64xi32, #tpu.memory_space<vmem>>
      %dma_wait3A_537 = tpu.memref_squeeze %dma_wait3A_536 : memref<1x1x64xi32, #tpu.memory_space<vmem>> -> memref<64xi32, #tpu.memory_space<vmem>>
      %dma_wait3A_538 = arith.constant 0 : i32
      %dma_wait3A_539 = arith.constant 0 : i32
      %dma_wait3A_540 = tpu.memref_slice %arg5[%dma_wait3A_538, %dma_wait3A_539] : memref<10112x128xi32, #tpu.memory_space<vmem_shared>> -> memref<10112x128xi32, #tpu.memory_space<vmem_shared>>
      tpu.wait_indirect_dma semaphore(%arg14 : memref<!tpu.dma_semaphore, #tpu.memory_space<semaphore_mem>>) src(%dma_wait3A_540 : memref<10112x128xi32, #tpu.memory_space<vmem_shared>>) dst(%arg8 : memref<64x128xi32, #tpu.memory_space<vmem>>)
      %mul3A_541 = arith.constant 64 : i32
      %mul3A_542 = arith.muli %add3A_534, %mul3A_541 : i32
      %dma_start3A_543 = arith.constant 2 : i32
      %dma_start3A_544 = arith.constant 0 : i32
      %dma_start3A_545 = tpu.memref_slice %arg4[%select_n3A_515, %dma_start3A_543, %mul3A_542, %dma_start3A_544] : memref<9x4x10240x128xi32, #tpu.memory_space<hbm>> -> memref<1x1x64x128xi32, #tpu.memory_space<hbm>>
      %dma_start3A_546 = tpu.memref_squeeze %dma_start3A_545 : memref<1x1x64x128xi32, #tpu.memory_space<hbm>> -> memref<64x128xi32, #tpu.memory_space<hbm>>
      %dma_start3A_547 = arith.constant 0 : i32
      %dma_start3A_548 = tpu.memref_slice %arg4[%select_n3A_515, %dma_start3A_543, %mul3A_542, %dma_start3A_547] : memref<9x4x10240x128xi32, #tpu.memory_space<hbm>> -> memref<1x1x64x128xi32, #tpu.memory_space<hbm>>
      %dma_start3A_549 = tpu.memref_squeeze %dma_start3A_548 : memref<1x1x64x128xi32, #tpu.memory_space<hbm>> -> memref<64x128xi32, #tpu.memory_space<hbm>>
      tpu.enqueue_dma source(%arg8 : memref<64x128xi32, #tpu.memory_space<vmem>>) target(%dma_start3A_549 : memref<64x128xi32, #tpu.memory_space<hbm>>) target_semaphore(%arg19 : memref<!tpu.dma_semaphore, #tpu.memory_space<semaphore_mem>>)
      %mul3A_550 = arith.constant 5 : i32
      %mul3A_551 = arith.muli %scan3A_135, %mul3A_550 : i32
      %add3A_552 = arith.constant 2 : i32
      %add3A_553 = arith.addi %mul3A_551, %add3A_552 : i32
      %jit3A_554 = arith.constant 5 : i32
      %div3A_555 = arith.divsi %add3A_553, %jit3A_554 : i32
      %sign3A_556 = arith.constant 0 : i32
      %sign3A_557 = arith.cmpi sgt, %add3A_553, %sign3A_556 : i32
      %sign3A_558 = arith.extui %sign3A_557 : i1 to i32
      %sign3A_559 = arith.constant 0 : i32
      %sign3A_560 = arith.cmpi slt, %add3A_553, %sign3A_559 : i32
      %sign3A_561 = arith.extui %sign3A_560 : i1 to i32
      %sign3A_562 = arith.subi %sign3A_558, %sign3A_561 : i32
      %sign3A_563 = arith.constant 0 : i32
      %sign3A_564 = arith.cmpi sgt, %jit3A_554, %sign3A_563 : i32
      %sign3A_565 = arith.extui %sign3A_564 : i1 to i32
      %sign3A_566 = arith.constant 0 : i32
      %sign3A_567 = arith.cmpi slt, %jit3A_554, %sign3A_566 : i32
      %sign3A_568 = arith.extui %sign3A_567 : i1 to i32
      %sign3A_569 = arith.subi %sign3A_565, %sign3A_568 : i32
      %ne3A_570 = arith.cmpi ne, %sign3A_562, %sign3A_569 : i32
      %rem3A_571 = arith.remsi %add3A_553, %jit3A_554 : i32
      %ne3A_572 = arith.constant 0 : i32
      %ne3A_573 = arith.cmpi ne, %rem3A_571, %ne3A_572 : i32
      %and3A_574 = arith.andi %ne3A_570, %ne3A_573 : i1
      %sub3A_575 = arith.constant 1 : i32
      %sub3A_576 = arith.subi %div3A_555, %sub3A_575 : i32
      %select_n3A_577 = arith.select %and3A_574, %sub3A_576, %div3A_555 : i32
      %jit3A_578 = arith.constant 5 : i32
      %eq3A_579 = arith.constant 0 : i32
      %eq3A_580 = arith.cmpi eq, %jit3A_578, %eq3A_579 : i32
      %jit3A_581 = arith.constant 1 : i32
      %select_n3A_582 = arith.select %eq3A_580, %jit3A_581, %jit3A_578 : i32
      %rem3A_583 = arith.remsi %add3A_553, %select_n3A_582 : i32
      %ne3A_584 = arith.constant 0 : i32
      %ne3A_585 = arith.cmpi ne, %rem3A_583, %ne3A_584 : i32
      %lt3A_586 = arith.constant 0 : i32
      %lt3A_587 = arith.cmpi slt, %rem3A_583, %lt3A_586 : i32
      %lt3A_588 = arith.constant 0 : i32
      %lt3A_589 = arith.cmpi slt, %select_n3A_582, %lt3A_588 : i32
      %ne3A_590 = arith.xori %lt3A_587, %lt3A_589 : i1
      %and3A_591 = arith.andi %ne3A_590, %ne3A_585 : i1
      %add3A_592 = arith.addi %rem3A_583, %select_n3A_582 : i32
      %select_n3A_593 = arith.select %and3A_591, %add3A_592, %rem3A_583 : i32
      %mul3A_594 = arith.constant 32 : i32
      %mul3A_595 = arith.muli %mul3A_594, %select_n3A_593 : i32
      %add3A_596 = arith.addi %add3A, %mul3A_595 : i32
      %dma_wait3A_597 = arith.constant 0 : i32
      %dma_wait3A_598 = tpu.memref_slice %arg6[%select_n3A_273, %select_n3A_289, %dma_wait3A_597] : memref<9x5x64xi32, #tpu.memory_space<vmem>> -> memref<1x1x64xi32, #tpu.memory_space<vmem>>
      %dma_wait3A_599 = tpu.memref_squeeze %dma_wait3A_598 : memref<1x1x64xi32, #tpu.memory_space<vmem>> -> memref<64xi32, #tpu.memory_space<vmem>>
      %dma_wait3A_600 = arith.constant 0 : i32
      %dma_wait3A_601 = arith.constant 0 : i32
      %dma_wait3A_602 = tpu.memref_slice %arg5[%dma_wait3A_600, %dma_wait3A_601] : memref<10112x128xi32, #tpu.memory_space<vmem_shared>> -> memref<10112x128xi32, #tpu.memory_space<vmem_shared>>
      tpu.wait_indirect_dma semaphore(%arg15 : memref<!tpu.dma_semaphore, #tpu.memory_space<semaphore_mem>>) src(%dma_wait3A_602 : memref<10112x128xi32, #tpu.memory_space<vmem_shared>>) dst(%arg9 : memref<64x128xi32, #tpu.memory_space<vmem>>)
      %mul3A_603 = arith.constant 64 : i32
      %mul3A_604 = arith.muli %add3A_596, %mul3A_603 : i32
      %dma_start3A_605 = arith.constant 2 : i32
      %dma_start3A_606 = arith.constant 0 : i32
      %dma_start3A_607 = tpu.memref_slice %arg4[%select_n3A_577, %dma_start3A_605, %mul3A_604, %dma_start3A_606] : memref<9x4x10240x128xi32, #tpu.memory_space<hbm>> -> memref<1x1x64x128xi32, #tpu.memory_space<hbm>>
      %dma_start3A_608 = tpu.memref_squeeze %dma_start3A_607 : memref<1x1x64x128xi32, #tpu.memory_space<hbm>> -> memref<64x128xi32, #tpu.memory_space<hbm>>
      %dma_start3A_609 = arith.constant 0 : i32
      %dma_start3A_610 = tpu.memref_slice %arg4[%select_n3A_577, %dma_start3A_605, %mul3A_604, %dma_start3A_609] : memref<9x4x10240x128xi32, #tpu.memory_space<hbm>> -> memref<1x1x64x128xi32, #tpu.memory_space<hbm>>
      %dma_start3A_611 = tpu.memref_squeeze %dma_start3A_610 : memref<1x1x64x128xi32, #tpu.memory_space<hbm>> -> memref<64x128xi32, #tpu.memory_space<hbm>>
      tpu.enqueue_dma source(%arg9 : memref<64x128xi32, #tpu.memory_space<vmem>>) target(%dma_start3A_611 : memref<64x128xi32, #tpu.memory_space<hbm>>) target_semaphore(%arg20 : memref<!tpu.dma_semaphore, #tpu.memory_space<semaphore_mem>>)
      %mul3A_612 = arith.constant 5 : i32
      %mul3A_613 = arith.muli %scan3A_135, %mul3A_612 : i32
      %add3A_614 = arith.constant 3 : i32
      %add3A_615 = arith.addi %mul3A_613, %add3A_614 : i32
      %jit3A_616 = arith.constant 5 : i32
      %div3A_617 = arith.divsi %add3A_615, %jit3A_616 : i32
      %sign3A_618 = arith.constant 0 : i32
      %sign3A_619 = arith.cmpi sgt, %add3A_615, %sign3A_618 : i32
      %sign3A_620 = arith.extui %sign3A_619 : i1 to i32
      %sign3A_621 = arith.constant 0 : i32
      %sign3A_622 = arith.cmpi slt, %add3A_615, %sign3A_621 : i32
      %sign3A_623 = arith.extui %sign3A_622 : i1 to i32
      %sign3A_624 = arith.subi %sign3A_620, %sign3A_623 : i32
      %sign3A_625 = arith.constant 0 : i32
      %sign3A_626 = arith.cmpi sgt, %jit3A_616, %sign3A_625 : i32
      %sign3A_627 = arith.extui %sign3A_626 : i1 to i32
      %sign3A_628 = arith.constant 0 : i32
      %sign3A_629 = arith.cmpi slt, %jit3A_616, %sign3A_628 : i32
      %sign3A_630 = arith.extui %sign3A_629 : i1 to i32
      %sign3A_631 = arith.subi %sign3A_627, %sign3A_630 : i32
      %ne3A_632 = arith.cmpi ne, %sign3A_624, %sign3A_631 : i32
      %rem3A_633 = arith.remsi %add3A_615, %jit3A_616 : i32
      %ne3A_634 = arith.constant 0 : i32
      %ne3A_635 = arith.cmpi ne, %rem3A_633, %ne3A_634 : i32
      %and3A_636 = arith.andi %ne3A_632, %ne3A_635 : i1
      %sub3A_637 = arith.constant 1 : i32
      %sub3A_638 = arith.subi %div3A_617, %sub3A_637 : i32
      %select_n3A_639 = arith.select %and3A_636, %sub3A_638, %div3A_617 : i32
      %jit3A_640 = arith.constant 5 : i32
      %eq3A_641 = arith.constant 0 : i32
      %eq3A_642 = arith.cmpi eq, %jit3A_640, %eq3A_641 : i32
      %jit3A_643 = arith.constant 1 : i32
      %select_n3A_644 = arith.select %eq3A_642, %jit3A_643, %jit3A_640 : i32
      %rem3A_645 = arith.remsi %add3A_615, %select_n3A_644 : i32
      %ne3A_646 = arith.constant 0 : i32
      %ne3A_647 = arith.cmpi ne, %rem3A_645, %ne3A_646 : i32
      %lt3A_648 = arith.constant 0 : i32
      %lt3A_649 = arith.cmpi slt, %rem3A_645, %lt3A_648 : i32
      %lt3A_650 = arith.constant 0 : i32
      %lt3A_651 = arith.cmpi slt, %select_n3A_644, %lt3A_650 : i32
      %ne3A_652 = arith.xori %lt3A_649, %lt3A_651 : i1
      %and3A_653 = arith.andi %ne3A_652, %ne3A_647 : i1
      %add3A_654 = arith.addi %rem3A_645, %select_n3A_644 : i32
      %select_n3A_655 = arith.select %and3A_653, %add3A_654, %rem3A_645 : i32
      %mul3A_656 = arith.constant 32 : i32
      %mul3A_657 = arith.muli %mul3A_656, %select_n3A_655 : i32
      %add3A_658 = arith.addi %add3A, %mul3A_657 : i32
      %dma_wait3A_659 = arith.constant 0 : i32
      %dma_wait3A_660 = tpu.memref_slice %arg6[%select_n3A_333, %select_n3A_349, %dma_wait3A_659] : memref<9x5x64xi32, #tpu.memory_space<vmem>> -> memref<1x1x64xi32, #tpu.memory_space<vmem>>
      %dma_wait3A_661 = tpu.memref_squeeze %dma_wait3A_660 : memref<1x1x64xi32, #tpu.memory_space<vmem>> -> memref<64xi32, #tpu.memory_space<vmem>>
      %dma_wait3A_662 = arith.constant 0 : i32
      %dma_wait3A_663 = arith.constant 0 : i32
      %dma_wait3A_664 = tpu.memref_slice %arg5[%dma_wait3A_662, %dma_wait3A_663] : memref<10112x128xi32, #tpu.memory_space<vmem_shared>> -> memref<10112x128xi32, #tpu.memory_space<vmem_shared>>
      tpu.wait_indirect_dma semaphore(%arg16 : memref<!tpu.dma_semaphore, #tpu.memory_space<semaphore_mem>>) src(%dma_wait3A_664 : memref<10112x128xi32, #tpu.memory_space<vmem_shared>>) dst(%arg10 : memref<64x128xi32, #tpu.memory_space<vmem>>)
      %mul3A_665 = arith.constant 64 : i32
      %mul3A_666 = arith.muli %add3A_658, %mul3A_665 : i32
      %dma_start3A_667 = arith.constant 2 : i32
      %dma_start3A_668 = arith.constant 0 : i32
      %dma_start3A_669 = tpu.memref_slice %arg4[%select_n3A_639, %dma_start3A_667, %mul3A_666, %dma_start3A_668] : memref<9x4x10240x128xi32, #tpu.memory_space<hbm>> -> memref<1x1x64x128xi32, #tpu.memory_space<hbm>>
      %dma_start3A_670 = tpu.memref_squeeze %dma_start3A_669 : memref<1x1x64x128xi32, #tpu.memory_space<hbm>> -> memref<64x128xi32, #tpu.memory_space<hbm>>
      %dma_start3A_671 = arith.constant 0 : i32
      %dma_start3A_672 = tpu.memref_slice %arg4[%select_n3A_639, %dma_start3A_667, %mul3A_666, %dma_start3A_671] : memref<9x4x10240x128xi32, #tpu.memory_space<hbm>> -> memref<1x1x64x128xi32, #tpu.memory_space<hbm>>
      %dma_start3A_673 = tpu.memref_squeeze %dma_start3A_672 : memref<1x1x64x128xi32, #tpu.memory_space<hbm>> -> memref<64x128xi32, #tpu.memory_space<hbm>>
      tpu.enqueue_dma source(%arg10 : memref<64x128xi32, #tpu.memory_space<vmem>>) target(%dma_start3A_673 : memref<64x128xi32, #tpu.memory_space<hbm>>) target_semaphore(%arg21 : memref<!tpu.dma_semaphore, #tpu.memory_space<semaphore_mem>>)
      %mul3A_674 = arith.constant 5 : i32
      %mul3A_675 = arith.muli %scan3A_135, %mul3A_674 : i32
      %add3A_676 = arith.constant 4 : i32
      %add3A_677 = arith.addi %mul3A_675, %add3A_676 : i32
      %jit3A_678 = arith.constant 5 : i32
      %div3A_679 = arith.divsi %add3A_677, %jit3A_678 : i32
      %sign3A_680 = arith.constant 0 : i32
      %sign3A_681 = arith.cmpi sgt, %add3A_677, %sign3A_680 : i32
      %sign3A_682 = arith.extui %sign3A_681 : i1 to i32
      %sign3A_683 = arith.constant 0 : i32
      %sign3A_684 = arith.cmpi slt, %add3A_677, %sign3A_683 : i32
      %sign3A_685 = arith.extui %sign3A_684 : i1 to i32
      %sign3A_686 = arith.subi %sign3A_682, %sign3A_685 : i32
      %sign3A_687 = arith.constant 0 : i32
      %sign3A_688 = arith.cmpi sgt, %jit3A_678, %sign3A_687 : i32
      %sign3A_689 = arith.extui %sign3A_688 : i1 to i32
      %sign3A_690 = arith.constant 0 : i32
      %sign3A_691 = arith.cmpi slt, %jit3A_678, %sign3A_690 : i32
      %sign3A_692 = arith.extui %sign3A_691 : i1 to i32
      %sign3A_693 = arith.subi %sign3A_689, %sign3A_692 : i32
      %ne3A_694 = arith.cmpi ne, %sign3A_686, %sign3A_693 : i32
      %rem3A_695 = arith.remsi %add3A_677, %jit3A_678 : i32
      %ne3A_696 = arith.constant 0 : i32
      %ne3A_697 = arith.cmpi ne, %rem3A_695, %ne3A_696 : i32
      %and3A_698 = arith.andi %ne3A_694, %ne3A_697 : i1
      %sub3A_699 = arith.constant 1 : i32
      %sub3A_700 = arith.subi %div3A_679, %sub3A_699 : i32
      %select_n3A_701 = arith.select %and3A_698, %sub3A_700, %div3A_679 : i32
      %jit3A_702 = arith.constant 5 : i32
      %eq3A_703 = arith.constant 0 : i32
      %eq3A_704 = arith.cmpi eq, %jit3A_702, %eq3A_703 : i32
      %jit3A_705 = arith.constant 1 : i32
      %select_n3A_706 = arith.select %eq3A_704, %jit3A_705, %jit3A_702 : i32
      %rem3A_707 = arith.remsi %add3A_677, %select_n3A_706 : i32
      %ne3A_708 = arith.constant 0 : i32
      %ne3A_709 = arith.cmpi ne, %rem3A_707, %ne3A_708 : i32
      %lt3A_710 = arith.constant 0 : i32
      %lt3A_711 = arith.cmpi slt, %rem3A_707, %lt3A_710 : i32
      %lt3A_712 = arith.constant 0 : i32
      %lt3A_713 = arith.cmpi slt, %select_n3A_706, %lt3A_712 : i32
      %ne3A_714 = arith.xori %lt3A_711, %lt3A_713 : i1
      %and3A_715 = arith.andi %ne3A_714, %ne3A_709 : i1
      %add3A_716 = arith.addi %rem3A_707, %select_n3A_706 : i32
      %select_n3A_717 = arith.select %and3A_715, %add3A_716, %rem3A_707 : i32
      %mul3A_718 = arith.constant 32 : i32
      %mul3A_719 = arith.muli %mul3A_718, %select_n3A_717 : i32
      %add3A_720 = arith.addi %add3A, %mul3A_719 : i32
      %dma_wait3A_721 = arith.constant 0 : i32
      %dma_wait3A_722 = tpu.memref_slice %arg6[%select_n3A_393, %select_n3A_409, %dma_wait3A_721] : memref<9x5x64xi32, #tpu.memory_space<vmem>> -> memref<1x1x64xi32, #tpu.memory_space<vmem>>
      %dma_wait3A_723 = tpu.memref_squeeze %dma_wait3A_722 : memref<1x1x64xi32, #tpu.memory_space<vmem>> -> memref<64xi32, #tpu.memory_space<vmem>>
      %dma_wait3A_724 = arith.constant 0 : i32
      %dma_wait3A_725 = arith.constant 0 : i32
      %dma_wait3A_726 = tpu.memref_slice %arg5[%dma_wait3A_724, %dma_wait3A_725] : memref<10112x128xi32, #tpu.memory_space<vmem_shared>> -> memref<10112x128xi32, #tpu.memory_space<vmem_shared>>
      tpu.wait_indirect_dma semaphore(%arg17 : memref<!tpu.dma_semaphore, #tpu.memory_space<semaphore_mem>>) src(%dma_wait3A_726 : memref<10112x128xi32, #tpu.memory_space<vmem_shared>>) dst(%arg11 : memref<64x128xi32, #tpu.memory_space<vmem>>)
      %mul3A_727 = arith.constant 64 : i32
      %mul3A_728 = arith.muli %add3A_720, %mul3A_727 : i32
      %dma_start3A_729 = arith.constant 2 : i32
      %dma_start3A_730 = arith.constant 0 : i32
      %dma_start3A_731 = tpu.memref_slice %arg4[%select_n3A_701, %dma_start3A_729, %mul3A_728, %dma_start3A_730] : memref<9x4x10240x128xi32, #tpu.memory_space<hbm>> -> memref<1x1x64x128xi32, #tpu.memory_space<hbm>>
      %dma_start3A_732 = tpu.memref_squeeze %dma_start3A_731 : memref<1x1x64x128xi32, #tpu.memory_space<hbm>> -> memref<64x128xi32, #tpu.memory_space<hbm>>
      %dma_start3A_733 = arith.constant 0 : i32
      %dma_start3A_734 = tpu.memref_slice %arg4[%select_n3A_701, %dma_start3A_729, %mul3A_728, %dma_start3A_733] : memref<9x4x10240x128xi32, #tpu.memory_space<hbm>> -> memref<1x1x64x128xi32, #tpu.memory_space<hbm>>
      %dma_start3A_735 = tpu.memref_squeeze %dma_start3A_734 : memref<1x1x64x128xi32, #tpu.memory_space<hbm>> -> memref<64x128xi32, #tpu.memory_space<hbm>>
      tpu.enqueue_dma source(%arg11 : memref<64x128xi32, #tpu.memory_space<vmem>>) target(%dma_start3A_735 : memref<64x128xi32, #tpu.memory_space<hbm>>) target_semaphore(%arg22 : memref<!tpu.dma_semaphore, #tpu.memory_space<semaphore_mem>>)
    }
    %scan3A_61 = arith.constant 9 : i32
    %barrier3A_62 = arith.constant 0 : index
    tpu.barrier barrier_id(%barrier3A_62)
    %mul3A_63 = arith.constant 632 : i32
    %mul3A_64 = arith.muli %arg1, %mul3A_63 : i32
    %add3A_65 = arith.constant 30336 : i32
    %add3A_66 = arith.addi %add3A_65, %mul3A_64 : i32
    %mul3A_67 = arith.constant 632 : i32
    %mul3A_68 = arith.muli %arg1, %mul3A_67 : i32
    %dma_start3A_69 = arith.constant 0 : i32
    %dma_start3A_70 = tpu.memref_slice %arg5[%mul3A_68, %dma_start3A_69] : memref<10112x128xi32, #tpu.memory_space<vmem_shared>> -> memref<632x128xi32, #tpu.memory_space<vmem_shared>>
    %dma_start3A_71 = arith.constant 0 : i32
    %dma_start3A_72 = tpu.memref_slice %arg2[%add3A_66, %dma_start3A_71] : memref<40448x128xi32, #tpu.memory_space<hbm>> -> memref<632x128xi32, #tpu.memory_space<hbm>>
    tpu.enqueue_dma source(%dma_start3A_72 : memref<632x128xi32, #tpu.memory_space<hbm>>) target(%dma_start3A_70 : memref<632x128xi32, #tpu.memory_space<vmem_shared>>) target_semaphore(%arg12 : memref<!tpu.dma_semaphore, #tpu.memory_space<semaphore_mem>>)
    %dma_wait3A_73 = arith.constant 0 : i32
    %dma_wait3A_74 = tpu.memref_slice %arg5[%mul3A_68, %dma_wait3A_73] : memref<10112x128xi32, #tpu.memory_space<vmem_shared>> -> memref<632x128xi32, #tpu.memory_space<vmem_shared>>
    %dma_wait3A_75 = arith.constant 0 : i32
    %dma_wait3A_76 = tpu.memref_slice %arg2[%add3A_66, %dma_wait3A_75] : memref<40448x128xi32, #tpu.memory_space<hbm>> -> memref<632x128xi32, #tpu.memory_space<hbm>>
    tpu.wait_dma2 semaphore(%arg12 : memref<!tpu.dma_semaphore, #tpu.memory_space<semaphore_mem>>) src(%dma_wait3A_76 : memref<632x128xi32, #tpu.memory_space<hbm>>) dst(%dma_wait3A_74 : memref<632x128xi32, #tpu.memory_space<vmem_shared>>)
    %barrier3A_77 = arith.constant 0 : index
    tpu.barrier barrier_id(%barrier3A_77)
    %scan3A_78 = arith.constant 0 : i32
    %scan3A_79 = arith.constant 0 : i32
    %scan3A_80 = arith.constant 9 : i32
    %scan3A_81 = arith.addi %scan3A_79, %scan3A_80 : i32
    %scan3A_82 = arith.constant 1 : i32
    scf.for %scan3A_135 = %scan3A_79 to %scan3A_81 step %scan3A_82  : i32 {
      %mul3A_136 = arith.constant 5 : i32
      %mul3A_137 = arith.muli %scan3A_135, %mul3A_136 : i32
      %add3A_138 = arith.constant 0 : i32
      %add3A_139 = arith.addi %mul3A_137, %add3A_138 : i32
      %jit3A = arith.constant 5 : i32
      %div3A = arith.divsi %add3A_139, %jit3A : i32
      %sign3A = arith.constant 0 : i32
      %sign3A_140 = arith.cmpi sgt, %add3A_139, %sign3A : i32
      %sign3A_141 = arith.extui %sign3A_140 : i1 to i32
      %sign3A_142 = arith.constant 0 : i32
      %sign3A_143 = arith.cmpi slt, %add3A_139, %sign3A_142 : i32
      %sign3A_144 = arith.extui %sign3A_143 : i1 to i32
      %sign3A_145 = arith.subi %sign3A_141, %sign3A_144 : i32
      %sign3A_146 = arith.constant 0 : i32
      %sign3A_147 = arith.cmpi sgt, %jit3A, %sign3A_146 : i32
      %sign3A_148 = arith.extui %sign3A_147 : i1 to i32
      %sign3A_149 = arith.constant 0 : i32
      %sign3A_150 = arith.cmpi slt, %jit3A, %sign3A_149 : i32
      %sign3A_151 = arith.extui %sign3A_150 : i1 to i32
      %sign3A_152 = arith.subi %sign3A_148, %sign3A_151 : i32
      %ne3A = arith.cmpi ne, %sign3A_145, %sign3A_152 : i32
      %rem3A = arith.remsi %add3A_139, %jit3A : i32
      %ne3A_153 = arith.constant 0 : i32
      %ne3A_154 = arith.cmpi ne, %rem3A, %ne3A_153 : i32
      %and3A = arith.andi %ne3A, %ne3A_154 : i1
      %sub3A = arith.constant 1 : i32
      %sub3A_155 = arith.subi %div3A, %sub3A : i32
      %select_n3A = arith.select %and3A, %sub3A_155, %div3A : i32
      %jit3A_156 = arith.constant 5 : i32
      %eq3A = arith.constant 0 : i32
      %eq3A_157 = arith.cmpi eq, %jit3A_156, %eq3A : i32
      %jit3A_158 = arith.constant 1 : i32
      %select_n3A_159 = arith.select %eq3A_157, %jit3A_158, %jit3A_156 : i32
      %rem3A_160 = arith.remsi %add3A_139, %select_n3A_159 : i32
      %ne3A_161 = arith.constant 0 : i32
      %ne3A_162 = arith.cmpi ne, %rem3A_160, %ne3A_161 : i32
      %lt3A = arith.constant 0 : i32
      %lt3A_163 = arith.cmpi slt, %rem3A_160, %lt3A : i32
      %lt3A_164 = arith.constant 0 : i32
      %lt3A_165 = arith.cmpi slt, %select_n3A_159, %lt3A_164 : i32
      %ne3A_166 = arith.xori %lt3A_163, %lt3A_165 : i1
      %and3A_167 = arith.andi %ne3A_166, %ne3A_162 : i1
      %add3A_168 = arith.addi %rem3A_160, %select_n3A_159 : i32
      %select_n3A_169 = arith.select %and3A_167, %add3A_168, %rem3A_160 : i32
      %dma_wait3A_170 = arith.constant 0 : i32
      %dma_wait3A_171 = arith.constant 0 : i32
      %dma_wait3A_172 = arith.constant 0 : i32
      %dma_wait3A_173 = arith.constant 0 : i32
      %dma_wait3A_174 = tpu.memref_slice %arg4[%dma_wait3A_170, %dma_wait3A_171, %dma_wait3A_172, %dma_wait3A_173] : memref<9x4x10240x128xi32, #tpu.memory_space<hbm>> -> memref<1x1x64x128xi32, #tpu.memory_space<hbm>>
      %dma_wait3A_175 = tpu.memref_squeeze %dma_wait3A_174 : memref<1x1x64x128xi32, #tpu.memory_space<hbm>> -> memref<64x128xi32, #tpu.memory_space<hbm>>
      %dma_wait3A_176 = arith.constant 0 : i32
      %dma_wait3A_177 = arith.constant 0 : i32
      %dma_wait3A_178 = tpu.memref_slice %arg4[%dma_wait3A_170, %dma_wait3A_171, %dma_wait3A_176, %dma_wait3A_177] : memref<9x4x10240x128xi32, #tpu.memory_space<hbm>> -> memref<1x1x64x128xi32, #tpu.memory_space<hbm>>
      %dma_wait3A_179 = tpu.memref_squeeze %dma_wait3A_178 : memref<1x1x64x128xi32, #tpu.memory_space<hbm>> -> memref<64x128xi32, #tpu.memory_space<hbm>>
      tpu.wait_dma2 semaphore(%arg18 : memref<!tpu.dma_semaphore, #tpu.memory_space<semaphore_mem>>) src(%arg7 : memref<64x128xi32, #tpu.memory_space<vmem>>) dst(%dma_wait3A_179 : memref<64x128xi32, #tpu.memory_space<hbm>>)
      %dma_start3A_180 = arith.constant 0 : i32
      %dma_start3A_181 = tpu.memref_slice %arg6[%select_n3A, %select_n3A_169, %dma_start3A_180] : memref<9x5x64xi32, #tpu.memory_space<vmem>> -> memref<1x1x64xi32, #tpu.memory_space<vmem>>
      %dma_start3A_182 = tpu.memref_squeeze %dma_start3A_181 : memref<1x1x64xi32, #tpu.memory_space<vmem>> -> memref<64xi32, #tpu.memory_space<vmem>>
      %dma_start3A_183 = arith.constant 0 : i32
      %dma_start3A_184 = arith.constant 0 : i32
      %dma_start3A_185 = tpu.memref_slice %arg5[%dma_start3A_183, %dma_start3A_184] : memref<10112x128xi32, #tpu.memory_space<vmem_shared>> -> memref<10112x128xi32, #tpu.memory_space<vmem_shared>>
      tpu.enqueue_indirect_dma source(%dma_start3A_185 : memref<10112x128xi32, #tpu.memory_space<vmem_shared>>) target(%arg7 : memref<64x128xi32, #tpu.memory_space<vmem>>) offsets(%dma_start3A_182 : memref<64xi32, #tpu.memory_space<vmem>>) semaphore(%arg13 : memref<!tpu.dma_semaphore, #tpu.memory_space<semaphore_mem>>)
      %mul3A_186 = arith.constant 5 : i32
      %mul3A_187 = arith.muli %scan3A_135, %mul3A_186 : i32
      %add3A_188 = arith.constant 1 : i32
      %add3A_189 = arith.addi %mul3A_187, %add3A_188 : i32
      %jit3A_190 = arith.constant 5 : i32
      %div3A_191 = arith.divsi %add3A_189, %jit3A_190 : i32
      %sign3A_192 = arith.constant 0 : i32
      %sign3A_193 = arith.cmpi sgt, %add3A_189, %sign3A_192 : i32
      %sign3A_194 = arith.extui %sign3A_193 : i1 to i32
      %sign3A_195 = arith.constant 0 : i32
      %sign3A_196 = arith.cmpi slt, %add3A_189, %sign3A_195 : i32
      %sign3A_197 = arith.extui %sign3A_196 : i1 to i32
      %sign3A_198 = arith.subi %sign3A_194, %sign3A_197 : i32
      %sign3A_199 = arith.constant 0 : i32
      %sign3A_200 = arith.cmpi sgt, %jit3A_190, %sign3A_199 : i32
      %sign3A_201 = arith.extui %sign3A_200 : i1 to i32
      %sign3A_202 = arith.constant 0 : i32
      %sign3A_203 = arith.cmpi slt, %jit3A_190, %sign3A_202 : i32
      %sign3A_204 = arith.extui %sign3A_203 : i1 to i32
      %sign3A_205 = arith.subi %sign3A_201, %sign3A_204 : i32
      %ne3A_206 = arith.cmpi ne, %sign3A_198, %sign3A_205 : i32
      %rem3A_207 = arith.remsi %add3A_189, %jit3A_190 : i32
      %ne3A_208 = arith.constant 0 : i32
      %ne3A_209 = arith.cmpi ne, %rem3A_207, %ne3A_208 : i32
      %and3A_210 = arith.andi %ne3A_206, %ne3A_209 : i1
      %sub3A_211 = arith.constant 1 : i32
      %sub3A_212 = arith.subi %div3A_191, %sub3A_211 : i32
      %select_n3A_213 = arith.select %and3A_210, %sub3A_212, %div3A_191 : i32
      %jit3A_214 = arith.constant 5 : i32
      %eq3A_215 = arith.constant 0 : i32
      %eq3A_216 = arith.cmpi eq, %jit3A_214, %eq3A_215 : i32
      %jit3A_217 = arith.constant 1 : i32
      %select_n3A_218 = arith.select %eq3A_216, %jit3A_217, %jit3A_214 : i32
      %rem3A_219 = arith.remsi %add3A_189, %select_n3A_218 : i32
      %ne3A_220 = arith.constant 0 : i32
      %ne3A_221 = arith.cmpi ne, %rem3A_219, %ne3A_220 : i32
      %lt3A_222 = arith.constant 0 : i32
      %lt3A_223 = arith.cmpi slt, %rem3A_219, %lt3A_222 : i32
      %lt3A_224 = arith.constant 0 : i32
      %lt3A_225 = arith.cmpi slt, %select_n3A_218, %lt3A_224 : i32
      %ne3A_226 = arith.xori %lt3A_223, %lt3A_225 : i1
      %and3A_227 = arith.andi %ne3A_226, %ne3A_221 : i1
      %add3A_228 = arith.addi %rem3A_219, %select_n3A_218 : i32
      %select_n3A_229 = arith.select %and3A_227, %add3A_228, %rem3A_219 : i32
      %dma_wait3A_230 = arith.constant 0 : i32
      %dma_wait3A_231 = arith.constant 0 : i32
      %dma_wait3A_232 = arith.constant 0 : i32
      %dma_wait3A_233 = arith.constant 0 : i32
      %dma_wait3A_234 = tpu.memref_slice %arg4[%dma_wait3A_230, %dma_wait3A_231, %dma_wait3A_232, %dma_wait3A_233] : memref<9x4x10240x128xi32, #tpu.memory_space<hbm>> -> memref<1x1x64x128xi32, #tpu.memory_space<hbm>>
      %dma_wait3A_235 = tpu.memref_squeeze %dma_wait3A_234 : memref<1x1x64x128xi32, #tpu.memory_space<hbm>> -> memref<64x128xi32, #tpu.memory_space<hbm>>
      %dma_wait3A_236 = arith.constant 0 : i32
      %dma_wait3A_237 = arith.constant 0 : i32
      %dma_wait3A_238 = tpu.memref_slice %arg4[%dma_wait3A_230, %dma_wait3A_231, %dma_wait3A_236, %dma_wait3A_237] : memref<9x4x10240x128xi32, #tpu.memory_space<hbm>> -> memref<1x1x64x128xi32, #tpu.memory_space<hbm>>
      %dma_wait3A_239 = tpu.memref_squeeze %dma_wait3A_238 : memref<1x1x64x128xi32, #tpu.memory_space<hbm>> -> memref<64x128xi32, #tpu.memory_space<hbm>>
      tpu.wait_dma2 semaphore(%arg19 : memref<!tpu.dma_semaphore, #tpu.memory_space<semaphore_mem>>) src(%arg8 : memref<64x128xi32, #tpu.memory_space<vmem>>) dst(%dma_wait3A_239 : memref<64x128xi32, #tpu.memory_space<hbm>>)
      %dma_start3A_240 = arith.constant 0 : i32
      %dma_start3A_241 = tpu.memref_slice %arg6[%select_n3A_213, %select_n3A_229, %dma_start3A_240] : memref<9x5x64xi32, #tpu.memory_space<vmem>> -> memref<1x1x64xi32, #tpu.memory_space<vmem>>
      %dma_start3A_242 = tpu.memref_squeeze %dma_start3A_241 : memref<1x1x64xi32, #tpu.memory_space<vmem>> -> memref<64xi32, #tpu.memory_space<vmem>>
      %dma_start3A_243 = arith.constant 0 : i32
      %dma_start3A_244 = arith.constant 0 : i32
      %dma_start3A_245 = tpu.memref_slice %arg5[%dma_start3A_243, %dma_start3A_244] : memref<10112x128xi32, #tpu.memory_space<vmem_shared>> -> memref<10112x128xi32, #tpu.memory_space<vmem_shared>>
      tpu.enqueue_indirect_dma source(%dma_start3A_245 : memref<10112x128xi32, #tpu.memory_space<vmem_shared>>) target(%arg8 : memref<64x128xi32, #tpu.memory_space<vmem>>) offsets(%dma_start3A_242 : memref<64xi32, #tpu.memory_space<vmem>>) semaphore(%arg14 : memref<!tpu.dma_semaphore, #tpu.memory_space<semaphore_mem>>)
      %mul3A_246 = arith.constant 5 : i32
      %mul3A_247 = arith.muli %scan3A_135, %mul3A_246 : i32
      %add3A_248 = arith.constant 2 : i32
      %add3A_249 = arith.addi %mul3A_247, %add3A_248 : i32
      %jit3A_250 = arith.constant 5 : i32
      %div3A_251 = arith.divsi %add3A_249, %jit3A_250 : i32
      %sign3A_252 = arith.constant 0 : i32
      %sign3A_253 = arith.cmpi sgt, %add3A_249, %sign3A_252 : i32
      %sign3A_254 = arith.extui %sign3A_253 : i1 to i32
      %sign3A_255 = arith.constant 0 : i32
      %sign3A_256 = arith.cmpi slt, %add3A_249, %sign3A_255 : i32
      %sign3A_257 = arith.extui %sign3A_256 : i1 to i32
      %sign3A_258 = arith.subi %sign3A_254, %sign3A_257 : i32
      %sign3A_259 = arith.constant 0 : i32
      %sign3A_260 = arith.cmpi sgt, %jit3A_250, %sign3A_259 : i32
      %sign3A_261 = arith.extui %sign3A_260 : i1 to i32
      %sign3A_262 = arith.constant 0 : i32
      %sign3A_263 = arith.cmpi slt, %jit3A_250, %sign3A_262 : i32
      %sign3A_264 = arith.extui %sign3A_263 : i1 to i32
      %sign3A_265 = arith.subi %sign3A_261, %sign3A_264 : i32
      %ne3A_266 = arith.cmpi ne, %sign3A_258, %sign3A_265 : i32
      %rem3A_267 = arith.remsi %add3A_249, %jit3A_250 : i32
      %ne3A_268 = arith.constant 0 : i32
      %ne3A_269 = arith.cmpi ne, %rem3A_267, %ne3A_268 : i32
      %and3A_270 = arith.andi %ne3A_266, %ne3A_269 : i1
      %sub3A_271 = arith.constant 1 : i32
      %sub3A_272 = arith.subi %div3A_251, %sub3A_271 : i32
      %select_n3A_273 = arith.select %and3A_270, %sub3A_272, %div3A_251 : i32
      %jit3A_274 = arith.constant 5 : i32
      %eq3A_275 = arith.constant 0 : i32
      %eq3A_276 = arith.cmpi eq, %jit3A_274, %eq3A_275 : i32
      %jit3A_277 = arith.constant 1 : i32
      %select_n3A_278 = arith.select %eq3A_276, %jit3A_277, %jit3A_274 : i32
      %rem3A_279 = arith.remsi %add3A_249, %select_n3A_278 : i32
      %ne3A_280 = arith.constant 0 : i32
      %ne3A_281 = arith.cmpi ne, %rem3A_279, %ne3A_280 : i32
      %lt3A_282 = arith.constant 0 : i32
      %lt3A_283 = arith.cmpi slt, %rem3A_279, %lt3A_282 : i32
      %lt3A_284 = arith.constant 0 : i32
      %lt3A_285 = arith.cmpi slt, %select_n3A_278, %lt3A_284 : i32
      %ne3A_286 = arith.xori %lt3A_283, %lt3A_285 : i1
      %and3A_287 = arith.andi %ne3A_286, %ne3A_281 : i1
      %add3A_288 = arith.addi %rem3A_279, %select_n3A_278 : i32
      %select_n3A_289 = arith.select %and3A_287, %add3A_288, %rem3A_279 : i32
      %dma_wait3A_290 = arith.constant 0 : i32
      %dma_wait3A_291 = arith.constant 0 : i32
      %dma_wait3A_292 = arith.constant 0 : i32
      %dma_wait3A_293 = arith.constant 0 : i32
      %dma_wait3A_294 = tpu.memref_slice %arg4[%dma_wait3A_290, %dma_wait3A_291, %dma_wait3A_292, %dma_wait3A_293] : memref<9x4x10240x128xi32, #tpu.memory_space<hbm>> -> memref<1x1x64x128xi32, #tpu.memory_space<hbm>>
      %dma_wait3A_295 = tpu.memref_squeeze %dma_wait3A_294 : memref<1x1x64x128xi32, #tpu.memory_space<hbm>> -> memref<64x128xi32, #tpu.memory_space<hbm>>
      %dma_wait3A_296 = arith.constant 0 : i32
      %dma_wait3A_297 = arith.constant 0 : i32
      %dma_wait3A_298 = tpu.memref_slice %arg4[%dma_wait3A_290, %dma_wait3A_291, %dma_wait3A_296, %dma_wait3A_297] : memref<9x4x10240x128xi32, #tpu.memory_space<hbm>> -> memref<1x1x64x128xi32, #tpu.memory_space<hbm>>
      %dma_wait3A_299 = tpu.memref_squeeze %dma_wait3A_298 : memref<1x1x64x128xi32, #tpu.memory_space<hbm>> -> memref<64x128xi32, #tpu.memory_space<hbm>>
      tpu.wait_dma2 semaphore(%arg20 : memref<!tpu.dma_semaphore, #tpu.memory_space<semaphore_mem>>) src(%arg9 : memref<64x128xi32, #tpu.memory_space<vmem>>) dst(%dma_wait3A_299 : memref<64x128xi32, #tpu.memory_space<hbm>>)
      %dma_start3A_300 = arith.constant 0 : i32
      %dma_start3A_301 = tpu.memref_slice %arg6[%select_n3A_273, %select_n3A_289, %dma_start3A_300] : memref<9x5x64xi32, #tpu.memory_space<vmem>> -> memref<1x1x64xi32, #tpu.memory_space<vmem>>
      %dma_start3A_302 = tpu.memref_squeeze %dma_start3A_301 : memref<1x1x64xi32, #tpu.memory_space<vmem>> -> memref<64xi32, #tpu.memory_space<vmem>>
      %dma_start3A_303 = arith.constant 0 : i32
      %dma_start3A_304 = arith.constant 0 : i32
      %dma_start3A_305 = tpu.memref_slice %arg5[%dma_start3A_303, %dma_start3A_304] : memref<10112x128xi32, #tpu.memory_space<vmem_shared>> -> memref<10112x128xi32, #tpu.memory_space<vmem_shared>>
      tpu.enqueue_indirect_dma source(%dma_start3A_305 : memref<10112x128xi32, #tpu.memory_space<vmem_shared>>) target(%arg9 : memref<64x128xi32, #tpu.memory_space<vmem>>) offsets(%dma_start3A_302 : memref<64xi32, #tpu.memory_space<vmem>>) semaphore(%arg15 : memref<!tpu.dma_semaphore, #tpu.memory_space<semaphore_mem>>)
      %mul3A_306 = arith.constant 5 : i32
      %mul3A_307 = arith.muli %scan3A_135, %mul3A_306 : i32
      %add3A_308 = arith.constant 3 : i32
      %add3A_309 = arith.addi %mul3A_307, %add3A_308 : i32
      %jit3A_310 = arith.constant 5 : i32
      %div3A_311 = arith.divsi %add3A_309, %jit3A_310 : i32
      %sign3A_312 = arith.constant 0 : i32
      %sign3A_313 = arith.cmpi sgt, %add3A_309, %sign3A_312 : i32
      %sign3A_314 = arith.extui %sign3A_313 : i1 to i32
      %sign3A_315 = arith.constant 0 : i32
      %sign3A_316 = arith.cmpi slt, %add3A_309, %sign3A_315 : i32
      %sign3A_317 = arith.extui %sign3A_316 : i1 to i32
      %sign3A_318 = arith.subi %sign3A_314, %sign3A_317 : i32
      %sign3A_319 = arith.constant 0 : i32
      %sign3A_320 = arith.cmpi sgt, %jit3A_310, %sign3A_319 : i32
      %sign3A_321 = arith.extui %sign3A_320 : i1 to i32
      %sign3A_322 = arith.constant 0 : i32
      %sign3A_323 = arith.cmpi slt, %jit3A_310, %sign3A_322 : i32
      %sign3A_324 = arith.extui %sign3A_323 : i1 to i32
      %sign3A_325 = arith.subi %sign3A_321, %sign3A_324 : i32
      %ne3A_326 = arith.cmpi ne, %sign3A_318, %sign3A_325 : i32
      %rem3A_327 = arith.remsi %add3A_309, %jit3A_310 : i32
      %ne3A_328 = arith.constant 0 : i32
      %ne3A_329 = arith.cmpi ne, %rem3A_327, %ne3A_328 : i32
      %and3A_330 = arith.andi %ne3A_326, %ne3A_329 : i1
      %sub3A_331 = arith.constant 1 : i32
      %sub3A_332 = arith.subi %div3A_311, %sub3A_331 : i32
      %select_n3A_333 = arith.select %and3A_330, %sub3A_332, %div3A_311 : i32
      %jit3A_334 = arith.constant 5 : i32
      %eq3A_335 = arith.constant 0 : i32
      %eq3A_336 = arith.cmpi eq, %jit3A_334, %eq3A_335 : i32
      %jit3A_337 = arith.constant 1 : i32
      %select_n3A_338 = arith.select %eq3A_336, %jit3A_337, %jit3A_334 : i32
      %rem3A_339 = arith.remsi %add3A_309, %select_n3A_338 : i32
      %ne3A_340 = arith.constant 0 : i32
      %ne3A_341 = arith.cmpi ne, %rem3A_339, %ne3A_340 : i32
      %lt3A_342 = arith.constant 0 : i32
      %lt3A_343 = arith.cmpi slt, %rem3A_339, %lt3A_342 : i32
      %lt3A_344 = arith.constant 0 : i32
      %lt3A_345 = arith.cmpi slt, %select_n3A_338, %lt3A_344 : i32
      %ne3A_346 = arith.xori %lt3A_343, %lt3A_345 : i1
      %and3A_347 = arith.andi %ne3A_346, %ne3A_341 : i1
      %add3A_348 = arith.addi %rem3A_339, %select_n3A_338 : i32
      %select_n3A_349 = arith.select %and3A_347, %add3A_348, %rem3A_339 : i32
      %dma_wait3A_350 = arith.constant 0 : i32
      %dma_wait3A_351 = arith.constant 0 : i32
      %dma_wait3A_352 = arith.constant 0 : i32
      %dma_wait3A_353 = arith.constant 0 : i32
      %dma_wait3A_354 = tpu.memref_slice %arg4[%dma_wait3A_350, %dma_wait3A_351, %dma_wait3A_352, %dma_wait3A_353] : memref<9x4x10240x128xi32, #tpu.memory_space<hbm>> -> memref<1x1x64x128xi32, #tpu.memory_space<hbm>>
      %dma_wait3A_355 = tpu.memref_squeeze %dma_wait3A_354 : memref<1x1x64x128xi32, #tpu.memory_space<hbm>> -> memref<64x128xi32, #tpu.memory_space<hbm>>
      %dma_wait3A_356 = arith.constant 0 : i32
      %dma_wait3A_357 = arith.constant 0 : i32
      %dma_wait3A_358 = tpu.memref_slice %arg4[%dma_wait3A_350, %dma_wait3A_351, %dma_wait3A_356, %dma_wait3A_357] : memref<9x4x10240x128xi32, #tpu.memory_space<hbm>> -> memref<1x1x64x128xi32, #tpu.memory_space<hbm>>
      %dma_wait3A_359 = tpu.memref_squeeze %dma_wait3A_358 : memref<1x1x64x128xi32, #tpu.memory_space<hbm>> -> memref<64x128xi32, #tpu.memory_space<hbm>>
      tpu.wait_dma2 semaphore(%arg21 : memref<!tpu.dma_semaphore, #tpu.memory_space<semaphore_mem>>) src(%arg10 : memref<64x128xi32, #tpu.memory_space<vmem>>) dst(%dma_wait3A_359 : memref<64x128xi32, #tpu.memory_space<hbm>>)
      %dma_start3A_360 = arith.constant 0 : i32
      %dma_start3A_361 = tpu.memref_slice %arg6[%select_n3A_333, %select_n3A_349, %dma_start3A_360] : memref<9x5x64xi32, #tpu.memory_space<vmem>> -> memref<1x1x64xi32, #tpu.memory_space<vmem>>
      %dma_start3A_362 = tpu.memref_squeeze %dma_start3A_361 : memref<1x1x64xi32, #tpu.memory_space<vmem>> -> memref<64xi32, #tpu.memory_space<vmem>>
      %dma_start3A_363 = arith.constant 0 : i32
      %dma_start3A_364 = arith.constant 0 : i32
      %dma_start3A_365 = tpu.memref_slice %arg5[%dma_start3A_363, %dma_start3A_364] : memref<10112x128xi32, #tpu.memory_space<vmem_shared>> -> memref<10112x128xi32, #tpu.memory_space<vmem_shared>>
      tpu.enqueue_indirect_dma source(%dma_start3A_365 : memref<10112x128xi32, #tpu.memory_space<vmem_shared>>) target(%arg10 : memref<64x128xi32, #tpu.memory_space<vmem>>) offsets(%dma_start3A_362 : memref<64xi32, #tpu.memory_space<vmem>>) semaphore(%arg16 : memref<!tpu.dma_semaphore, #tpu.memory_space<semaphore_mem>>)
      %mul3A_366 = arith.constant 5 : i32
      %mul3A_367 = arith.muli %scan3A_135, %mul3A_366 : i32
      %add3A_368 = arith.constant 4 : i32
      %add3A_369 = arith.addi %mul3A_367, %add3A_368 : i32
      %jit3A_370 = arith.constant 5 : i32
      %div3A_371 = arith.divsi %add3A_369, %jit3A_370 : i32
      %sign3A_372 = arith.constant 0 : i32
      %sign3A_373 = arith.cmpi sgt, %add3A_369, %sign3A_372 : i32
      %sign3A_374 = arith.extui %sign3A_373 : i1 to i32
      %sign3A_375 = arith.constant 0 : i32
      %sign3A_376 = arith.cmpi slt, %add3A_369, %sign3A_375 : i32
      %sign3A_377 = arith.extui %sign3A_376 : i1 to i32
      %sign3A_378 = arith.subi %sign3A_374, %sign3A_377 : i32
      %sign3A_379 = arith.constant 0 : i32
      %sign3A_380 = arith.cmpi sgt, %jit3A_370, %sign3A_379 : i32
      %sign3A_381 = arith.extui %sign3A_380 : i1 to i32
      %sign3A_382 = arith.constant 0 : i32
      %sign3A_383 = arith.cmpi slt, %jit3A_370, %sign3A_382 : i32
      %sign3A_384 = arith.extui %sign3A_383 : i1 to i32
      %sign3A_385 = arith.subi %sign3A_381, %sign3A_384 : i32
      %ne3A_386 = arith.cmpi ne, %sign3A_378, %sign3A_385 : i32
      %rem3A_387 = arith.remsi %add3A_369, %jit3A_370 : i32
      %ne3A_388 = arith.constant 0 : i32
      %ne3A_389 = arith.cmpi ne, %rem3A_387, %ne3A_388 : i32
      %and3A_390 = arith.andi %ne3A_386, %ne3A_389 : i1
      %sub3A_391 = arith.constant 1 : i32
      %sub3A_392 = arith.subi %div3A_371, %sub3A_391 : i32
      %select_n3A_393 = arith.select %and3A_390, %sub3A_392, %div3A_371 : i32
      %jit3A_394 = arith.constant 5 : i32
      %eq3A_395 = arith.constant 0 : i32
      %eq3A_396 = arith.cmpi eq, %jit3A_394, %eq3A_395 : i32
      %jit3A_397 = arith.constant 1 : i32
      %select_n3A_398 = arith.select %eq3A_396, %jit3A_397, %jit3A_394 : i32
      %rem3A_399 = arith.remsi %add3A_369, %select_n3A_398 : i32
      %ne3A_400 = arith.constant 0 : i32
      %ne3A_401 = arith.cmpi ne, %rem3A_399, %ne3A_400 : i32
      %lt3A_402 = arith.constant 0 : i32
      %lt3A_403 = arith.cmpi slt, %rem3A_399, %lt3A_402 : i32
      %lt3A_404 = arith.constant 0 : i32
      %lt3A_405 = arith.cmpi slt, %select_n3A_398, %lt3A_404 : i32
      %ne3A_406 = arith.xori %lt3A_403, %lt3A_405 : i1
      %and3A_407 = arith.andi %ne3A_406, %ne3A_401 : i1
      %add3A_408 = arith.addi %rem3A_399, %select_n3A_398 : i32
      %select_n3A_409 = arith.select %and3A_407, %add3A_408, %rem3A_399 : i32
      %dma_wait3A_410 = arith.constant 0 : i32
      %dma_wait3A_411 = arith.constant 0 : i32
      %dma_wait3A_412 = arith.constant 0 : i32
      %dma_wait3A_413 = arith.constant 0 : i32
      %dma_wait3A_414 = tpu.memref_slice %arg4[%dma_wait3A_410, %dma_wait3A_411, %dma_wait3A_412, %dma_wait3A_413] : memref<9x4x10240x128xi32, #tpu.memory_space<hbm>> -> memref<1x1x64x128xi32, #tpu.memory_space<hbm>>
      %dma_wait3A_415 = tpu.memref_squeeze %dma_wait3A_414 : memref<1x1x64x128xi32, #tpu.memory_space<hbm>> -> memref<64x128xi32, #tpu.memory_space<hbm>>
      %dma_wait3A_416 = arith.constant 0 : i32
      %dma_wait3A_417 = arith.constant 0 : i32
      %dma_wait3A_418 = tpu.memref_slice %arg4[%dma_wait3A_410, %dma_wait3A_411, %dma_wait3A_416, %dma_wait3A_417] : memref<9x4x10240x128xi32, #tpu.memory_space<hbm>> -> memref<1x1x64x128xi32, #tpu.memory_space<hbm>>
      %dma_wait3A_419 = tpu.memref_squeeze %dma_wait3A_418 : memref<1x1x64x128xi32, #tpu.memory_space<hbm>> -> memref<64x128xi32, #tpu.memory_space<hbm>>
      tpu.wait_dma2 semaphore(%arg22 : memref<!tpu.dma_semaphore, #tpu.memory_space<semaphore_mem>>) src(%arg11 : memref<64x128xi32, #tpu.memory_space<vmem>>) dst(%dma_wait3A_419 : memref<64x128xi32, #tpu.memory_space<hbm>>)
      %dma_start3A_420 = arith.constant 0 : i32
      %dma_start3A_421 = tpu.memref_slice %arg6[%select_n3A_393, %select_n3A_409, %dma_start3A_420] : memref<9x5x64xi32, #tpu.memory_space<vmem>> -> memref<1x1x64xi32, #tpu.memory_space<vmem>>
      %dma_start3A_422 = tpu.memref_squeeze %dma_start3A_421 : memref<1x1x64xi32, #tpu.memory_space<vmem>> -> memref<64xi32, #tpu.memory_space<vmem>>
      %dma_start3A_423 = arith.constant 0 : i32
      %dma_start3A_424 = arith.constant 0 : i32
      %dma_start3A_425 = tpu.memref_slice %arg5[%dma_start3A_423, %dma_start3A_424] : memref<10112x128xi32, #tpu.memory_space<vmem_shared>> -> memref<10112x128xi32, #tpu.memory_space<vmem_shared>>
      tpu.enqueue_indirect_dma source(%dma_start3A_425 : memref<10112x128xi32, #tpu.memory_space<vmem_shared>>) target(%arg11 : memref<64x128xi32, #tpu.memory_space<vmem>>) offsets(%dma_start3A_422 : memref<64xi32, #tpu.memory_space<vmem>>) semaphore(%arg17 : memref<!tpu.dma_semaphore, #tpu.memory_space<semaphore_mem>>)
      %mul3A_426 = arith.constant 5 : i32
      %mul3A_427 = arith.muli %scan3A_135, %mul3A_426 : i32
      %add3A_428 = arith.constant 0 : i32
      %add3A_429 = arith.addi %mul3A_427, %add3A_428 : i32
      %jit3A_430 = arith.constant 5 : i32
      %div3A_431 = arith.divsi %add3A_429, %jit3A_430 : i32
      %sign3A_432 = arith.constant 0 : i32
      %sign3A_433 = arith.cmpi sgt, %add3A_429, %sign3A_432 : i32
      %sign3A_434 = arith.extui %sign3A_433 : i1 to i32
      %sign3A_435 = arith.constant 0 : i32
      %sign3A_436 = arith.cmpi slt, %add3A_429, %sign3A_435 : i32
      %sign3A_437 = arith.extui %sign3A_436 : i1 to i32
      %sign3A_438 = arith.subi %sign3A_434, %sign3A_437 : i32
      %sign3A_439 = arith.constant 0 : i32
      %sign3A_440 = arith.cmpi sgt, %jit3A_430, %sign3A_439 : i32
      %sign3A_441 = arith.extui %sign3A_440 : i1 to i32
      %sign3A_442 = arith.constant 0 : i32
      %sign3A_443 = arith.cmpi slt, %jit3A_430, %sign3A_442 : i32
      %sign3A_444 = arith.extui %sign3A_443 : i1 to i32
      %sign3A_445 = arith.subi %sign3A_441, %sign3A_444 : i32
      %ne3A_446 = arith.cmpi ne, %sign3A_438, %sign3A_445 : i32
      %rem3A_447 = arith.remsi %add3A_429, %jit3A_430 : i32
      %ne3A_448 = arith.constant 0 : i32
      %ne3A_449 = arith.cmpi ne, %rem3A_447, %ne3A_448 : i32
      %and3A_450 = arith.andi %ne3A_446, %ne3A_449 : i1
      %sub3A_451 = arith.constant 1 : i32
      %sub3A_452 = arith.subi %div3A_431, %sub3A_451 : i32
      %select_n3A_453 = arith.select %and3A_450, %sub3A_452, %div3A_431 : i32
      %jit3A_454 = arith.constant 5 : i32
      %eq3A_455 = arith.constant 0 : i32
      %eq3A_456 = arith.cmpi eq, %jit3A_454, %eq3A_455 : i32
      %jit3A_457 = arith.constant 1 : i32
      %select_n3A_458 = arith.select %eq3A_456, %jit3A_457, %jit3A_454 : i32
      %rem3A_459 = arith.remsi %add3A_429, %select_n3A_458 : i32
      %ne3A_460 = arith.constant 0 : i32
      %ne3A_461 = arith.cmpi ne, %rem3A_459, %ne3A_460 : i32
      %lt3A_462 = arith.constant 0 : i32
      %lt3A_463 = arith.cmpi slt, %rem3A_459, %lt3A_462 : i32
      %lt3A_464 = arith.constant 0 : i32
      %lt3A_465 = arith.cmpi slt, %select_n3A_458, %lt3A_464 : i32
      %ne3A_466 = arith.xori %lt3A_463, %lt3A_465 : i1
      %and3A_467 = arith.andi %ne3A_466, %ne3A_461 : i1
      %add3A_468 = arith.addi %rem3A_459, %select_n3A_458 : i32
      %select_n3A_469 = arith.select %and3A_467, %add3A_468, %rem3A_459 : i32
      %mul3A_470 = arith.constant 32 : i32
      %mul3A_471 = arith.muli %mul3A_470, %select_n3A_469 : i32
      %add3A_472 = arith.addi %add3A, %mul3A_471 : i32
      %dma_wait3A_473 = arith.constant 0 : i32
      %dma_wait3A_474 = tpu.memref_slice %arg6[%select_n3A, %select_n3A_169, %dma_wait3A_473] : memref<9x5x64xi32, #tpu.memory_space<vmem>> -> memref<1x1x64xi32, #tpu.memory_space<vmem>>
      %dma_wait3A_475 = tpu.memref_squeeze %dma_wait3A_474 : memref<1x1x64xi32, #tpu.memory_space<vmem>> -> memref<64xi32, #tpu.memory_space<vmem>>
      %dma_wait3A_476 = arith.constant 0 : i32
      %dma_wait3A_477 = arith.constant 0 : i32
      %dma_wait3A_478 = tpu.memref_slice %arg5[%dma_wait3A_476, %dma_wait3A_477] : memref<10112x128xi32, #tpu.memory_space<vmem_shared>> -> memref<10112x128xi32, #tpu.memory_space<vmem_shared>>
      tpu.wait_indirect_dma semaphore(%arg13 : memref<!tpu.dma_semaphore, #tpu.memory_space<semaphore_mem>>) src(%dma_wait3A_478 : memref<10112x128xi32, #tpu.memory_space<vmem_shared>>) dst(%arg7 : memref<64x128xi32, #tpu.memory_space<vmem>>)
      %mul3A_479 = arith.constant 64 : i32
      %mul3A_480 = arith.muli %add3A_472, %mul3A_479 : i32
      %dma_start3A_481 = arith.constant 3 : i32
      %dma_start3A_482 = arith.constant 0 : i32
      %dma_start3A_483 = tpu.memref_slice %arg4[%select_n3A_453, %dma_start3A_481, %mul3A_480, %dma_start3A_482] : memref<9x4x10240x128xi32, #tpu.memory_space<hbm>> -> memref<1x1x64x128xi32, #tpu.memory_space<hbm>>
      %dma_start3A_484 = tpu.memref_squeeze %dma_start3A_483 : memref<1x1x64x128xi32, #tpu.memory_space<hbm>> -> memref<64x128xi32, #tpu.memory_space<hbm>>
      %dma_start3A_485 = arith.constant 0 : i32
      %dma_start3A_486 = tpu.memref_slice %arg4[%select_n3A_453, %dma_start3A_481, %mul3A_480, %dma_start3A_485] : memref<9x4x10240x128xi32, #tpu.memory_space<hbm>> -> memref<1x1x64x128xi32, #tpu.memory_space<hbm>>
      %dma_start3A_487 = tpu.memref_squeeze %dma_start3A_486 : memref<1x1x64x128xi32, #tpu.memory_space<hbm>> -> memref<64x128xi32, #tpu.memory_space<hbm>>
      tpu.enqueue_dma source(%arg7 : memref<64x128xi32, #tpu.memory_space<vmem>>) target(%dma_start3A_487 : memref<64x128xi32, #tpu.memory_space<hbm>>) target_semaphore(%arg18 : memref<!tpu.dma_semaphore, #tpu.memory_space<semaphore_mem>>)
      %mul3A_488 = arith.constant 5 : i32
      %mul3A_489 = arith.muli %scan3A_135, %mul3A_488 : i32
      %add3A_490 = arith.constant 1 : i32
      %add3A_491 = arith.addi %mul3A_489, %add3A_490 : i32
      %jit3A_492 = arith.constant 5 : i32
      %div3A_493 = arith.divsi %add3A_491, %jit3A_492 : i32
      %sign3A_494 = arith.constant 0 : i32
      %sign3A_495 = arith.cmpi sgt, %add3A_491, %sign3A_494 : i32
      %sign3A_496 = arith.extui %sign3A_495 : i1 to i32
      %sign3A_497 = arith.constant 0 : i32
      %sign3A_498 = arith.cmpi slt, %add3A_491, %sign3A_497 : i32
      %sign3A_499 = arith.extui %sign3A_498 : i1 to i32
      %sign3A_500 = arith.subi %sign3A_496, %sign3A_499 : i32
      %sign3A_501 = arith.constant 0 : i32
      %sign3A_502 = arith.cmpi sgt, %jit3A_492, %sign3A_501 : i32
      %sign3A_503 = arith.extui %sign3A_502 : i1 to i32
      %sign3A_504 = arith.constant 0 : i32
      %sign3A_505 = arith.cmpi slt, %jit3A_492, %sign3A_504 : i32
      %sign3A_506 = arith.extui %sign3A_505 : i1 to i32
      %sign3A_507 = arith.subi %sign3A_503, %sign3A_506 : i32
      %ne3A_508 = arith.cmpi ne, %sign3A_500, %sign3A_507 : i32
      %rem3A_509 = arith.remsi %add3A_491, %jit3A_492 : i32
      %ne3A_510 = arith.constant 0 : i32
      %ne3A_511 = arith.cmpi ne, %rem3A_509, %ne3A_510 : i32
      %and3A_512 = arith.andi %ne3A_508, %ne3A_511 : i1
      %sub3A_513 = arith.constant 1 : i32
      %sub3A_514 = arith.subi %div3A_493, %sub3A_513 : i32
      %select_n3A_515 = arith.select %and3A_512, %sub3A_514, %div3A_493 : i32
      %jit3A_516 = arith.constant 5 : i32
      %eq3A_517 = arith.constant 0 : i32
      %eq3A_518 = arith.cmpi eq, %jit3A_516, %eq3A_517 : i32
      %jit3A_519 = arith.constant 1 : i32
      %select_n3A_520 = arith.select %eq3A_518, %jit3A_519, %jit3A_516 : i32
      %rem3A_521 = arith.remsi %add3A_491, %select_n3A_520 : i32
      %ne3A_522 = arith.constant 0 : i32
      %ne3A_523 = arith.cmpi ne, %rem3A_521, %ne3A_522 : i32
      %lt3A_524 = arith.constant 0 : i32
      %lt3A_525 = arith.cmpi slt, %rem3A_521, %lt3A_524 : i32
      %lt3A_526 = arith.constant 0 : i32
      %lt3A_527 = arith.cmpi slt, %select_n3A_520, %lt3A_526 : i32
      %ne3A_528 = arith.xori %lt3A_525, %lt3A_527 : i1
      %and3A_529 = arith.andi %ne3A_528, %ne3A_523 : i1
      %add3A_530 = arith.addi %rem3A_521, %select_n3A_520 : i32
      %select_n3A_531 = arith.select %and3A_529, %add3A_530, %rem3A_521 : i32
      %mul3A_532 = arith.constant 32 : i32
      %mul3A_533 = arith.muli %mul3A_532, %select_n3A_531 : i32
      %add3A_534 = arith.addi %add3A, %mul3A_533 : i32
      %dma_wait3A_535 = arith.constant 0 : i32
      %dma_wait3A_536 = tpu.memref_slice %arg6[%select_n3A_213, %select_n3A_229, %dma_wait3A_535] : memref<9x5x64xi32, #tpu.memory_space<vmem>> -> memref<1x1x64xi32, #tpu.memory_space<vmem>>
      %dma_wait3A_537 = tpu.memref_squeeze %dma_wait3A_536 : memref<1x1x64xi32, #tpu.memory_space<vmem>> -> memref<64xi32, #tpu.memory_space<vmem>>
      %dma_wait3A_538 = arith.constant 0 : i32
      %dma_wait3A_539 = arith.constant 0 : i32
      %dma_wait3A_540 = tpu.memref_slice %arg5[%dma_wait3A_538, %dma_wait3A_539] : memref<10112x128xi32, #tpu.memory_space<vmem_shared>> -> memref<10112x128xi32, #tpu.memory_space<vmem_shared>>
      tpu.wait_indirect_dma semaphore(%arg14 : memref<!tpu.dma_semaphore, #tpu.memory_space<semaphore_mem>>) src(%dma_wait3A_540 : memref<10112x128xi32, #tpu.memory_space<vmem_shared>>) dst(%arg8 : memref<64x128xi32, #tpu.memory_space<vmem>>)
      %mul3A_541 = arith.constant 64 : i32
      %mul3A_542 = arith.muli %add3A_534, %mul3A_541 : i32
      %dma_start3A_543 = arith.constant 3 : i32
      %dma_start3A_544 = arith.constant 0 : i32
      %dma_start3A_545 = tpu.memref_slice %arg4[%select_n3A_515, %dma_start3A_543, %mul3A_542, %dma_start3A_544] : memref<9x4x10240x128xi32, #tpu.memory_space<hbm>> -> memref<1x1x64x128xi32, #tpu.memory_space<hbm>>
      %dma_start3A_546 = tpu.memref_squeeze %dma_start3A_545 : memref<1x1x64x128xi32, #tpu.memory_space<hbm>> -> memref<64x128xi32, #tpu.memory_space<hbm>>
      %dma_start3A_547 = arith.constant 0 : i32
      %dma_start3A_548 = tpu.memref_slice %arg4[%select_n3A_515, %dma_start3A_543, %mul3A_542, %dma_start3A_547] : memref<9x4x10240x128xi32, #tpu.memory_space<hbm>> -> memref<1x1x64x128xi32, #tpu.memory_space<hbm>>
      %dma_start3A_549 = tpu.memref_squeeze %dma_start3A_548 : memref<1x1x64x128xi32, #tpu.memory_space<hbm>> -> memref<64x128xi32, #tpu.memory_space<hbm>>
      tpu.enqueue_dma source(%arg8 : memref<64x128xi32, #tpu.memory_space<vmem>>) target(%dma_start3A_549 : memref<64x128xi32, #tpu.memory_space<hbm>>) target_semaphore(%arg19 : memref<!tpu.dma_semaphore, #tpu.memory_space<semaphore_mem>>)
      %mul3A_550 = arith.constant 5 : i32
      %mul3A_551 = arith.muli %scan3A_135, %mul3A_550 : i32
      %add3A_552 = arith.constant 2 : i32
      %add3A_553 = arith.addi %mul3A_551, %add3A_552 : i32
      %jit3A_554 = arith.constant 5 : i32
      %div3A_555 = arith.divsi %add3A_553, %jit3A_554 : i32
      %sign3A_556 = arith.constant 0 : i32
      %sign3A_557 = arith.cmpi sgt, %add3A_553, %sign3A_556 : i32
      %sign3A_558 = arith.extui %sign3A_557 : i1 to i32
      %sign3A_559 = arith.constant 0 : i32
      %sign3A_560 = arith.cmpi slt, %add3A_553, %sign3A_559 : i32
      %sign3A_561 = arith.extui %sign3A_560 : i1 to i32
      %sign3A_562 = arith.subi %sign3A_558, %sign3A_561 : i32
      %sign3A_563 = arith.constant 0 : i32
      %sign3A_564 = arith.cmpi sgt, %jit3A_554, %sign3A_563 : i32
      %sign3A_565 = arith.extui %sign3A_564 : i1 to i32
      %sign3A_566 = arith.constant 0 : i32
      %sign3A_567 = arith.cmpi slt, %jit3A_554, %sign3A_566 : i32
      %sign3A_568 = arith.extui %sign3A_567 : i1 to i32
      %sign3A_569 = arith.subi %sign3A_565, %sign3A_568 : i32
      %ne3A_570 = arith.cmpi ne, %sign3A_562, %sign3A_569 : i32
      %rem3A_571 = arith.remsi %add3A_553, %jit3A_554 : i32
      %ne3A_572 = arith.constant 0 : i32
      %ne3A_573 = arith.cmpi ne, %rem3A_571, %ne3A_572 : i32
      %and3A_574 = arith.andi %ne3A_570, %ne3A_573 : i1
      %sub3A_575 = arith.constant 1 : i32
      %sub3A_576 = arith.subi %div3A_555, %sub3A_575 : i32
      %select_n3A_577 = arith.select %and3A_574, %sub3A_576, %div3A_555 : i32
      %jit3A_578 = arith.constant 5 : i32
      %eq3A_579 = arith.constant 0 : i32
      %eq3A_580 = arith.cmpi eq, %jit3A_578, %eq3A_579 : i32
      %jit3A_581 = arith.constant 1 : i32
      %select_n3A_582 = arith.select %eq3A_580, %jit3A_581, %jit3A_578 : i32
      %rem3A_583 = arith.remsi %add3A_553, %select_n3A_582 : i32
      %ne3A_584 = arith.constant 0 : i32
      %ne3A_585 = arith.cmpi ne, %rem3A_583, %ne3A_584 : i32
      %lt3A_586 = arith.constant 0 : i32
      %lt3A_587 = arith.cmpi slt, %rem3A_583, %lt3A_586 : i32
      %lt3A_588 = arith.constant 0 : i32
      %lt3A_589 = arith.cmpi slt, %select_n3A_582, %lt3A_588 : i32
      %ne3A_590 = arith.xori %lt3A_587, %lt3A_589 : i1
      %and3A_591 = arith.andi %ne3A_590, %ne3A_585 : i1
      %add3A_592 = arith.addi %rem3A_583, %select_n3A_582 : i32
      %select_n3A_593 = arith.select %and3A_591, %add3A_592, %rem3A_583 : i32
      %mul3A_594 = arith.constant 32 : i32
      %mul3A_595 = arith.muli %mul3A_594, %select_n3A_593 : i32
      %add3A_596 = arith.addi %add3A, %mul3A_595 : i32
      %dma_wait3A_597 = arith.constant 0 : i32
      %dma_wait3A_598 = tpu.memref_slice %arg6[%select_n3A_273, %select_n3A_289, %dma_wait3A_597] : memref<9x5x64xi32, #tpu.memory_space<vmem>> -> memref<1x1x64xi32, #tpu.memory_space<vmem>>
      %dma_wait3A_599 = tpu.memref_squeeze %dma_wait3A_598 : memref<1x1x64xi32, #tpu.memory_space<vmem>> -> memref<64xi32, #tpu.memory_space<vmem>>
      %dma_wait3A_600 = arith.constant 0 : i32
      %dma_wait3A_601 = arith.constant 0 : i32
      %dma_wait3A_602 = tpu.memref_slice %arg5[%dma_wait3A_600, %dma_wait3A_601] : memref<10112x128xi32, #tpu.memory_space<vmem_shared>> -> memref<10112x128xi32, #tpu.memory_space<vmem_shared>>
      tpu.wait_indirect_dma semaphore(%arg15 : memref<!tpu.dma_semaphore, #tpu.memory_space<semaphore_mem>>) src(%dma_wait3A_602 : memref<10112x128xi32, #tpu.memory_space<vmem_shared>>) dst(%arg9 : memref<64x128xi32, #tpu.memory_space<vmem>>)
      %mul3A_603 = arith.constant 64 : i32
      %mul3A_604 = arith.muli %add3A_596, %mul3A_603 : i32
      %dma_start3A_605 = arith.constant 3 : i32
      %dma_start3A_606 = arith.constant 0 : i32
      %dma_start3A_607 = tpu.memref_slice %arg4[%select_n3A_577, %dma_start3A_605, %mul3A_604, %dma_start3A_606] : memref<9x4x10240x128xi32, #tpu.memory_space<hbm>> -> memref<1x1x64x128xi32, #tpu.memory_space<hbm>>
      %dma_start3A_608 = tpu.memref_squeeze %dma_start3A_607 : memref<1x1x64x128xi32, #tpu.memory_space<hbm>> -> memref<64x128xi32, #tpu.memory_space<hbm>>
      %dma_start3A_609 = arith.constant 0 : i32
      %dma_start3A_610 = tpu.memref_slice %arg4[%select_n3A_577, %dma_start3A_605, %mul3A_604, %dma_start3A_609] : memref<9x4x10240x128xi32, #tpu.memory_space<hbm>> -> memref<1x1x64x128xi32, #tpu.memory_space<hbm>>
      %dma_start3A_611 = tpu.memref_squeeze %dma_start3A_610 : memref<1x1x64x128xi32, #tpu.memory_space<hbm>> -> memref<64x128xi32, #tpu.memory_space<hbm>>
      tpu.enqueue_dma source(%arg9 : memref<64x128xi32, #tpu.memory_space<vmem>>) target(%dma_start3A_611 : memref<64x128xi32, #tpu.memory_space<hbm>>) target_semaphore(%arg20 : memref<!tpu.dma_semaphore, #tpu.memory_space<semaphore_mem>>)
      %mul3A_612 = arith.constant 5 : i32
      %mul3A_613 = arith.muli %scan3A_135, %mul3A_612 : i32
      %add3A_614 = arith.constant 3 : i32
      %add3A_615 = arith.addi %mul3A_613, %add3A_614 : i32
      %jit3A_616 = arith.constant 5 : i32
      %div3A_617 = arith.divsi %add3A_615, %jit3A_616 : i32
      %sign3A_618 = arith.constant 0 : i32
      %sign3A_619 = arith.cmpi sgt, %add3A_615, %sign3A_618 : i32
      %sign3A_620 = arith.extui %sign3A_619 : i1 to i32
      %sign3A_621 = arith.constant 0 : i32
      %sign3A_622 = arith.cmpi slt, %add3A_615, %sign3A_621 : i32
      %sign3A_623 = arith.extui %sign3A_622 : i1 to i32
      %sign3A_624 = arith.subi %sign3A_620, %sign3A_623 : i32
      %sign3A_625 = arith.constant 0 : i32
      %sign3A_626 = arith.cmpi sgt, %jit3A_616, %sign3A_625 : i32
      %sign3A_627 = arith.extui %sign3A_626 : i1 to i32
      %sign3A_628 = arith.constant 0 : i32
      %sign3A_629 = arith.cmpi slt, %jit3A_616, %sign3A_628 : i32
      %sign3A_630 = arith.extui %sign3A_629 : i1 to i32
      %sign3A_631 = arith.subi %sign3A_627, %sign3A_630 : i32
      %ne3A_632 = arith.cmpi ne, %sign3A_624, %sign3A_631 : i32
      %rem3A_633 = arith.remsi %add3A_615, %jit3A_616 : i32
      %ne3A_634 = arith.constant 0 : i32
      %ne3A_635 = arith.cmpi ne, %rem3A_633, %ne3A_634 : i32
      %and3A_636 = arith.andi %ne3A_632, %ne3A_635 : i1
      %sub3A_637 = arith.constant 1 : i32
      %sub3A_638 = arith.subi %div3A_617, %sub3A_637 : i32
      %select_n3A_639 = arith.select %and3A_636, %sub3A_638, %div3A_617 : i32
      %jit3A_640 = arith.constant 5 : i32
      %eq3A_641 = arith.constant 0 : i32
      %eq3A_642 = arith.cmpi eq, %jit3A_640, %eq3A_641 : i32
      %jit3A_643 = arith.constant 1 : i32
      %select_n3A_644 = arith.select %eq3A_642, %jit3A_643, %jit3A_640 : i32
      %rem3A_645 = arith.remsi %add3A_615, %select_n3A_644 : i32
      %ne3A_646 = arith.constant 0 : i32
      %ne3A_647 = arith.cmpi ne, %rem3A_645, %ne3A_646 : i32
      %lt3A_648 = arith.constant 0 : i32
      %lt3A_649 = arith.cmpi slt, %rem3A_645, %lt3A_648 : i32
      %lt3A_650 = arith.constant 0 : i32
      %lt3A_651 = arith.cmpi slt, %select_n3A_644, %lt3A_650 : i32
      %ne3A_652 = arith.xori %lt3A_649, %lt3A_651 : i1
      %and3A_653 = arith.andi %ne3A_652, %ne3A_647 : i1
      %add3A_654 = arith.addi %rem3A_645, %select_n3A_644 : i32
      %select_n3A_655 = arith.select %and3A_653, %add3A_654, %rem3A_645 : i32
      %mul3A_656 = arith.constant 32 : i32
      %mul3A_657 = arith.muli %mul3A_656, %select_n3A_655 : i32
      %add3A_658 = arith.addi %add3A, %mul3A_657 : i32
      %dma_wait3A_659 = arith.constant 0 : i32
      %dma_wait3A_660 = tpu.memref_slice %arg6[%select_n3A_333, %select_n3A_349, %dma_wait3A_659] : memref<9x5x64xi32, #tpu.memory_space<vmem>> -> memref<1x1x64xi32, #tpu.memory_space<vmem>>
      %dma_wait3A_661 = tpu.memref_squeeze %dma_wait3A_660 : memref<1x1x64xi32, #tpu.memory_space<vmem>> -> memref<64xi32, #tpu.memory_space<vmem>>
      %dma_wait3A_662 = arith.constant 0 : i32
      %dma_wait3A_663 = arith.constant 0 : i32
      %dma_wait3A_664 = tpu.memref_slice %arg5[%dma_wait3A_662, %dma_wait3A_663] : memref<10112x128xi32, #tpu.memory_space<vmem_shared>> -> memref<10112x128xi32, #tpu.memory_space<vmem_shared>>
      tpu.wait_indirect_dma semaphore(%arg16 : memref<!tpu.dma_semaphore, #tpu.memory_space<semaphore_mem>>) src(%dma_wait3A_664 : memref<10112x128xi32, #tpu.memory_space<vmem_shared>>) dst(%arg10 : memref<64x128xi32, #tpu.memory_space<vmem>>)
      %mul3A_665 = arith.constant 64 : i32
      %mul3A_666 = arith.muli %add3A_658, %mul3A_665 : i32
      %dma_start3A_667 = arith.constant 3 : i32
      %dma_start3A_668 = arith.constant 0 : i32
      %dma_start3A_669 = tpu.memref_slice %arg4[%select_n3A_639, %dma_start3A_667, %mul3A_666, %dma_start3A_668] : memref<9x4x10240x128xi32, #tpu.memory_space<hbm>> -> memref<1x1x64x128xi32, #tpu.memory_space<hbm>>
      %dma_start3A_670 = tpu.memref_squeeze %dma_start3A_669 : memref<1x1x64x128xi32, #tpu.memory_space<hbm>> -> memref<64x128xi32, #tpu.memory_space<hbm>>
      %dma_start3A_671 = arith.constant 0 : i32
      %dma_start3A_672 = tpu.memref_slice %arg4[%select_n3A_639, %dma_start3A_667, %mul3A_666, %dma_start3A_671] : memref<9x4x10240x128xi32, #tpu.memory_space<hbm>> -> memref<1x1x64x128xi32, #tpu.memory_space<hbm>>
      %dma_start3A_673 = tpu.memref_squeeze %dma_start3A_672 : memref<1x1x64x128xi32, #tpu.memory_space<hbm>> -> memref<64x128xi32, #tpu.memory_space<hbm>>
      tpu.enqueue_dma source(%arg10 : memref<64x128xi32, #tpu.memory_space<vmem>>) target(%dma_start3A_673 : memref<64x128xi32, #tpu.memory_space<hbm>>) target_semaphore(%arg21 : memref<!tpu.dma_semaphore, #tpu.memory_space<semaphore_mem>>)
      %mul3A_674 = arith.constant 5 : i32
      %mul3A_675 = arith.muli %scan3A_135, %mul3A_674 : i32
      %add3A_676 = arith.constant 4 : i32
      %add3A_677 = arith.addi %mul3A_675, %add3A_676 : i32
      %jit3A_678 = arith.constant 5 : i32
      %div3A_679 = arith.divsi %add3A_677, %jit3A_678 : i32
      %sign3A_680 = arith.constant 0 : i32
      %sign3A_681 = arith.cmpi sgt, %add3A_677, %sign3A_680 : i32
      %sign3A_682 = arith.extui %sign3A_681 : i1 to i32
      %sign3A_683 = arith.constant 0 : i32
      %sign3A_684 = arith.cmpi slt, %add3A_677, %sign3A_683 : i32
      %sign3A_685 = arith.extui %sign3A_684 : i1 to i32
      %sign3A_686 = arith.subi %sign3A_682, %sign3A_685 : i32
      %sign3A_687 = arith.constant 0 : i32
      %sign3A_688 = arith.cmpi sgt, %jit3A_678, %sign3A_687 : i32
      %sign3A_689 = arith.extui %sign3A_688 : i1 to i32
      %sign3A_690 = arith.constant 0 : i32
      %sign3A_691 = arith.cmpi slt, %jit3A_678, %sign3A_690 : i32
      %sign3A_692 = arith.extui %sign3A_691 : i1 to i32
      %sign3A_693 = arith.subi %sign3A_689, %sign3A_692 : i32
      %ne3A_694 = arith.cmpi ne, %sign3A_686, %sign3A_693 : i32
      %rem3A_695 = arith.remsi %add3A_677, %jit3A_678 : i32
      %ne3A_696 = arith.constant 0 : i32
      %ne3A_697 = arith.cmpi ne, %rem3A_695, %ne3A_696 : i32
      %and3A_698 = arith.andi %ne3A_694, %ne3A_697 : i1
      %sub3A_699 = arith.constant 1 : i32
      %sub3A_700 = arith.subi %div3A_679, %sub3A_699 : i32
      %select_n3A_701 = arith.select %and3A_698, %sub3A_700, %div3A_679 : i32
      %jit3A_702 = arith.constant 5 : i32
      %eq3A_703 = arith.constant 0 : i32
      %eq3A_704 = arith.cmpi eq, %jit3A_702, %eq3A_703 : i32
      %jit3A_705 = arith.constant 1 : i32
      %select_n3A_706 = arith.select %eq3A_704, %jit3A_705, %jit3A_702 : i32
      %rem3A_707 = arith.remsi %add3A_677, %select_n3A_706 : i32
      %ne3A_708 = arith.constant 0 : i32
      %ne3A_709 = arith.cmpi ne, %rem3A_707, %ne3A_708 : i32
      %lt3A_710 = arith.constant 0 : i32
      %lt3A_711 = arith.cmpi slt, %rem3A_707, %lt3A_710 : i32
      %lt3A_712 = arith.constant 0 : i32
      %lt3A_713 = arith.cmpi slt, %select_n3A_706, %lt3A_712 : i32
      %ne3A_714 = arith.xori %lt3A_711, %lt3A_713 : i1
      %and3A_715 = arith.andi %ne3A_714, %ne3A_709 : i1
      %add3A_716 = arith.addi %rem3A_707, %select_n3A_706 : i32
      %select_n3A_717 = arith.select %and3A_715, %add3A_716, %rem3A_707 : i32
      %mul3A_718 = arith.constant 32 : i32
      %mul3A_719 = arith.muli %mul3A_718, %select_n3A_717 : i32
      %add3A_720 = arith.addi %add3A, %mul3A_719 : i32
      %dma_wait3A_721 = arith.constant 0 : i32
      %dma_wait3A_722 = tpu.memref_slice %arg6[%select_n3A_393, %select_n3A_409, %dma_wait3A_721] : memref<9x5x64xi32, #tpu.memory_space<vmem>> -> memref<1x1x64xi32, #tpu.memory_space<vmem>>
      %dma_wait3A_723 = tpu.memref_squeeze %dma_wait3A_722 : memref<1x1x64xi32, #tpu.memory_space<vmem>> -> memref<64xi32, #tpu.memory_space<vmem>>
      %dma_wait3A_724 = arith.constant 0 : i32
      %dma_wait3A_725 = arith.constant 0 : i32
      %dma_wait3A_726 = tpu.memref_slice %arg5[%dma_wait3A_724, %dma_wait3A_725] : memref<10112x128xi32, #tpu.memory_space<vmem_shared>> -> memref<10112x128xi32, #tpu.memory_space<vmem_shared>>
      tpu.wait_indirect_dma semaphore(%arg17 : memref<!tpu.dma_semaphore, #tpu.memory_space<semaphore_mem>>) src(%dma_wait3A_726 : memref<10112x128xi32, #tpu.memory_space<vmem_shared>>) dst(%arg11 : memref<64x128xi32, #tpu.memory_space<vmem>>)
      %mul3A_727 = arith.constant 64 : i32
      %mul3A_728 = arith.muli %add3A_720, %mul3A_727 : i32
      %dma_start3A_729 = arith.constant 3 : i32
      %dma_start3A_730 = arith.constant 0 : i32
      %dma_start3A_731 = tpu.memref_slice %arg4[%select_n3A_701, %dma_start3A_729, %mul3A_728, %dma_start3A_730] : memref<9x4x10240x128xi32, #tpu.memory_space<hbm>> -> memref<1x1x64x128xi32, #tpu.memory_space<hbm>>
      %dma_start3A_732 = tpu.memref_squeeze %dma_start3A_731 : memref<1x1x64x128xi32, #tpu.memory_space<hbm>> -> memref<64x128xi32, #tpu.memory_space<hbm>>
      %dma_start3A_733 = arith.constant 0 : i32
      %dma_start3A_734 = tpu.memref_slice %arg4[%select_n3A_701, %dma_start3A_729, %mul3A_728, %dma_start3A_733] : memref<9x4x10240x128xi32, #tpu.memory_space<hbm>> -> memref<1x1x64x128xi32, #tpu.memory_space<hbm>>
      %dma_start3A_735 = tpu.memref_squeeze %dma_start3A_734 : memref<1x1x64x128xi32, #tpu.memory_space<hbm>> -> memref<64x128xi32, #tpu.memory_space<hbm>>
      tpu.enqueue_dma source(%arg11 : memref<64x128xi32, #tpu.memory_space<vmem>>) target(%dma_start3A_735 : memref<64x128xi32, #tpu.memory_space<hbm>>) target_semaphore(%arg22 : memref<!tpu.dma_semaphore, #tpu.memory_space<semaphore_mem>>)
    }
    %scan3A_83 = arith.constant 9 : i32
    %barrier3A_84 = arith.constant 0 : index
    tpu.barrier barrier_id(%barrier3A_84)
    %dma_wait3A_85 = arith.constant 0 : i32
    %dma_wait3A_86 = arith.constant 0 : i32
    %dma_wait3A_87 = arith.constant 0 : i32
    %dma_wait3A_88 = arith.constant 0 : i32
    %dma_wait3A_89 = tpu.memref_slice %arg4[%dma_wait3A_85, %dma_wait3A_86, %dma_wait3A_87, %dma_wait3A_88] : memref<9x4x10240x128xi32, #tpu.memory_space<hbm>> -> memref<1x1x64x128xi32, #tpu.memory_space<hbm>>
    %dma_wait3A_90 = tpu.memref_squeeze %dma_wait3A_89 : memref<1x1x64x128xi32, #tpu.memory_space<hbm>> -> memref<64x128xi32, #tpu.memory_space<hbm>>
    %dma_wait3A_91 = arith.constant 0 : i32
    %dma_wait3A_92 = arith.constant 0 : i32
    %dma_wait3A_93 = tpu.memref_slice %arg4[%dma_wait3A_85, %dma_wait3A_86, %dma_wait3A_91, %dma_wait3A_92] : memref<9x4x10240x128xi32, #tpu.memory_space<hbm>> -> memref<1x1x64x128xi32, #tpu.memory_space<hbm>>
    %dma_wait3A_94 = tpu.memref_squeeze %dma_wait3A_93 : memref<1x1x64x128xi32, #tpu.memory_space<hbm>> -> memref<64x128xi32, #tpu.memory_space<hbm>>
    tpu.wait_dma2 semaphore(%arg18 : memref<!tpu.dma_semaphore, #tpu.memory_space<semaphore_mem>>) src(%arg7 : memref<64x128xi32, #tpu.memory_space<vmem>>) dst(%dma_wait3A_94 : memref<64x128xi32, #tpu.memory_space<hbm>>)
    %dma_wait3A_95 = arith.constant 0 : i32
    %dma_wait3A_96 = arith.constant 0 : i32
    %dma_wait3A_97 = arith.constant 0 : i32
    %dma_wait3A_98 = arith.constant 0 : i32
    %dma_wait3A_99 = tpu.memref_slice %arg4[%dma_wait3A_95, %dma_wait3A_96, %dma_wait3A_97, %dma_wait3A_98] : memref<9x4x10240x128xi32, #tpu.memory_space<hbm>> -> memref<1x1x64x128xi32, #tpu.memory_space<hbm>>
    %dma_wait3A_100 = tpu.memref_squeeze %dma_wait3A_99 : memref<1x1x64x128xi32, #tpu.memory_space<hbm>> -> memref<64x128xi32, #tpu.memory_space<hbm>>
    %dma_wait3A_101 = arith.constant 0 : i32
    %dma_wait3A_102 = arith.constant 0 : i32
    %dma_wait3A_103 = tpu.memref_slice %arg4[%dma_wait3A_95, %dma_wait3A_96, %dma_wait3A_101, %dma_wait3A_102] : memref<9x4x10240x128xi32, #tpu.memory_space<hbm>> -> memref<1x1x64x128xi32, #tpu.memory_space<hbm>>
    %dma_wait3A_104 = tpu.memref_squeeze %dma_wait3A_103 : memref<1x1x64x128xi32, #tpu.memory_space<hbm>> -> memref<64x128xi32, #tpu.memory_space<hbm>>
    tpu.wait_dma2 semaphore(%arg19 : memref<!tpu.dma_semaphore, #tpu.memory_space<semaphore_mem>>) src(%arg8 : memref<64x128xi32, #tpu.memory_space<vmem>>) dst(%dma_wait3A_104 : memref<64x128xi32, #tpu.memory_space<hbm>>)
    %dma_wait3A_105 = arith.constant 0 : i32
    %dma_wait3A_106 = arith.constant 0 : i32
    %dma_wait3A_107 = arith.constant 0 : i32
    %dma_wait3A_108 = arith.constant 0 : i32
    %dma_wait3A_109 = tpu.memref_slice %arg4[%dma_wait3A_105, %dma_wait3A_106, %dma_wait3A_107, %dma_wait3A_108] : memref<9x4x10240x128xi32, #tpu.memory_space<hbm>> -> memref<1x1x64x128xi32, #tpu.memory_space<hbm>>
    %dma_wait3A_110 = tpu.memref_squeeze %dma_wait3A_109 : memref<1x1x64x128xi32, #tpu.memory_space<hbm>> -> memref<64x128xi32, #tpu.memory_space<hbm>>
    %dma_wait3A_111 = arith.constant 0 : i32
    %dma_wait3A_112 = arith.constant 0 : i32
    %dma_wait3A_113 = tpu.memref_slice %arg4[%dma_wait3A_105, %dma_wait3A_106, %dma_wait3A_111, %dma_wait3A_112] : memref<9x4x10240x128xi32, #tpu.memory_space<hbm>> -> memref<1x1x64x128xi32, #tpu.memory_space<hbm>>
    %dma_wait3A_114 = tpu.memref_squeeze %dma_wait3A_113 : memref<1x1x64x128xi32, #tpu.memory_space<hbm>> -> memref<64x128xi32, #tpu.memory_space<hbm>>
    tpu.wait_dma2 semaphore(%arg20 : memref<!tpu.dma_semaphore, #tpu.memory_space<semaphore_mem>>) src(%arg9 : memref<64x128xi32, #tpu.memory_space<vmem>>) dst(%dma_wait3A_114 : memref<64x128xi32, #tpu.memory_space<hbm>>)
    %dma_wait3A_115 = arith.constant 0 : i32
    %dma_wait3A_116 = arith.constant 0 : i32
    %dma_wait3A_117 = arith.constant 0 : i32
    %dma_wait3A_118 = arith.constant 0 : i32
    %dma_wait3A_119 = tpu.memref_slice %arg4[%dma_wait3A_115, %dma_wait3A_116, %dma_wait3A_117, %dma_wait3A_118] : memref<9x4x10240x128xi32, #tpu.memory_space<hbm>> -> memref<1x1x64x128xi32, #tpu.memory_space<hbm>>
    %dma_wait3A_120 = tpu.memref_squeeze %dma_wait3A_119 : memref<1x1x64x128xi32, #tpu.memory_space<hbm>> -> memref<64x128xi32, #tpu.memory_space<hbm>>
    %dma_wait3A_121 = arith.constant 0 : i32
    %dma_wait3A_122 = arith.constant 0 : i32
    %dma_wait3A_123 = tpu.memref_slice %arg4[%dma_wait3A_115, %dma_wait3A_116, %dma_wait3A_121, %dma_wait3A_122] : memref<9x4x10240x128xi32, #tpu.memory_space<hbm>> -> memref<1x1x64x128xi32, #tpu.memory_space<hbm>>
    %dma_wait3A_124 = tpu.memref_squeeze %dma_wait3A_123 : memref<1x1x64x128xi32, #tpu.memory_space<hbm>> -> memref<64x128xi32, #tpu.memory_space<hbm>>
    tpu.wait_dma2 semaphore(%arg21 : memref<!tpu.dma_semaphore, #tpu.memory_space<semaphore_mem>>) src(%arg10 : memref<64x128xi32, #tpu.memory_space<vmem>>) dst(%dma_wait3A_124 : memref<64x128xi32, #tpu.memory_space<hbm>>)
    %dma_wait3A_125 = arith.constant 0 : i32
    %dma_wait3A_126 = arith.constant 0 : i32
    %dma_wait3A_127 = arith.constant 0 : i32
    %dma_wait3A_128 = arith.constant 0 : i32
    %dma_wait3A_129 = tpu.memref_slice %arg4[%dma_wait3A_125, %dma_wait3A_126, %dma_wait3A_127, %dma_wait3A_128] : memref<9x4x10240x128xi32, #tpu.memory_space<hbm>> -> memref<1x1x64x128xi32, #tpu.memory_space<hbm>>
    %dma_wait3A_130 = tpu.memref_squeeze %dma_wait3A_129 : memref<1x1x64x128xi32, #tpu.memory_space<hbm>> -> memref<64x128xi32, #tpu.memory_space<hbm>>
    %dma_wait3A_131 = arith.constant 0 : i32
    %dma_wait3A_132 = arith.constant 0 : i32
    %dma_wait3A_133 = tpu.memref_slice %arg4[%dma_wait3A_125, %dma_wait3A_126, %dma_wait3A_131, %dma_wait3A_132] : memref<9x4x10240x128xi32, #tpu.memory_space<hbm>> -> memref<1x1x64x128xi32, #tpu.memory_space<hbm>>
    %dma_wait3A_134 = tpu.memref_squeeze %dma_wait3A_133 : memref<1x1x64x128xi32, #tpu.memory_space<hbm>> -> memref<64x128xi32, #tpu.memory_space<hbm>>
    tpu.wait_dma2 semaphore(%arg22 : memref<!tpu.dma_semaphore, #tpu.memory_space<semaphore_mem>>) src(%arg11 : memref<64x128xi32, #tpu.memory_space<vmem>>) dst(%dma_wait3A_134 : memref<64x128xi32, #tpu.memory_space<hbm>>)
    return
  }
}

module attributes {stable_mosaic.version = 14 : i64} {
  func.func @body(%arg0: i32, %arg1: memref<8x632x128xf32, #tpu.memory_space<vmem>>, %arg2: memref<4x632x128xi32, #tpu.memory_space<vmem>>) attributes {dimension_semantics = [#tpu.dimension_semantics<arbitrary>], iteration_bounds = array<i64: 16>, scalar_prefetch = 0 : i64, scratch_operands = 0 : i64, tpu.core_type = #tpu.core_type<tc>, window_params = [{transform_indices = @transform_0, window_bounds = array<i64: 8, 632, 128>}, {transform_indices = @transform_1, window_bounds = array<i64: 4, 632, 128>}]} {
    %mul3A = arith.constant 632 : i32
    %mul3A_0 = arith.muli %arg0, %mul3A : i32
    %iota3A = tpu.iota {dimensions = array<i32: 0>} : vector<632x128xi32>
    %add3A = vector.broadcast %mul3A_0 : i32 to vector<632x128xi32>
    %add3A_1 = arith.addi %add3A, %iota3A : vector<632x128xi32>
    %lt3A = arith.constant 10000 : i32
    %lt3A_2 = vector.broadcast %lt3A : i32 to vector<632x128xi32>
    %lt3A_3 = arith.cmpi slt, %add3A_1, %lt3A_2 : vector<632x128xi32>
    %get3A = arith.constant 0 : index
    %get3A_4 = arith.constant 0 : index
    %get3A_5 = arith.constant 0 : index
    %get3A_6 = vector.load %arg1[%get3A, %get3A_4, %get3A_5] : memref<8x632x128xf32, #tpu.memory_space<vmem>>, vector<1x632x128xf32>
    %get3A_7 = vector.shape_cast %get3A_6 : vector<1x632x128xf32> to vector<632x128xf32>
    %convert_element_type3A = arith.truncf %get3A_7 : vector<632x128xf32> to vector<632x128xbf16>
    %bitcast_convert_type3A = tpu.bitcast %convert_element_type3A : vector<632x128xbf16> -> vector<632x128xi16>
    %convert_element_type3A_8 = arith.extui %bitcast_convert_type3A : vector<632x128xi16> to vector<632x128xi32>
    %get3A_9 = arith.constant 1 : index
    %get3A_10 = arith.constant 0 : index
    %get3A_11 = arith.constant 0 : index
    %get3A_12 = vector.load %arg1[%get3A_9, %get3A_10, %get3A_11] : memref<8x632x128xf32, #tpu.memory_space<vmem>>, vector<1x632x128xf32>
    %get3A_13 = vector.shape_cast %get3A_12 : vector<1x632x128xf32> to vector<632x128xf32>
    %convert_element_type3A_14 = arith.truncf %get3A_13 : vector<632x128xf32> to vector<632x128xbf16>
    %bitcast_convert_type3A_15 = tpu.bitcast %convert_element_type3A_14 : vector<632x128xbf16> -> vector<632x128xi16>
    %convert_element_type3A_16 = arith.extui %bitcast_convert_type3A_15 : vector<632x128xi16> to vector<632x128xi32>
    %shift_left3A = arith.constant 16 : i32
    %shift_left3A_17 = vector.broadcast %shift_left3A : i32 to vector<632x128xi32>
    %shift_left3A_18 = arith.shli %convert_element_type3A_16, %shift_left3A_17 : vector<632x128xi32>
    %or3A = arith.ori %convert_element_type3A_8, %shift_left3A_18 : vector<632x128xi32>
    %jit3A = arith.constant 0 : i32
    %broadcast_in_dim3A = vector.broadcast %jit3A : i32 to vector<632x128xi32>
    %select_n3A = arith.select %lt3A_3, %or3A, %broadcast_in_dim3A : vector<632x128xi1>, vector<632x128xi32>
    %bitcast_convert_type3A_19 = tpu.bitcast %select_n3A : vector<632x128xi32> -> vector<632x128xi32>
    %swap3A = arith.constant 0 : index
    %swap3A_20 = arith.constant 0 : index
    %swap3A_21 = arith.constant 0 : index
    %swap3A_22 = vector.load %arg2[%swap3A, %swap3A_20, %swap3A_21] : memref<4x632x128xi32, #tpu.memory_space<vmem>>, vector<1x632x128xi32>
    %swap3A_23 = vector.shape_cast %swap3A_22 : vector<1x632x128xi32> to vector<632x128xi32>
    %swap3A_24 = vector.shape_cast %bitcast_convert_type3A_19 : vector<632x128xi32> to vector<1x632x128xi32>
    tpu.vector_store %arg2[%swap3A, %swap3A_20, %swap3A_21], %swap3A_24 {strides = array<i32>} : memref<4x632x128xi32, #tpu.memory_space<vmem>>, vector<1x632x128xi32>,
    %get3A_25 = arith.constant 2 : index
    %get3A_26 = arith.constant 0 : index
    %get3A_27 = arith.constant 0 : index
    %get3A_28 = vector.load %arg1[%get3A_25, %get3A_26, %get3A_27] : memref<8x632x128xf32, #tpu.memory_space<vmem>>, vector<1x632x128xf32>
    %get3A_29 = vector.shape_cast %get3A_28 : vector<1x632x128xf32> to vector<632x128xf32>
    %convert_element_type3A_30 = arith.truncf %get3A_29 : vector<632x128xf32> to vector<632x128xbf16>
    %bitcast_convert_type3A_31 = tpu.bitcast %convert_element_type3A_30 : vector<632x128xbf16> -> vector<632x128xi16>
    %convert_element_type3A_32 = arith.extui %bitcast_convert_type3A_31 : vector<632x128xi16> to vector<632x128xi32>
    %get3A_33 = arith.constant 3 : index
    %get3A_34 = arith.constant 0 : index
    %get3A_35 = arith.constant 0 : index
    %get3A_36 = vector.load %arg1[%get3A_33, %get3A_34, %get3A_35] : memref<8x632x128xf32, #tpu.memory_space<vmem>>, vector<1x632x128xf32>
    %get3A_37 = vector.shape_cast %get3A_36 : vector<1x632x128xf32> to vector<632x128xf32>
    %convert_element_type3A_38 = arith.truncf %get3A_37 : vector<632x128xf32> to vector<632x128xbf16>
    %bitcast_convert_type3A_39 = tpu.bitcast %convert_element_type3A_38 : vector<632x128xbf16> -> vector<632x128xi16>
    %convert_element_type3A_40 = arith.extui %bitcast_convert_type3A_39 : vector<632x128xi16> to vector<632x128xi32>
    %shift_left3A_41 = arith.constant 16 : i32
    %shift_left3A_42 = vector.broadcast %shift_left3A_41 : i32 to vector<632x128xi32>
    %shift_left3A_43 = arith.shli %convert_element_type3A_40, %shift_left3A_42 : vector<632x128xi32>
    %or3A_44 = arith.ori %convert_element_type3A_32, %shift_left3A_43 : vector<632x128xi32>
    %jit3A_45 = arith.constant 0 : i32
    %broadcast_in_dim3A_46 = vector.broadcast %jit3A_45 : i32 to vector<632x128xi32>
    %select_n3A_47 = arith.select %lt3A_3, %or3A_44, %broadcast_in_dim3A_46 : vector<632x128xi1>, vector<632x128xi32>
    %bitcast_convert_type3A_48 = tpu.bitcast %select_n3A_47 : vector<632x128xi32> -> vector<632x128xi32>
    %swap3A_49 = arith.constant 1 : index
    %swap3A_50 = arith.constant 0 : index
    %swap3A_51 = arith.constant 0 : index
    %swap3A_52 = vector.load %arg2[%swap3A_49, %swap3A_50, %swap3A_51] : memref<4x632x128xi32, #tpu.memory_space<vmem>>, vector<1x632x128xi32>
    %swap3A_53 = vector.shape_cast %swap3A_52 : vector<1x632x128xi32> to vector<632x128xi32>
    %swap3A_54 = vector.shape_cast %bitcast_convert_type3A_48 : vector<632x128xi32> to vector<1x632x128xi32>
    tpu.vector_store %arg2[%swap3A_49, %swap3A_50, %swap3A_51], %swap3A_54 {strides = array<i32>} : memref<4x632x128xi32, #tpu.memory_space<vmem>>, vector<1x632x128xi32>,
    %get3A_55 = arith.constant 4 : index
    %get3A_56 = arith.constant 0 : index
    %get3A_57 = arith.constant 0 : index
    %get3A_58 = vector.load %arg1[%get3A_55, %get3A_56, %get3A_57] : memref<8x632x128xf32, #tpu.memory_space<vmem>>, vector<1x632x128xf32>
    %get3A_59 = vector.shape_cast %get3A_58 : vector<1x632x128xf32> to vector<632x128xf32>
    %convert_element_type3A_60 = arith.truncf %get3A_59 : vector<632x128xf32> to vector<632x128xbf16>
    %bitcast_convert_type3A_61 = tpu.bitcast %convert_element_type3A_60 : vector<632x128xbf16> -> vector<632x128xi16>
    %convert_element_type3A_62 = arith.extui %bitcast_convert_type3A_61 : vector<632x128xi16> to vector<632x128xi32>
    %get3A_63 = arith.constant 5 : index
    %get3A_64 = arith.constant 0 : index
    %get3A_65 = arith.constant 0 : index
    %get3A_66 = vector.load %arg1[%get3A_63, %get3A_64, %get3A_65] : memref<8x632x128xf32, #tpu.memory_space<vmem>>, vector<1x632x128xf32>
    %get3A_67 = vector.shape_cast %get3A_66 : vector<1x632x128xf32> to vector<632x128xf32>
    %convert_element_type3A_68 = arith.truncf %get3A_67 : vector<632x128xf32> to vector<632x128xbf16>
    %bitcast_convert_type3A_69 = tpu.bitcast %convert_element_type3A_68 : vector<632x128xbf16> -> vector<632x128xi16>
    %convert_element_type3A_70 = arith.extui %bitcast_convert_type3A_69 : vector<632x128xi16> to vector<632x128xi32>
    %shift_left3A_71 = arith.constant 16 : i32
    %shift_left3A_72 = vector.broadcast %shift_left3A_71 : i32 to vector<632x128xi32>
    %shift_left3A_73 = arith.shli %convert_element_type3A_70, %shift_left3A_72 : vector<632x128xi32>
    %or3A_74 = arith.ori %convert_element_type3A_62, %shift_left3A_73 : vector<632x128xi32>
    %jit3A_75 = arith.constant 0 : i32
    %broadcast_in_dim3A_76 = vector.broadcast %jit3A_75 : i32 to vector<632x128xi32>
    %select_n3A_77 = arith.select %lt3A_3, %or3A_74, %broadcast_in_dim3A_76 : vector<632x128xi1>, vector<632x128xi32>
    %bitcast_convert_type3A_78 = tpu.bitcast %select_n3A_77 : vector<632x128xi32> -> vector<632x128xi32>
    %swap3A_79 = arith.constant 2 : index
    %swap3A_80 = arith.constant 0 : index
    %swap3A_81 = arith.constant 0 : index
    %swap3A_82 = vector.load %arg2[%swap3A_79, %swap3A_80, %swap3A_81] : memref<4x632x128xi32, #tpu.memory_space<vmem>>, vector<1x632x128xi32>
    %swap3A_83 = vector.shape_cast %swap3A_82 : vector<1x632x128xi32> to vector<632x128xi32>
    %swap3A_84 = vector.shape_cast %bitcast_convert_type3A_78 : vector<632x128xi32> to vector<1x632x128xi32>
    tpu.vector_store %arg2[%swap3A_79, %swap3A_80, %swap3A_81], %swap3A_84 {strides = array<i32>} : memref<4x632x128xi32, #tpu.memory_space<vmem>>, vector<1x632x128xi32>,
    %get3A_85 = arith.constant 6 : index
    %get3A_86 = arith.constant 0 : index
    %get3A_87 = arith.constant 0 : index
    %get3A_88 = vector.load %arg1[%get3A_85, %get3A_86, %get3A_87] : memref<8x632x128xf32, #tpu.memory_space<vmem>>, vector<1x632x128xf32>
    %get3A_89 = vector.shape_cast %get3A_88 : vector<1x632x128xf32> to vector<632x128xf32>
    %convert_element_type3A_90 = arith.truncf %get3A_89 : vector<632x128xf32> to vector<632x128xbf16>
    %bitcast_convert_type3A_91 = tpu.bitcast %convert_element_type3A_90 : vector<632x128xbf16> -> vector<632x128xi16>
    %convert_element_type3A_92 = arith.extui %bitcast_convert_type3A_91 : vector<632x128xi16> to vector<632x128xi32>
    %get3A_93 = arith.constant 7 : index
    %get3A_94 = arith.constant 0 : index
    %get3A_95 = arith.constant 0 : index
    %get3A_96 = vector.load %arg1[%get3A_93, %get3A_94, %get3A_95] : memref<8x632x128xf32, #tpu.memory_space<vmem>>, vector<1x632x128xf32>
    %get3A_97 = vector.shape_cast %get3A_96 : vector<1x632x128xf32> to vector<632x128xf32>
    %convert_element_type3A_98 = arith.truncf %get3A_97 : vector<632x128xf32> to vector<632x128xbf16>
    %bitcast_convert_type3A_99 = tpu.bitcast %convert_element_type3A_98 : vector<632x128xbf16> -> vector<632x128xi16>
    %convert_element_type3A_100 = arith.extui %bitcast_convert_type3A_99 : vector<632x128xi16> to vector<632x128xi32>
    %shift_left3A_101 = arith.constant 16 : i32
    %shift_left3A_102 = vector.broadcast %shift_left3A_101 : i32 to vector<632x128xi32>
    %shift_left3A_103 = arith.shli %convert_element_type3A_100, %shift_left3A_102 : vector<632x128xi32>
    %or3A_104 = arith.ori %convert_element_type3A_92, %shift_left3A_103 : vector<632x128xi32>
    %jit3A_105 = arith.constant 0 : i32
    %broadcast_in_dim3A_106 = vector.broadcast %jit3A_105 : i32 to vector<632x128xi32>
    %select_n3A_107 = arith.select %lt3A_3, %or3A_104, %broadcast_in_dim3A_106 : vector<632x128xi1>, vector<632x128xi32>
    %bitcast_convert_type3A_108 = tpu.bitcast %select_n3A_107 : vector<632x128xi32> -> vector<632x128xi32>
    %swap3A_109 = arith.constant 3 : index
    %swap3A_110 = arith.constant 0 : index
    %swap3A_111 = arith.constant 0 : index
    %swap3A_112 = vector.load %arg2[%swap3A_109, %swap3A_110, %swap3A_111] : memref<4x632x128xi32, #tpu.memory_space<vmem>>, vector<1x632x128xi32>
    %swap3A_113 = vector.shape_cast %swap3A_112 : vector<1x632x128xi32> to vector<632x128xi32>
    %swap3A_114 = vector.shape_cast %bitcast_convert_type3A_108 : vector<632x128xi32> to vector<1x632x128xi32>
    tpu.vector_store %arg2[%swap3A_109, %swap3A_110, %swap3A_111], %swap3A_114 {strides = array<i32>} : memref<4x632x128xi32, #tpu.memory_space<vmem>>, vector<1x632x128xi32>,
    return
  }
  func.func @transform_0(%arg0: i32) -> (i32, i32, i32) {
    %c0_i32 = arith.constant 0 : i32
    %c0_i32_0 = arith.constant 0 : i32
    %c0_i32_1 = arith.constant 0 : i32
    return %c0_i32, %arg0, %c0_i32_0 : i32, i32, i32
  }
  func.func @transform_1(%arg0: i32) -> (i32, i32, i32) {
    %c0_i32 = arith.constant 0 : i32
    %c0_i32_0 = arith.constant 0 : i32
    %c0_i32_1 = arith.constant 0 : i32
    return %c0_i32, %arg0, %c0_i32_0 : i32, i32, i32
  }
}

module attributes {stable_mosaic.version = 14 : i64} {
  func.func @body(%arg0: i32, %arg1: i32, %arg2: memref<9x1x2000x128xi32, #tpu.memory_space<vmem>>, %arg3: memref<1152x128xbf16, #tpu.memory_space<vmem>>, %arg4: memref<1x128xf32, #tpu.memory_space<vmem>>, %arg5: memref<2x2000x128xf32, #tpu.memory_space<vmem>>) attributes {dimension_semantics = [#tpu.dimension_semantics<parallel>, #tpu.dimension_semantics<parallel>], iteration_bounds = array<i64: 4, 5>, scalar_prefetch = 0 : i64, scratch_operands = 0 : i64, tpu.core_type = #tpu.core_type<tc>, window_params = [{transform_indices = @transform_0, window_bounds = array<i64: 9, 1, 2000, 128>}, {pipeline_mode = #tpu.pipeline_mode<synchronous>, transform_indices = @transform_1, window_bounds = array<i64: 1152, 128>}, {pipeline_mode = #tpu.pipeline_mode<synchronous>, transform_indices = @transform_2, window_bounds = array<i64: 1, 128>}, {transform_indices = @transform_3, window_bounds = array<i64: 2, 2000, 128>}]} {
    %get3A = arith.constant 0 : index
    %get3A_0 = arith.constant 0 : index
    %get3A_1 = arith.constant 0 : index
    %get3A_2 = arith.constant 0 : index
    %get3A_3 = vector.load %arg2[%get3A, %get3A_0, %get3A_1, %get3A_2] : memref<9x1x2000x128xi32, #tpu.memory_space<vmem>>, vector<1x1x2000x128xi32>
    %get3A_4 = vector.shape_cast %get3A_3 : vector<1x1x2000x128xi32> to vector<2000x128xi32>
    %bitcast_convert_type3A = tpu.bitcast %get3A_4 : vector<2000x128xi32> -> vector<2000x128xi32>
    %shift_left3A = arith.constant 16 : i32
    %shift_left3A_5 = vector.broadcast %shift_left3A : i32 to vector<2000x128xi32>
    %shift_left3A_6 = arith.shli %bitcast_convert_type3A, %shift_left3A_5 : vector<2000x128xi32>
    %bitcast_convert_type3A_7 = tpu.bitcast %shift_left3A_6 : vector<2000x128xi32> -> vector<2000x128xf32>
    %and3A = arith.constant -65536 : i32
    %and3A_8 = vector.broadcast %and3A : i32 to vector<2000x128xi32>
    %and3A_9 = arith.andi %bitcast_convert_type3A, %and3A_8 : vector<2000x128xi32>
    %bitcast_convert_type3A_10 = tpu.bitcast %and3A_9 : vector<2000x128xi32> -> vector<2000x128xf32>
    %convert_element_type3A = arith.truncf %bitcast_convert_type3A_7 : vector<2000x128xf32> to vector<2000x128xbf16>
    %convert_element_type3A_11 = arith.truncf %bitcast_convert_type3A_10 : vector<2000x128xf32> to vector<2000x128xbf16>
    %get3A_12 = arith.constant 1 : index
    %get3A_13 = arith.constant 0 : index
    %get3A_14 = arith.constant 0 : index
    %get3A_15 = arith.constant 0 : index
    %get3A_16 = vector.load %arg2[%get3A_12, %get3A_13, %get3A_14, %get3A_15] : memref<9x1x2000x128xi32, #tpu.memory_space<vmem>>, vector<1x1x2000x128xi32>
    %get3A_17 = vector.shape_cast %get3A_16 : vector<1x1x2000x128xi32> to vector<2000x128xi32>
    %bitcast_convert_type3A_18 = tpu.bitcast %get3A_17 : vector<2000x128xi32> -> vector<2000x128xi32>
    %shift_left3A_19 = arith.constant 16 : i32
    %shift_left3A_20 = vector.broadcast %shift_left3A_19 : i32 to vector<2000x128xi32>
    %shift_left3A_21 = arith.shli %bitcast_convert_type3A_18, %shift_left3A_20 : vector<2000x128xi32>
    %bitcast_convert_type3A_22 = tpu.bitcast %shift_left3A_21 : vector<2000x128xi32> -> vector<2000x128xf32>
    %and3A_23 = arith.constant -65536 : i32
    %and3A_24 = vector.broadcast %and3A_23 : i32 to vector<2000x128xi32>
    %and3A_25 = arith.andi %bitcast_convert_type3A_18, %and3A_24 : vector<2000x128xi32>
    %bitcast_convert_type3A_26 = tpu.bitcast %and3A_25 : vector<2000x128xi32> -> vector<2000x128xf32>
    %convert_element_type3A_27 = arith.truncf %bitcast_convert_type3A_22 : vector<2000x128xf32> to vector<2000x128xbf16>
    %convert_element_type3A_28 = arith.truncf %bitcast_convert_type3A_26 : vector<2000x128xf32> to vector<2000x128xbf16>
    %get3A_29 = arith.constant 2 : index
    %get3A_30 = arith.constant 0 : index
    %get3A_31 = arith.constant 0 : index
    %get3A_32 = arith.constant 0 : index
    %get3A_33 = vector.load %arg2[%get3A_29, %get3A_30, %get3A_31, %get3A_32] : memref<9x1x2000x128xi32, #tpu.memory_space<vmem>>, vector<1x1x2000x128xi32>
    %get3A_34 = vector.shape_cast %get3A_33 : vector<1x1x2000x128xi32> to vector<2000x128xi32>
    %bitcast_convert_type3A_35 = tpu.bitcast %get3A_34 : vector<2000x128xi32> -> vector<2000x128xi32>
    %shift_left3A_36 = arith.constant 16 : i32
    %shift_left3A_37 = vector.broadcast %shift_left3A_36 : i32 to vector<2000x128xi32>
    %shift_left3A_38 = arith.shli %bitcast_convert_type3A_35, %shift_left3A_37 : vector<2000x128xi32>
    %bitcast_convert_type3A_39 = tpu.bitcast %shift_left3A_38 : vector<2000x128xi32> -> vector<2000x128xf32>
    %and3A_40 = arith.constant -65536 : i32
    %and3A_41 = vector.broadcast %and3A_40 : i32 to vector<2000x128xi32>
    %and3A_42 = arith.andi %bitcast_convert_type3A_35, %and3A_41 : vector<2000x128xi32>
    %bitcast_convert_type3A_43 = tpu.bitcast %and3A_42 : vector<2000x128xi32> -> vector<2000x128xf32>
    %convert_element_type3A_44 = arith.truncf %bitcast_convert_type3A_39 : vector<2000x128xf32> to vector<2000x128xbf16>
    %convert_element_type3A_45 = arith.truncf %bitcast_convert_type3A_43 : vector<2000x128xf32> to vector<2000x128xbf16>
    %get3A_46 = arith.constant 3 : index
    %get3A_47 = arith.constant 0 : index
    %get3A_48 = arith.constant 0 : index
    %get3A_49 = arith.constant 0 : index
    %get3A_50 = vector.load %arg2[%get3A_46, %get3A_47, %get3A_48, %get3A_49] : memref<9x1x2000x128xi32, #tpu.memory_space<vmem>>, vector<1x1x2000x128xi32>
    %get3A_51 = vector.shape_cast %get3A_50 : vector<1x1x2000x128xi32> to vector<2000x128xi32>
    %bitcast_convert_type3A_52 = tpu.bitcast %get3A_51 : vector<2000x128xi32> -> vector<2000x128xi32>
    %shift_left3A_53 = arith.constant 16 : i32
    %shift_left3A_54 = vector.broadcast %shift_left3A_53 : i32 to vector<2000x128xi32>
    %shift_left3A_55 = arith.shli %bitcast_convert_type3A_52, %shift_left3A_54 : vector<2000x128xi32>
    %bitcast_convert_type3A_56 = tpu.bitcast %shift_left3A_55 : vector<2000x128xi32> -> vector<2000x128xf32>
    %and3A_57 = arith.constant -65536 : i32
    %and3A_58 = vector.broadcast %and3A_57 : i32 to vector<2000x128xi32>
    %and3A_59 = arith.andi %bitcast_convert_type3A_52, %and3A_58 : vector<2000x128xi32>
    %bitcast_convert_type3A_60 = tpu.bitcast %and3A_59 : vector<2000x128xi32> -> vector<2000x128xf32>
    %convert_element_type3A_61 = arith.truncf %bitcast_convert_type3A_56 : vector<2000x128xf32> to vector<2000x128xbf16>
    %convert_element_type3A_62 = arith.truncf %bitcast_convert_type3A_60 : vector<2000x128xf32> to vector<2000x128xbf16>
    %get3A_63 = arith.constant 4 : index
    %get3A_64 = arith.constant 0 : index
    %get3A_65 = arith.constant 0 : index
    %get3A_66 = arith.constant 0 : index
    %get3A_67 = vector.load %arg2[%get3A_63, %get3A_64, %get3A_65, %get3A_66] : memref<9x1x2000x128xi32, #tpu.memory_space<vmem>>, vector<1x1x2000x128xi32>
    %get3A_68 = vector.shape_cast %get3A_67 : vector<1x1x2000x128xi32> to vector<2000x128xi32>
    %bitcast_convert_type3A_69 = tpu.bitcast %get3A_68 : vector<2000x128xi32> -> vector<2000x128xi32>
    %shift_left3A_70 = arith.constant 16 : i32
    %shift_left3A_71 = vector.broadcast %shift_left3A_70 : i32 to vector<2000x128xi32>
    %shift_left3A_72 = arith.shli %bitcast_convert_type3A_69, %shift_left3A_71 : vector<2000x128xi32>
    %bitcast_convert_type3A_73 = tpu.bitcast %shift_left3A_72 : vector<2000x128xi32> -> vector<2000x128xf32>
    %and3A_74 = arith.constant -65536 : i32
    %and3A_75 = vector.broadcast %and3A_74 : i32 to vector<2000x128xi32>
    %and3A_76 = arith.andi %bitcast_convert_type3A_69, %and3A_75 : vector<2000x128xi32>
    %bitcast_convert_type3A_77 = tpu.bitcast %and3A_76 : vector<2000x128xi32> -> vector<2000x128xf32>
    %convert_element_type3A_78 = arith.truncf %bitcast_convert_type3A_73 : vector<2000x128xf32> to vector<2000x128xbf16>
    %convert_element_type3A_79 = arith.truncf %bitcast_convert_type3A_77 : vector<2000x128xf32> to vector<2000x128xbf16>
    %get3A_80 = arith.constant 5 : index
    %get3A_81 = arith.constant 0 : index
    %get3A_82 = arith.constant 0 : index
    %get3A_83 = arith.constant 0 : index
    %get3A_84 = vector.load %arg2[%get3A_80, %get3A_81, %get3A_82, %get3A_83] : memref<9x1x2000x128xi32, #tpu.memory_space<vmem>>, vector<1x1x2000x128xi32>
    %get3A_85 = vector.shape_cast %get3A_84 : vector<1x1x2000x128xi32> to vector<2000x128xi32>
    %bitcast_convert_type3A_86 = tpu.bitcast %get3A_85 : vector<2000x128xi32> -> vector<2000x128xi32>
    %shift_left3A_87 = arith.constant 16 : i32
    %shift_left3A_88 = vector.broadcast %shift_left3A_87 : i32 to vector<2000x128xi32>
    %shift_left3A_89 = arith.shli %bitcast_convert_type3A_86, %shift_left3A_88 : vector<2000x128xi32>
    %bitcast_convert_type3A_90 = tpu.bitcast %shift_left3A_89 : vector<2000x128xi32> -> vector<2000x128xf32>
    %and3A_91 = arith.constant -65536 : i32
    %and3A_92 = vector.broadcast %and3A_91 : i32 to vector<2000x128xi32>
    %and3A_93 = arith.andi %bitcast_convert_type3A_86, %and3A_92 : vector<2000x128xi32>
    %bitcast_convert_type3A_94 = tpu.bitcast %and3A_93 : vector<2000x128xi32> -> vector<2000x128xf32>
    %convert_element_type3A_95 = arith.truncf %bitcast_convert_type3A_90 : vector<2000x128xf32> to vector<2000x128xbf16>
    %convert_element_type3A_96 = arith.truncf %bitcast_convert_type3A_94 : vector<2000x128xf32> to vector<2000x128xbf16>
    %get3A_97 = arith.constant 6 : index
    %get3A_98 = arith.constant 0 : index
    %get3A_99 = arith.constant 0 : index
    %get3A_100 = arith.constant 0 : index
    %get3A_101 = vector.load %arg2[%get3A_97, %get3A_98, %get3A_99, %get3A_100] : memref<9x1x2000x128xi32, #tpu.memory_space<vmem>>, vector<1x1x2000x128xi32>
    %get3A_102 = vector.shape_cast %get3A_101 : vector<1x1x2000x128xi32> to vector<2000x128xi32>
    %bitcast_convert_type3A_103 = tpu.bitcast %get3A_102 : vector<2000x128xi32> -> vector<2000x128xi32>
    %shift_left3A_104 = arith.constant 16 : i32
    %shift_left3A_105 = vector.broadcast %shift_left3A_104 : i32 to vector<2000x128xi32>
    %shift_left3A_106 = arith.shli %bitcast_convert_type3A_103, %shift_left3A_105 : vector<2000x128xi32>
    %bitcast_convert_type3A_107 = tpu.bitcast %shift_left3A_106 : vector<2000x128xi32> -> vector<2000x128xf32>
    %and3A_108 = arith.constant -65536 : i32
    %and3A_109 = vector.broadcast %and3A_108 : i32 to vector<2000x128xi32>
    %and3A_110 = arith.andi %bitcast_convert_type3A_103, %and3A_109 : vector<2000x128xi32>
    %bitcast_convert_type3A_111 = tpu.bitcast %and3A_110 : vector<2000x128xi32> -> vector<2000x128xf32>
    %convert_element_type3A_112 = arith.truncf %bitcast_convert_type3A_107 : vector<2000x128xf32> to vector<2000x128xbf16>
    %convert_element_type3A_113 = arith.truncf %bitcast_convert_type3A_111 : vector<2000x128xf32> to vector<2000x128xbf16>
    %get3A_114 = arith.constant 7 : index
    %get3A_115 = arith.constant 0 : index
    %get3A_116 = arith.constant 0 : index
    %get3A_117 = arith.constant 0 : index
    %get3A_118 = vector.load %arg2[%get3A_114, %get3A_115, %get3A_116, %get3A_117] : memref<9x1x2000x128xi32, #tpu.memory_space<vmem>>, vector<1x1x2000x128xi32>
    %get3A_119 = vector.shape_cast %get3A_118 : vector<1x1x2000x128xi32> to vector<2000x128xi32>
    %bitcast_convert_type3A_120 = tpu.bitcast %get3A_119 : vector<2000x128xi32> -> vector<2000x128xi32>
    %shift_left3A_121 = arith.constant 16 : i32
    %shift_left3A_122 = vector.broadcast %shift_left3A_121 : i32 to vector<2000x128xi32>
    %shift_left3A_123 = arith.shli %bitcast_convert_type3A_120, %shift_left3A_122 : vector<2000x128xi32>
    %bitcast_convert_type3A_124 = tpu.bitcast %shift_left3A_123 : vector<2000x128xi32> -> vector<2000x128xf32>
    %and3A_125 = arith.constant -65536 : i32
    %and3A_126 = vector.broadcast %and3A_125 : i32 to vector<2000x128xi32>
    %and3A_127 = arith.andi %bitcast_convert_type3A_120, %and3A_126 : vector<2000x128xi32>
    %bitcast_convert_type3A_128 = tpu.bitcast %and3A_127 : vector<2000x128xi32> -> vector<2000x128xf32>
    %convert_element_type3A_129 = arith.truncf %bitcast_convert_type3A_124 : vector<2000x128xf32> to vector<2000x128xbf16>
    %convert_element_type3A_130 = arith.truncf %bitcast_convert_type3A_128 : vector<2000x128xf32> to vector<2000x128xbf16>
    %get3A_131 = arith.constant 8 : index
    %get3A_132 = arith.constant 0 : index
    %get3A_133 = arith.constant 0 : index
    %get3A_134 = arith.constant 0 : index
    %get3A_135 = vector.load %arg2[%get3A_131, %get3A_132, %get3A_133, %get3A_134] : memref<9x1x2000x128xi32, #tpu.memory_space<vmem>>, vector<1x1x2000x128xi32>
    %get3A_136 = vector.shape_cast %get3A_135 : vector<1x1x2000x128xi32> to vector<2000x128xi32>
    %bitcast_convert_type3A_137 = tpu.bitcast %get3A_136 : vector<2000x128xi32> -> vector<2000x128xi32>
    %shift_left3A_138 = arith.constant 16 : i32
    %shift_left3A_139 = vector.broadcast %shift_left3A_138 : i32 to vector<2000x128xi32>
    %shift_left3A_140 = arith.shli %bitcast_convert_type3A_137, %shift_left3A_139 : vector<2000x128xi32>
    %bitcast_convert_type3A_141 = tpu.bitcast %shift_left3A_140 : vector<2000x128xi32> -> vector<2000x128xf32>
    %and3A_142 = arith.constant -65536 : i32
    %and3A_143 = vector.broadcast %and3A_142 : i32 to vector<2000x128xi32>
    %and3A_144 = arith.andi %bitcast_convert_type3A_137, %and3A_143 : vector<2000x128xi32>
    %bitcast_convert_type3A_145 = tpu.bitcast %and3A_144 : vector<2000x128xi32> -> vector<2000x128xf32>
    %convert_element_type3A_146 = arith.truncf %bitcast_convert_type3A_141 : vector<2000x128xf32> to vector<2000x128xbf16>
    %convert_element_type3A_147 = arith.truncf %bitcast_convert_type3A_145 : vector<2000x128xf32> to vector<2000x128xbf16>
    %concatenate3A = tpu.concatenate %convert_element_type3A, %convert_element_type3A_27, %convert_element_type3A_44, %convert_element_type3A_61, %convert_element_type3A_78, %convert_element_type3A_95, %convert_element_type3A_112, %convert_element_type3A_129, %convert_element_type3A_146 in 1 : vector<2000x128xbf16>, vector<2000x128xbf16>, vector<2000x128xbf16>, vector<2000x128xbf16>, vector<2000x128xbf16>, vector<2000x128xbf16>, vector<2000x128xbf16>, vector<2000x128xbf16>, vector<2000x128xbf16> -> vector<2000x1152xbf16>
    %concatenate3A_148 = tpu.concatenate %convert_element_type3A_11, %convert_element_type3A_28, %convert_element_type3A_45, %convert_element_type3A_62, %convert_element_type3A_79, %convert_element_type3A_96, %convert_element_type3A_113, %convert_element_type3A_130, %convert_element_type3A_147 in 1 : vector<2000x128xbf16>, vector<2000x128xbf16>, vector<2000x128xbf16>, vector<2000x128xbf16>, vector<2000x128xbf16>, vector<2000x128xbf16>, vector<2000x128xbf16>, vector<2000x128xbf16>, vector<2000x128xbf16> -> vector<2000x1152xbf16>
    %get3A_149 = arith.constant 0 : index
    %get3A_150 = arith.constant 0 : index
    %get3A_151 = vector.load %arg3[%get3A_149, %get3A_150] : memref<1152x128xbf16, #tpu.memory_space<vmem>>, vector<1152x128xbf16>
    %dot_general3A = arith.constant dense<0.000000e+00> : vector<2000x128xf32>
    %dot_general3A_152 = tpu.matmul %concatenate3A, %get3A_151, %dot_general3A {dimension_numbers = #tpu.dot_dimension_numbers<[1], [0], [0], [1], [0, 0, 1, 1], [], []>, transpose_lhs_hint = false} : vector<2000x1152xbf16>, vector<1152x128xbf16>, vector<2000x128xf32> -> vector<2000x128xf32>
    %get3A_153 = arith.constant 0 : index
    %get3A_154 = arith.constant 0 : index
    %get3A_155 = vector.load %arg3[%get3A_153, %get3A_154] : memref<1152x128xbf16, #tpu.memory_space<vmem>>, vector<1152x128xbf16>
    %dot_general3A_156 = arith.constant dense<0.000000e+00> : vector<2000x128xf32>
    %dot_general3A_157 = tpu.matmul %concatenate3A_148, %get3A_155, %dot_general3A_156 {dimension_numbers = #tpu.dot_dimension_numbers<[1], [0], [0], [1], [0, 0, 1, 1], [], []>, transpose_lhs_hint = false} : vector<2000x1152xbf16>, vector<1152x128xbf16>, vector<2000x128xf32> -> vector<2000x128xf32>
    %get3A_158 = arith.constant 0 : index
    %get3A_159 = arith.constant 0 : index
    %get3A_160 = vector.load %arg4[%get3A_158, %get3A_159] : memref<1x128xf32, #tpu.memory_space<vmem>>, vector<1x128xf32>
    %get3A_161 = vector.shape_cast %get3A_160 : vector<1x128xf32> to vector<128xf32>
    %broadcast_in_dim3A = vector.shape_cast %get3A_161 : vector<128xf32> to vector<1x128xf32>
    %add3A = vector.broadcast %broadcast_in_dim3A : vector<1x128xf32> to vector<2000x128xf32>
    %add3A_162 = arith.addf %dot_general3A_152, %add3A : vector<2000x128xf32>
    %max3A = arith.constant 0.000000e+00 : f32
    %max3A_163 = vector.broadcast %max3A : f32 to vector<2000x128xf32>
    %max3A_164 = arith.maximumf %add3A_162, %max3A_163 : vector<2000x128xf32>
    %swap3A = arith.constant 0 : index
    %swap3A_165 = arith.constant 0 : index
    %swap3A_166 = arith.constant 0 : index
    %swap3A_167 = vector.load %arg5[%swap3A, %swap3A_165, %swap3A_166] : memref<2x2000x128xf32, #tpu.memory_space<vmem>>, vector<1x2000x128xf32>
    %swap3A_168 = vector.shape_cast %swap3A_167 : vector<1x2000x128xf32> to vector<2000x128xf32>
    %swap3A_169 = vector.shape_cast %max3A_164 : vector<2000x128xf32> to vector<1x2000x128xf32>
    tpu.vector_store %arg5[%swap3A, %swap3A_165, %swap3A_166], %swap3A_169 {strides = array<i32>} : memref<2x2000x128xf32, #tpu.memory_space<vmem>>, vector<1x2000x128xf32>,
    %get3A_170 = arith.constant 0 : index
    %get3A_171 = arith.constant 0 : index
    %get3A_172 = vector.load %arg4[%get3A_170, %get3A_171] : memref<1x128xf32, #tpu.memory_space<vmem>>, vector<1x128xf32>
    %get3A_173 = vector.shape_cast %get3A_172 : vector<1x128xf32> to vector<128xf32>
    %broadcast_in_dim3A_174 = vector.shape_cast %get3A_173 : vector<128xf32> to vector<1x128xf32>
    %add3A_175 = vector.broadcast %broadcast_in_dim3A_174 : vector<1x128xf32> to vector<2000x128xf32>
    %add3A_176 = arith.addf %dot_general3A_157, %add3A_175 : vector<2000x128xf32>
    %max3A_177 = arith.constant 0.000000e+00 : f32
    %max3A_178 = vector.broadcast %max3A_177 : f32 to vector<2000x128xf32>
    %max3A_179 = arith.maximumf %add3A_176, %max3A_178 : vector<2000x128xf32>
    %swap3A_180 = arith.constant 1 : index
    %swap3A_181 = arith.constant 0 : index
    %swap3A_182 = arith.constant 0 : index
    %swap3A_183 = vector.load %arg5[%swap3A_180, %swap3A_181, %swap3A_182] : memref<2x2000x128xf32, #tpu.memory_space<vmem>>, vector<1x2000x128xf32>
    %swap3A_184 = vector.shape_cast %swap3A_183 : vector<1x2000x128xf32> to vector<2000x128xf32>
    %swap3A_185 = vector.shape_cast %max3A_179 : vector<2000x128xf32> to vector<1x2000x128xf32>
    tpu.vector_store %arg5[%swap3A_180, %swap3A_181, %swap3A_182], %swap3A_185 {strides = array<i32>} : memref<2x2000x128xf32, #tpu.memory_space<vmem>>, vector<1x2000x128xf32>,
    return
  }
  func.func @transform_0(%arg0: i32, %arg1: i32) -> (i32, i32, i32, i32) {
    %c0_i32 = arith.constant 0 : i32
    %c0_i32_0 = arith.constant 0 : i32
    %c0_i32_1 = arith.constant 0 : i32
    return %c0_i32, %arg0, %arg1, %c0_i32_0 : i32, i32, i32, i32
  }
  func.func @transform_1(%arg0: i32, %arg1: i32) -> (i32, i32) {
    %c0_i32 = arith.constant 0 : i32
    %c0_i32_0 = arith.constant 0 : i32
    %c0_i32_1 = arith.constant 0 : i32
    return %c0_i32, %c0_i32_0 : i32, i32
  }
  func.func @transform_2(%arg0: i32, %arg1: i32) -> (i32, i32) {
    %c0_i32 = arith.constant 0 : i32
    %c0_i32_0 = arith.constant 0 : i32
    %c0_i32_1 = arith.constant 0 : i32
    return %c0_i32, %c0_i32_0 : i32, i32
  }
  func.func @transform_3(%arg0: i32, %arg1: i32) -> (i32, i32, i32) {
    %c0_i32 = arith.constant 0 : i32
    %c0_i32_0 = arith.constant 0 : i32
    return %arg0, %arg1, %c0_i32 : i32, i32, i32
  }
}

</mosaic_0001>

<sc_bundles>
// kernel: kernel.5.cloned.1.call-start
scs
__scs_entry_jumppad:
0x0: {  	(pc) =	sbr.rel $0x88, $3  }
0x1: {  	(tag) =	ssettag $0x0;
	lr =	simm.s32 $0x1  }
0x2: {  	[smem:$0x3F9D] =	sst lr;
	_ =	strace $0xD0000000  }
0x3: {  	_ = 	snop  }
0x4: {  	_ = 	snop  }
0x5: {  	_ = 	snop  }
0x6: {  	_ = 	snop  }
0x7: {  	_ = 	snop  }
__scs_overlays_trampoline_lowered:
0x8: {  	[smem:$0x3FAC] =	sst s0  }
0x9: {  	[smem:$0x3FAD] =	sst s1  }
0xa: {  	[smem:$0x3FAE] =	sst s2  }
0xb: {  	[smem:$0x3FAF] =	sst s3  }
0xc: {  	[smem:$0x3FB0] =	sst s4  }
0xd: {  	[smem:$0x3FB1] =	sst s5  }
0xe: {  	[smem:$0x3FB2] =	sst s6  }
0xf: {  	[smem:$0x3FB3] =	sst s7  }
0x10: {  	[smem:$0x3FB4] =	sst s8  }
0x11: {  	[smem:$0x3FB5] =	sst s9;
	s0 =	simm.s32 @!p0 $0x0  }
0x12: {  	s1 =	sld [smem:$0x3F9B];
	s0 =	simm.s32 @p0 $0x1  }
0x13: {  	[smem:$0x3FB6] =	sst s0;
	s0 =	simm.s32 @!p1 $0x0  }
0x14: {  	s2 =	sld [smem:$0x3F9A];
	s0 =	simm.s32 @p1 $0x1  }
0x15: {  	[smem:$0x3FB7] =	sst s0;
	s0 =	simm.s32 @!p2 $0x0  }
0x16: {  	s3 =	sld [smem:$0x3FDB];
	s0 =	simm.s32 @p2 $0x1  }
0x17: {  	s4 =	simm.s32 $0x1BF5;
	[smem:$0x3FB9] =	sst s0  }
0x18: {  	s0 =	sld [smem:$0x3F9C];
	_ =	swait.ge [sflag:s4], $0x0  }
0x19: {  	s7 =	sld [smem:$0x3F9D]  }
0x1a: {  	s8 =	sadd.s32 $0xFFFFE003, lr  }
0x1b: {  	s9 =	sadd.s32 $0xFFFFFEF7, lr;
	s5 =	simm.s32 $0xFFFFFFFF;
	p2 =	slt.u32 s8, $0xFFFFF086  }
0x1c: {  	p1 =	slt.u32 s9, $0xF7A;
	s5 =	simm.s32 @!p2 $0x0  }
0x1d: {  	s5 =	simm.s32 @p1 $0x1;
	p0 =	seq.s32 s7, s2  }
0x1e: {  	s7 =	smul.u32 @!p0 $0xF7A, s2;
	p2 =	seq.s32 @!p0 s5, $0x0  }
0x1f: {  	s9 =	smul.u32 $0xF7A, s1;
	s8 =	simm.s32 @!p0 $0x1BF5;
	p2 =	por !p2, p0  }
0x20: {  	[sflag:s8] =	ssyncset.s32 @!p0 $0xFFFFF086;
	s6 =	sadd.s32 @!p0 s3, s7;
	s7 =	simm.s32 @!p0 $0x108  }
0x21: {  	s3 =	sadd.s32 s3, s9;
	s6 =	sadd.s32 @!p0 $0x88, s6;
	s7 =	simm.s32 @p2 $0x1082  }
0x22: {  	[simem:s7], [sflag:s8] =	dma.local @!p0 [hbm:s6], $0xF7A  }
0x23: {  	s9 =	sor.u32 $0xD0000000, s2;
	s6 =	simm.s32 $0x108;
	_ =	swait.ge @!p0 [sflag:s8], $0x0  }
0x24: {  	s3 =	sadd.s32 $0x88, s3;
	s6 =	simm.s32 @!p1 $0x1082;
	[sflag:s4] =	ssyncset.s32 $0xFFFFF086  }
0x25: {  	[simem:s6], [sflag:s4] =	dma.local [hbm:s3], $0xF7A  }
0x26: {  	[smem:$0x3F9D] =	sst s1;
	(tag) =	ssettag s2;
	_ =	strace s9  }
0x27: {  	s1 =	sld [smem:$0x3FAD]  }
0x28: {  	s2 =	sld [smem:$0x3FAE]  }
0x29: {  	s4 =	sld [smem:$0x3FB0]  }
0x2a: {  	p0 =	seq.s32 s5, $0x0;
	s5 =	sld [smem:$0x3FB1]  }
0x2b: {  	s6 =	sld [smem:$0x3FB2]  }
0x2c: {  	s7 =	sld [smem:$0x3FB3]  }
0x2d: {  	s3 =	simm.s32 $0x108;
	s8 =	sld [smem:$0x3FB4]  }
0x2e: {  	s3 =	simm.s32 @!p0 $0x1082;
	s9 =	sld [smem:$0x3FB5]  }
0x2f: {  	lr =	sadd.s32 s0, s3;
	s0 =	sld [smem:$0x3FAC]  }
0x30: {  	s3 =	sld [smem:$0x3FAF]  }
0x31: {  	[smem:$0x3FB8] =	sst s10  }
0x32: {  	s10 =	sld [smem:$0x3FB6];
	_ =	sdelay $0x3  }
0x33: {  	p0 =	seq.s32 s10, $0x1;
	s10 =	sld [smem:$0x3FB8];
	_ =	sdelay $0x3  }
0x34: {  	[smem:$0x3FB8] =	sst s10  }
0x35: {  	s10 =	sld [smem:$0x3FB7];
	_ =	sdelay $0x3  }
0x36: {  	p1 =	seq.s32 s10, $0x1;
	s10 =	sld [smem:$0x3FB8];
	_ =	sdelay $0x3  }
0x37: {  	[smem:$0x3FB8] =	sst s10  }
0x38: {  	s10 =	sld [smem:$0x3FB9]  }
0x39: {  	_ = 	snop;
	(pc) =	sbr.ind lr, $3  }
0x3a: {  	_ = 	snop  }
0x3b: {  	_ = 	snop  }
0x3c: {  	p2 =	seq.s32 s10, $0x1;
	s10 =	sld [smem:$0x3FB8]  }
0x3d: {  	_ =	shalt  }
0x3e: {  	_ =	shalt  }
0x3f: {  	_ =	shalt  }
0x40: {  	_ =	shalt  }
0x41: {  	_ =	shalt  }
0x42: {  	_ =	shalt  }
0x43: {  	_ =	shalt  }
0x44: {  	_ =	shalt  }
0x45: {  	_ =	shalt  }
0x46: {  	_ =	shalt  }
0x47: {  	_ =	shalt  }
0x48: {  	_ =	shalt  }
0x49: {  	_ =	shalt  }
0x4a: {  	_ =	shalt  }
0x4b: {  	_ =	shalt  }
0x4c: {  	_ =	shalt  }
0x4d: {  	_ =	shalt  }
0x4e: {  	_ =	shalt  }
0x4f: {  	_ =	shalt  }
0x50: {  	_ =	shalt  }
0x51: {  	_ =	shalt  }
0x52: {  	_ =	shalt  }
0x53: {  	_ =	shalt  }
0x54: {  	_ =	shalt  }
0x55: {  	_ =	shalt  }
0x56: {  	_ =	shalt  }
0x57: {  	_ =	shalt  }
0x58: {  	_ =	shalt  }
0x59: {  	_ =	shalt  }
0x5a: {  	_ =	shalt  }
0x5b: {  	_ =	shalt  }
0x5c: {  	_ =	shalt  }
0x5d: {  	_ =	shalt  }
0x5e: {  	_ =	shalt  }
0x5f: {  	_ =	shalt  }
0x60: {  	_ =	shalt  }
0x61: {  	_ =	shalt  }
0x62: {  	_ =	shalt  }
0x63: {  	_ =	shalt  }
0x64: {  	_ =	shalt  }
0x65: {  	_ =	shalt  }
0x66: {  	_ =	shalt  }
0x67: {  	_ =	shalt  }
0x68: {  	_ =	shalt  }
0x69: {  	_ =	shalt  }
0x6a: {  	_ =	shalt  }
0x6b: {  	_ =	shalt  }
0x6c: {  	_ =	shalt  }
0x6d: {  	_ =	shalt  }
0x6e: {  	_ =	shalt  }
0x6f: {  	_ =	shalt  }
0x70: {  	_ =	shalt  }
0x71: {  	_ =	shalt  }
0x72: {  	_ =	shalt  }
0x73: {  	_ =	shalt  }
0x74: {  	_ =	shalt  }
0x75: {  	_ =	shalt  }
0x76: {  	_ =	shalt  }
0x77: {  	_ =	shalt  }
0x78: {  	_ =	shalt  }
0x79: {  	_ =	shalt  }
0x7a: {  	_ =	shalt  }
0x7b: {  	_ =	shalt  }
0x7c: {  	_ =	shalt  }
0x7d: {  	_ =	shalt  }
0x7e: {  	_ =	shalt  }
0x7f: {  	_ =	shalt  }
0x80: {  	_ =	shalt  }
0x81: {  	_ =	shalt  }
0x82: {  	_ =	shalt  }
0x83: {  	_ =	shalt  }
0x84: {  	_ =	shalt  }
0x85: {  	_ =	shalt  }
0x86: {  	_ =	shalt  }
0x87: {  	_ =	shalt  }
.Lfunc_end0:
.L_simem_size_0:
called_computation_lowered:
.L_overlay_start_0:
0x88: {  	s2 =	sld [smem:$0x3FD9]  }
0x89: {  	s3 =	sld [smem:$0x3FFE];
	_ =	sdelay $0x1  }
0x8a: {  	s1 =	srdreg.scid  }
0x8b: {  	s0 =	sand.u32 $0x1, s1  }
0x8c: {  	s17 =	sshll.u32 s0, $0xA;
	s2 =	sadd.s32 s3, s2  }
0x8d: {  	s2 =	sadd.s32 s2, s17  }
0x8e: {  	[smem:$0x3FC4] =	sst s2  }
0x8f: {  	_ = 	snop  }
0x90: {  	s2 =	sld [smem:$0x3FD0];
	(tm) =	ssettm $0x1  }
0x91: {  	s18 =	sld [smem:$0x3FFB];
	_ =	sdelay $0x3  }
0x92: {  	_ =	strace s18  }
0x93: {  	s3 =	sld [smem:$0x3FFC];
	_ =	sdelay $0x3  }
0x94: {  	_ =	strace s3  }
0x95: {  	s3 =	sld [smem:$0x3FFD];
	_ =	sdelay $0x3  }
0x96: {  	_ =	strace s3  }
0x97: {  	_ =	strace $0x8FFFFFFF  }
0x98: {  	s19 =	sld [smem:$0x3FDB];
	_ =	sdelay $0x1  }
0x99: {  	s4 =	simm.s32 $_scs_section_size  }
0x9a: {  	s5 =	simm.s32 $_size__tile_overlayer_lowered;
	s6 =	simm.s32 $_tile_overlayer_lowered  }
0x9b: {  	s22 =	simm.s32 $0x1BFF;
	s21 =	sshll.u32 s6, $0x1;
	s3 =	sadd.s32 s4, s19  }
0x9c: {  	s7 =	simm.s32 $0x0;
	s20 =	sshll.u32 s5, $0x1;
	s5 =	sadd.s32 s21, s3  }
0x9d: {  	[timem:s7], [sflag:s22] =	dma.local [hbm:s5], s20  }
0x9e: {  	_ =	swait.ge [sflag:s22], s20  }
0x9f: {  	s4 =	ssub.s32 $0x0, s20;
	[sflag:s22] =	ssyncset.done $0x0  }
0xa0: {  	[sflag:s22] =	ssyncadd.s32 s4;
	_ =	sdelay $0x1  }
0xa1: {  	s23 =	simm.s32 $0x1B8B  }
0xa2: {  	_ =	swait.ge [sflag:s23], $0x1  }
0xa3: {  	[sflag:s23] =	ssyncset.done $0x0  }
0xa4: {  	s25 =	simm.s32 $0x1B8E;
	s24 =	sld [smem:$0x3FFE];
	[sflag:s23] =	ssyncadd.s32 $0xFFFFFFFF  }
0xa5: {  	s26 =	simm.s32 $execute0_lowered;
	[smem:$0x3FD2] =	sst s25  }
0xa6: {  	s5 =	sshll.u32 s26, $0x1;
	_ =	strace $0x80000046;
	[dreg:$0x1] =	wrdreg $0xFFFFFFFF  }
0xa7: {  	s28 =	simm.s32 $_size_execute0_lowered;
	s3 =	sadd.s32 s3, s5;
	[dreg:$0x0] =	wrdreg $0x0  }
0xa8: {  	s5 =	sshll.u32 s28, $0x1;
	[dreg:$0x2] =	wrdreg s3  }
0xa9: {  	[dreg:$0x3] =	wrdreg s5  }
0xaa: {  	[dreg:$0x4] =	wrdreg $0xC0  }
0xab: {  	_ =	task [dreg:s7], $0x5FFFF  }
0xac: {  	[dreg:$0x1] =	wrdreg $0xFFFFFFFF  }
0xad: {  	[dreg:$0x0] =	wrdreg $0x60  }
0xae: {  	[dreg:$0x2] =	wrdreg s2  }
0xaf: {  	[dreg:$0x3] =	wrdreg s24  }
0xb0: {  	[dreg:$0x4] =	wrdreg $0x0  }
0xb1: {  	[dreg:$0x5] =	wrdreg $0x9  }
0xb2: {  	_ =	task.clear_ibuf [dreg:s7], $0x6FFFF;
	_ =	strace $0x90000046  }
0xb3: {  	s29 =	simm.s32 $0x9;
	_ =	strace $0x80000048  }
0xb4: {  	_ =	swait.ge [sflag:s29], $0x1  }
0xb5: {  	[sflag:s29] =	ssyncadd.s32 $0xFFFFFFFF  }
0xb6: {  	_ =	strace $0x90000048  }
0xb7: {  	_ =	sfence  }
0xb8: {  	s30 =	sld [smem:$0x0];
	_ =	sdelay $0x2  }
0xb9: {  	s31 =	sshll.u32 s1, $0xD;
	s1 =	sshrl.u32 s1, $0x2  }
0xba: {  	s3 =	sand.u32 $0x4000, s31;
	s1 =	sadd.s32 s1, s30  }
0xbb: {  	s0 =	sor.u32 s3, s0;
	s1 =	sshll.u32 s1, $0x11  }
0xbc: {  	s0 =	sor.u32 s1, s0  }
0xbd: {  	s0 =	sadd.s32 $0x8F2B, s0  }
0xbe: {  	[sflag:s0] =	ssyncadd.remote.s32 $0x1  }
0xbf: {  	_ =	sfence.sel $0xFFFF  }
0xc0: {  	[dreg:$0x0] =	wrdreg $0xFFFFFFFF;
	(pc) =	sbr.abs _section_cstart, $3  }
0xc1: {  	[dreg:$0x1] =	wrdreg $0xFFFFFFFF  }
0xc2: {  	_ =	task.clear_ibuf [dreg:s7], $0x2FFFF;
	_ =	strace $0x9FFFFFFF  }
0xc3: {  	(tm) =	ssettm $0x7FFFFFFF  }
tec
execute0_lowered:
.L_overlay_start_1:
0x0: {  	(tag) =	ssettag $0x1  }
0x1: {  	s0 =	rddreg [dreg:$0x0]  }
0x2: {  	s2 =	rddreg [dreg:$0x1]  }
0x3: {  	s1 =	rddreg [dreg:$0x2];
	s11 =	stileid.u32  }
0x4: {  	s3 =	simm.s32 $0x0;
	s4 =	srdreg.scid;
	s8 =	smul.u32 $0x4F000, s11  }
0x5: {  	[smem:$0x7FF] =	sst s3;
	s5 =	sand.u32 $0x1, s4;
	s9 =	smul.u32 $0x13C00, s11  }
0x6: {  	s19 =	sshll.u32 s11, $0x5;
	s23 =	smul.u32 $0x2780, s11;
	_ =	strace $0x80000047  }
0x7: {  	s6 =	sshll.u32 s5, $0x4;
	s7 =	ssub.s32 $0x2, s5;
	s22 =	sshrl.u32 s8, $0x2  }
0x8: {  	s4 =	sor.u32 s6, s19;
	s24 =	sshrl.u32 s9, $0x3;
	s6 =	sadd.s32 s22, s1  }
0x9: {  	s26 =	sadd.s32 s0, s24;
	s0 =	sadd.s32 s0, s23;
	[dreg:$0x6] =	wrdreg s6  }
0xa: {  	s10 =	sadd.s32 s4, s2;
	s4 =	sadd.s32 $0x6400, s2;
	[dreg:$0x7] =	wrdreg s0  }
0xb: {  	s20 =	sshrl.u32 s7, $0x1;
	s25 =	sadd.s32 $0xA00, s10;
	[dreg:$0x4] =	wrdreg s4  }
0xc: {  	s21 =	ssub.s32 s7, s20;
	s7 =	sadd.s32 $0x27800, s26;
	[dreg:$0x5] =	wrdreg s25  }
0xd: {  	s8 =	sadd.s32 $0x4F000, s26;
	[dreg:$0x8] =	wrdreg s7  }
0xe: {  	s9 =	sadd.s32 $0x76800, s26;
	[dreg:$0x9] =	wrdreg s8  }
0xf: {  	s12 =	smax.u32 s21, $0x1;
	[dreg:$0xa] =	wrdreg s9  }
0x10: {  	s29 =	simm.s32 $0x8;
	s13 =	sadd.s32 $0x1400, s10;
	[dreg:$0xb] =	wrdreg s12  }
0x11: {  	s28 =	simm.s32 $0x9;
	s14 =	sadd.s32 $0x1E00, s10;
	[dreg:$0xc] =	wrdreg s13  }
0x12: {  	s30 =	simm.s32 $0xA;
	s17 =	sadd.s32 $0x2800, s10;
	[dreg:$0xd] =	wrdreg s14  }
0x13: {  	s31 =	simm.s32 $0xB;
	s18 =	sadd.s32 $0x3200, s10;
	[dreg:$0xe] =	wrdreg s17  }
0x14: {  	s15 =	sshll.u32 s11, $0xE;
	s19 =	sadd.s32 $0x3C00, s10;
	[dreg:$0xf] =	wrdreg s18  }
0x15: {  	s16 =	sshll.u32 s5, $0xD;
	s20 =	sadd.s32 $0x4600, s10;
	[dreg:$0x11] =	wrdreg s19  }
0x16: {  	s6 =	sor.u32 s16, s15;
	s22 =	sadd.s32 $0x5000, s10;
	[dreg:$0x12] =	wrdreg s20  }
0x17: {  	s23 =	sadd.s32 $0x5A00, s10;
	s21 =	sshrl.u32 s6, $0x3;
	[dreg:$0x13] =	wrdreg s22  }
0x18: {  	[dreg:$0x14] =	wrdreg s23;
	s24 =	sor.u32 $0x240000, s6;
	s25 =	sor.u32 $0x200000, s6  }
0x19: {  	s26 =	sor.u32 $0x1C0000, s6;
	s7 =	sor.u32 $0x180000, s6;
	s8 =	sor.u32 $0x140000, s6  }
0x1a: {  	s9 =	sor.u32 $0x380000, s6;
	s12 =	sor.u32 $0x340000, s6;
	s13 =	sor.u32 $0x300000, s6  }
0x1b: {  	s14 =	sor.u32 $0x2C0000, s6;
	s17 =	sor.u32 $0x280000, s6;
	s18 =	sor.u32 $0x4C0000, s6  }
0x1c: {  	s19 =	sor.u32 $0x480000, s6;
	s22 =	sor.u32 $0x440000, s6;
	s23 =	sor.u32 $0x400000, s6  }
0x1d: {  	[dreg:$0x10] =	wrdreg s6;
	s0 =	sadd.s32 s21, s4;
	s2 =	sshrl.u32 s25, $0x3  }
0x1e: {  	s5 =	sshrl.u32 s26, $0x3;
	[dreg:$0x15] =	wrdreg s0;
	s2 =	sadd.s32 s2, s4  }
0x1f: {  	s0 =	sshrl.u32 s24, $0x3;
	s5 =	sadd.s32 s5, s4;
	[dreg:$0x17] =	wrdreg s2  }
0x20: {  	s24 =	sor.u32 $0x3C0000, s6;
	s0 =	sadd.s32 s0, s4;
	[dreg:$0x18] =	wrdreg s5  }
0x21: {  	s2 =	sshrl.u32 s8, $0x3;
	s5 =	sshrl.u32 s9, $0x3;
	[dreg:$0x16] =	wrdreg s0  }
0x22: {  	s0 =	sshrl.u32 s7, $0x3;
	s10 =	sadd.s32 s2, s4;
	s11 =	sadd.s32 s5, s4  }
0x23: {  	s2 =	sshrl.u32 s13, $0x3;
	s5 =	sshrl.u32 s14, $0x3;
	s13 =	simm.s32 $0x40  }
0x24: {  	s14 =	simm.s32 $0x16000;
	s0 =	sadd.s32 s0, s4;
	[dreg:$0x1a] =	wrdreg s10  }
0x25: {  	[dreg:$0x1b] =	wrdreg s11;
	s15 =	sadd.s32 s2, s4;
	s16 =	sadd.s32 s5, s4  }
0x26: {  	s2 =	sshrl.u32 s18, $0x3;
	s5 =	sshrl.u32 s19, $0x3;
	[dreg:$0x19] =	wrdreg s0  }
0x27: {  	s18 =	simm.s32 $0x1;
	s19 =	simm.s32 $0x1A000;
	[dreg:$0x1d] =	wrdreg s15  }
0x28: {  	s11 =	simm.s32 $0x2;
	s0 =	sshrl.u32 s12, $0x3;
	[dreg:$0x1e] =	wrdreg s16  }
0x29: {  	s20 =	sadd.s32 s2, s4;
	s21 =	sadd.s32 s5, s4;
	s2 =	sshrl.u32 s23, $0x3  }
0x2a: {  	s5 =	sshrl.u32 s24, $0x3;
	s16 =	simm.s32 $0x1E000;
	[smem:$0x7F9] =	sst s20  }
0x2b: {  	s23 =	simm.s32 $0x3;
	s0 =	sadd.s32 s0, s4;
	[smem:$0x7FA] =	sst s21  }
0x2c: {  	s24 =	simm.s32 $0x4;
	s25 =	sadd.s32 s2, s4;
	[dreg:$0x1c] =	wrdreg s0  }
0x2d: {  	s26 =	sadd.s32 s5, s4;
	s0 =	sshrl.u32 s17, $0x3;
	[smem:$0x7FC] =	sst s25  }
0x2e: {  	s21 =	simm.s32 $0x1C000;
	[smem:$0x7FD] =	sst s26;
	s0 =	sadd.s32 s0, s4  }
0x2f: {  	s2 =	simm.s32 $0x0;
	[dreg:$0x1f] =	wrdreg s0;
	s0 =	sshrl.u32 s22, $0x3  }
0x30: {  	s17 =	simm.s32 $0x18000;
	s25 =	simm.s32 $0x6;
	s0 =	sadd.s32 s0, s4  }
0x31: {  	s26 =	simm.s32 $0x7;
	s22 =	simm.s32 $0x5;
	[smem:$0x7FB] =	sst s0  }
.LBB2_1:
0x32: {  	[smem:$0x7F6] =	sst s2  }
0x33: {  	s0 =	rddreg [dreg:$0x5]  }
0x34: {  	s2 =	simm.s32 $0x80;
	s4 =	simm.s32 $0x1000;
	s5 =	simm.s32 $0x13C00  }
0x35: {  	[tilespmem:s5], [sflag:$0xC] =	stream.strided.gather [hbm4b:s0+s2], $0x280, s4, s2, $0x38;
	v63 =	vld [tilespmem:$0x0]  }
0x36: {  	s8 =	rddreg [dreg:$0xc];
	s9 =	simm.s32 $0x14000  }
0x37: {  	[tilespmem:s9], [sflag:$0xC] =	stream.strided.gather [hbm4b:s8+s2], $0x280, s4, s2, $0x38;
	v63 =	vld [tilespmem:$0x0]  }
0x38: {  	s10 =	rddreg [dreg:$0xd];
	s12 =	simm.s32 $0x14400  }
0x39: {  	[tilespmem:s12], [sflag:$0xC] =	stream.strided.gather [hbm4b:s10+s2], $0x280, s4, s2, $0x38;
	v63 =	vld [tilespmem:$0x0]  }
0x3a: {  	s15 =	rddreg [dreg:$0xe];
	s20 =	simm.s32 $0x14800  }
0x3b: {  	[tilespmem:s20], [sflag:$0xC] =	stream.strided.gather [hbm4b:s15+s2], $0x280, s4, s2, $0x38;
	v63 =	vld [tilespmem:$0x0]  }
0x3c: {  	s6 =	rddreg [dreg:$0xf];
	s7 =	simm.s32 $0x14C00  }
0x3d: {  	[tilespmem:s7], [sflag:$0xC] =	stream.strided.gather [hbm4b:s6+s2], $0x280, s4, s2, $0x38;
	v63 =	vld [tilespmem:$0x0]  }
0x3e: {  	s8 =	rddreg [dreg:$0x11];
	s9 =	simm.s32 $0x15000  }
0x3f: {  	[tilespmem:s9], [sflag:$0xC] =	stream.strided.gather [hbm4b:s8+s2], $0x280, s4, s2, $0x38;
	v63 =	vld [tilespmem:$0x0]  }
0x40: {  	s10 =	rddreg [dreg:$0x12];
	s12 =	simm.s32 $0x15400  }
0x41: {  	[tilespmem:s12], [sflag:$0xC] =	stream.strided.gather [hbm4b:s10+s2], $0x280, s4, s2, $0x38;
	v63 =	vld [tilespmem:$0x0]  }
0x42: {  	s15 =	rddreg [dreg:$0x13];
	s20 =	simm.s32 $0x15800  }
0x43: {  	[tilespmem:s20], [sflag:$0xC] =	stream.strided.gather [hbm4b:s15+s2], $0x280, s4, s2, $0x38;
	v63 =	vld [tilespmem:$0x0]  }
0x44: {  	s6 =	rddreg [dreg:$0x14];
	s7 =	simm.s32 $0x15C00;
	s8 =	simm.s32 $0xC  }
0x45: {  	[tilespmem:s7], [sflag:$0xC] =	stream.strided.gather [hbm4b:s6+s2], $0x280, s4, s2, $0x38;
	v63 =	vld [tilespmem:$0x0]  }
0x46: {  	s9 =	stileid.u32;
	_ =	swait.ge [sflag:s8], $0x1680  }
0x47: {  	s10 =	sshll.u32 s9, $0x6;
	s12 =	rddreg [dreg:$0x6]  }
0x48: {  	s2 =	sor.u32 $0x1C01, s10;
	s20 =	rddreg [dreg:$0x7]  }
0x49: {  	[sflag:s8] =	ssyncset.done $0x0;
	[smem:$0x7F7] =	sst s2;
	s15 =	sshrl.u32 s12, $0x3  }
0x4a: {  	[sflag:s8] =	ssyncadd.s32 $0xFFFFE980;
	[smem:$0x7F8] =	sst s15  }
0x4b: {  	[spmem:s15], [sflag:s2] =	dma.local [hbm:s20], $0x2780  }
0x4c: {  	_ =	swait.ge [sflag:s18], $0x2780  }
.Ltmp0:
0x4d: {  	[sflag:s18] =	ssyncset.done $0x0;
	(pc) =	sbr.rel .LBB2_2-.Ltmp0, $4  }
0x4e: {  	[sflag:s18] =	ssyncadd.s32 $0xFFFFD880  }
0x4f: {  	[bflag:$0x0] =	sbarrier.arrive $0xFFFF  }
0x50: {  	s6 =	rddreg [dreg:$0x15]  }
0x51: {  	s9 =	simm.s32 $0x0;
	s8 =	simm.s32 $0x0;
	s7 =	rddreg [dreg:$0x10]  }
.LBB2_4:
0x52: {  	_ =	swait.ge [sflag:s26], $0x2000  }
0x53: {  	s12 =	sshra.s32 s8, $0x2;
	[sflag:s26] =	ssyncset.done $0x0  }
0x54: {  	s10 =	sadd.s32 $0x13C00, s12;
	[sflag:s26] =	ssyncadd.s32 $0xFFFFE000  }
0x55: {  	[tilespmem:s14], [sflag:$0x2] =	stream.indirect.gather [spmem:s1], $0x80, s10, s13, $0xb8;
	v63 =	vld [tilespmem:$0x0]  }
0x56: {  	_ =	swait.ge [sflag:s29], $0x2000  }
0x57: {  	[sflag:s29] =	ssyncset.done $0x0  }
0x58: {  	s15 =	smul.u32 $0x5, s9;
	s18 =	sadd.s32 $0x13C80, s12;
	[sflag:s29] =	ssyncadd.s32 $0xFFFFE000  }
0x59: {  	[tilespmem:s17], [sflag:$0x3] =	stream.indirect.gather [spmem:s1], $0x80, s18, s13, $0xb8;
	v63 =	vld [tilespmem:$0x0]  }
0x5a: {  	s18 =	sadd.s32 $0x1, s15;
	_ =	swait.ge [sflag:s28], $0x2000  }
0x5b: {  	s20 =	sand.u32 $0xFF, s18;
	[sflag:s28] =	ssyncset.done $0x0  }
0x5c: {  	s0 =	sadd.s32 $0x13D00, s12;
	s20 =	smul.u32 $0xCD, s20;
	[sflag:s28] =	ssyncadd.s32 $0xFFFFE000  }
0x5d: {  	[tilespmem:s19], [sflag:$0x4] =	stream.indirect.gather [spmem:s1], $0x80, s0, s13, $0xb8;
	v63 =	vld [tilespmem:$0x0]  }
0x5e: {  	s12 =	sadd.s32 $0x13D80, s12;
	s2 =	sshrl.u32 s20, $0xA;
	s20 =	sadd.s32 $0x2, s15  }
0x5f: {  	_ =	swait.ge [sflag:s30], $0x2000;
	s0 =	smul.u32 $0x5, s2;
	s5 =	sand.u32 $0xFF, s20  }
0x60: {  	s2 =	sadd.s32 $0x3, s15;
	s15 =	sadd.s32 $0x4, s15;
	[sflag:s30] =	ssyncset.done $0x0  }
0x61: {  	s5 =	smul.u32 $0xCD, s5;
	s4 =	sand.u32 $0xFF, s2;
	[sflag:s30] =	ssyncadd.s32 $0xFFFFE000  }
0x62: {  	[tilespmem:s21], [sflag:$0x5] =	stream.indirect.gather [spmem:s1], $0x80, s12, s13, $0xb8;
	v63 =	vld [tilespmem:$0x0]  }
0x63: {  	s12 =	smul.u32 $0xCD, s4;
	s4 =	sand.u32 $0xFF, s15  }
0x64: {  	s0 =	ssub.s32 s18, s0;
	s5 =	sshrl.u32 s5, $0xA;
	s4 =	smul.u32 $0xCD, s4  }
0x65: {  	s0 =	sand.u32 $0xFF, s0;
	s5 =	smul.u32 $0x5, s5;
	s12 =	sshrl.u32 s12, $0xA  }
0x66: {  	_ =	swait.ge [sflag:s31], $0x2000;
	s12 =	smul.u32 $0x5, s12;
	s4 =	sshrl.u32 s4, $0xA  }
0x67: {  	[sflag:s31] =	ssyncset.done $0x0;
	s5 =	ssub.s32 s20, s5;
	s4 =	smul.u32 $0x5, s4  }
0x68: {  	[sflag:s31] =	ssyncadd.s32 $0xFFFFE000;
	s20 =	sshll.u32 s0, $0x12;
	s2 =	ssub.s32 s2, s12  }
0x69: {  	s5 =	sand.u32 $0xFF, s5;
	s4 =	ssub.s32 s15, s4;
	s2 =	sand.u32 $0xFF, s2  }
0x6a: {  	s18 =	sshll.u32 s5, $0x12;
	s12 =	sand.u32 $0xFF, s4;
	s15 =	sshll.u32 s2, $0x12  }
.LBB2_5:
0x6b: {  	s0 =	sshll.u32 s12, $0x7  }
0x6c: {  	s0 =	sadd.s32 s0, s10  }
0x6d: {  	[tilespmem:s16], [sflag:$0x6] =	stream.indirect.gather [spmem:s1], $0x80, s0, s13, $0xb8;
	v63 =	vld [tilespmem:$0x0]  }
0x6e: {  	_ =	swait.ge [sflag:s11], $0x2000  }
0x6f: {  	[sflag:s11] =	ssyncset.done $0x0  }
0x70: {  	[sflag:s11] =	ssyncadd.s32 $0xFFFFE000  }
0x71: {  	[hbm4b:s6+s3] =	stream.linear.scatter [tilespmem:s14], [sflag:$0x7], $0x2000, $0x38;
	v63 =	vld [tilespmem:$0x0]  }
0x72: {  	s5 =	sadd.s32 s20, s7;
	_ =	swait.ge [sflag:s23], $0x2000  }
0x73: {  	s0 =	sshrl.u32 s5, $0x3;
	[sflag:s23] =	ssyncset.done $0x0;
	s2 =	rddreg [dreg:$0x4]  }
0x74: {  	[sflag:s23] =	ssyncadd.s32 $0xFFFFE000;
	s0 =	sadd.s32 s2, s0  }
0x75: {  	[hbm4b:s0+s3] =	stream.linear.scatter [tilespmem:s17], [sflag:$0x8], $0x2000, $0x38;
	v63 =	vld [tilespmem:$0x0]  }
0x76: {  	s10 =	sadd.s32 s18, s7;
	_ =	swait.ge [sflag:s24], $0x2000  }
0x77: {  	s0 =	sshrl.u32 s10, $0x3;
	[sflag:s24] =	ssyncset.done $0x0  }
0x78: {  	s0 =	sadd.s32 s2, s0;
	[sflag:s24] =	ssyncadd.s32 $0xFFFFE000  }
0x79: {  	[hbm4b:s0+s3] =	stream.linear.scatter [tilespmem:s19], [sflag:$0x9], $0x2000, $0x38;
	v63 =	vld [tilespmem:$0x0]  }
0x7a: {  	s18 =	sadd.s32 s15, s7;
	_ =	swait.ge [sflag:s22], $0x2000  }
0x7b: {  	s8 =	sadd.s32 $0x1000, s8;
	s0 =	sshrl.u32 s18, $0x3;
	[sflag:s22] =	ssyncset.done $0x0  }
0x7c: {  	p0 =	sne.s32 s8, $0x9000;
	s0 =	sadd.s32 s2, s0;
	[sflag:s22] =	ssyncadd.s32 $0xFFFFE000  }
0x7d: {  	[hbm4b:s0+s3] =	stream.linear.scatter [tilespmem:s21], [sflag:$0xA], $0x2000, $0x38;
	v63 =	vld [tilespmem:$0x0]  }
.Ltmp1:
0x7e: {  	s20 =	sshll.u32 s12, $0x12;
	(pc) =	sbr.rel @!p0 .LBB2_6-.Ltmp1, $4  }
0x7f: {  	s9 =	sadd.s32 $0x1, s9;
	s0 =	sadd.s32 s20, s7;
	_ =	swait.ge [sflag:s25], $0x2000  }
0x80: {  	s6 =	sadd.s32 $0xA0000, s6;
	s0 =	sshrl.u32 s0, $0x3;
	[sflag:s25] =	ssyncset.done $0x0  }
0x81: {  	s7 =	sadd.s32 $0x500000, s7;
	s0 =	sadd.s32 s2, s0;
	[sflag:s25] =	ssyncadd.s32 $0xFFFFE000  }
0x82: {  	[hbm4b:s0+s3] =	stream.linear.scatter [tilespmem:s16], [sflag:$0xB], $0x2000, $0x38;
	v63 =	vld [tilespmem:$0x0]  }
.LBB2_2:
0x83: {  	p0 =	sne.s32 s8, $0x0  }
.Ltmp2:
0x84: {  	_ = 	snop;
	(pc) =	sbr.rel @p0 .LBB2_4-.Ltmp2, $1  }
0x85: {  	_ =	sdelay $0x3  }
0x86: {  	s10 =	simm.s32 $0x13C00  }
0x87: {  	[tilespmem:s14], [sflag:$0x2] =	stream.indirect.gather [spmem:s1], $0x80, s10, s13, $0xb8;
	v63 =	vld [tilespmem:$0x0]  }
0x88: {  	s0 =	simm.s32 $0x13C80  }
0x89: {  	[tilespmem:s17], [sflag:$0x3] =	stream.indirect.gather [spmem:s1], $0x80, s0, s13, $0xb8;
	v63 =	vld [tilespmem:$0x0]  }
.Ltmp3:
0x8a: {  	s18 =	simm.s32 $0x13D00;
	(pc) =	sbr.rel .LBB2_5-.Ltmp3, $4  }
0x8b: {  	[tilespmem:s19], [sflag:$0x4] =	stream.indirect.gather [spmem:s1], $0x80, s18, s13, $0xb8;
	v63 =	vld [tilespmem:$0x0]  }
0x8c: {  	s20 =	simm.s32 $0x13D80;
	s15 =	simm.s32 $0xC0000  }
0x8d: {  	[tilespmem:s21], [sflag:$0x5] =	stream.indirect.gather [spmem:s1], $0x80, s20, s13, $0xb8;
	v63 =	vld [tilespmem:$0x0]  }
0x8e: {  	s12 =	simm.s32 $0x4;
	s18 =	simm.s32 $0x80000;
	s20 =	simm.s32 $0x40000  }
.LBB2_6:
0x8f: {  	[bflag:$0x0] =	sbarrier.arrive $0xFFFF  }
0x90: {  	s20 =	sld [smem:$0x7F7]  }
0x91: {  	s2 =	sld [smem:$0x7F8];
	_ =	sdelay $0x1  }
0x92: {  	s18 =	simm.s32 $0x1;
	s0 =	rddreg [dreg:$0x8]  }
0x93: {  	[spmem:s2], [sflag:s20] =	dma.local [hbm:s0], $0x2780  }
0x94: {  	_ =	swait.ge [sflag:s18], $0x2780  }
0x95: {  	[sflag:s18] =	ssyncset.done $0x0  }
0x96: {  	[sflag:s18] =	ssyncadd.s32 $0xFFFFD880  }
0x97: {  	[bflag:$0x0] =	sbarrier.arrive $0xFFFF  }
0x98: {  	_ =	swait.ge [sflag:s26], $0x2000  }
0x99: {  	[sflag:s26] =	ssyncset.done $0x0  }
0x9a: {  	s5 =	simm.s32 $0x13C00;
	[sflag:s26] =	ssyncadd.s32 $0xFFFFE000  }
0x9b: {  	[tilespmem:s14], [sflag:$0x2] =	stream.indirect.gather [spmem:s1], $0x80, s5, s13, $0xb8;
	v63 =	vld [tilespmem:$0x0]  }
0x9c: {  	_ =	swait.ge [sflag:s29], $0x2000  }
0x9d: {  	[sflag:s29] =	ssyncset.done $0x0  }
0x9e: {  	s6 =	simm.s32 $0x13C80;
	[sflag:s29] =	ssyncadd.s32 $0xFFFFE000  }
0x9f: {  	[tilespmem:s17], [sflag:$0x3] =	stream.indirect.gather [spmem:s1], $0x80, s6, s13, $0xb8;
	v63 =	vld [tilespmem:$0x0]  }
0xa0: {  	_ =	swait.ge [sflag:s28], $0x2000  }
0xa1: {  	[sflag:s28] =	ssyncset.done $0x0  }
0xa2: {  	s7 =	simm.s32 $0x13D00;
	[sflag:s28] =	ssyncadd.s32 $0xFFFFE000  }
0xa3: {  	[tilespmem:s19], [sflag:$0x4] =	stream.indirect.gather [spmem:s1], $0x80, s7, s13, $0xb8;
	v63 =	vld [tilespmem:$0x0]  }
0xa4: {  	_ =	swait.ge [sflag:s30], $0x2000  }
0xa5: {  	[sflag:s30] =	ssyncset.done $0x0  }
0xa6: {  	s8 =	simm.s32 $0x13D80;
	[sflag:s30] =	ssyncadd.s32 $0xFFFFE000  }
0xa7: {  	[tilespmem:s21], [sflag:$0x5] =	stream.indirect.gather [spmem:s1], $0x80, s8, s13, $0xb8;
	v63 =	vld [tilespmem:$0x0]  }
0xa8: {  	_ =	swait.ge [sflag:s31], $0x2000  }
0xa9: {  	[sflag:s31] =	ssyncset.done $0x0  }
0xaa: {  	s9 =	simm.s32 $0x13E00;
	[sflag:s31] =	ssyncadd.s32 $0xFFFFE000  }
0xab: {  	[tilespmem:s16], [sflag:$0x6] =	stream.indirect.gather [spmem:s1], $0x80, s9, s13, $0xb8;
	v63 =	vld [tilespmem:$0x0]  }
0xac: {  	_ =	swait.ge [sflag:s11], $0x2000  }
0xad: {  	[sflag:s11] =	ssyncset.done $0x0  }
0xae: {  	s5 =	rddreg [dreg:$0x1a];
	[sflag:s11] =	ssyncadd.s32 $0xFFFFE000  }
0xaf: {  	[hbm4b:s5+s3] =	stream.linear.scatter [tilespmem:s14], [sflag:$0x7], $0x2000, $0x38;
	v63 =	vld [tilespmem:$0x0]  }
0xb0: {  	_ =	swait.ge [sflag:s23], $0x2000  }
0xb1: {  	[sflag:s23] =	ssyncset.done $0x0  }
0xb2: {  	s4 =	rddreg [dreg:$0x19];
	[sflag:s23] =	ssyncadd.s32 $0xFFFFE000  }
0xb3: {  	[hbm4b:s4+s3] =	stream.linear.scatter [tilespmem:s17], [sflag:$0x8], $0x2000, $0x38;
	v63 =	vld [tilespmem:$0x0]  }
0xb4: {  	_ =	swait.ge [sflag:s24], $0x2000  }
0xb5: {  	[sflag:s24] =	ssyncset.done $0x0  }
0xb6: {  	s10 =	rddreg [dreg:$0x18];
	[sflag:s24] =	ssyncadd.s32 $0xFFFFE000  }
0xb7: {  	[hbm4b:s10+s3] =	stream.linear.scatter [tilespmem:s19], [sflag:$0x9], $0x2000, $0x38;
	v63 =	vld [tilespmem:$0x0]  }
0xb8: {  	_ =	swait.ge [sflag:s22], $0x2000  }
0xb9: {  	[sflag:s22] =	ssyncset.done $0x0  }
0xba: {  	s6 =	simm.s32 $0x1000;
	s12 =	rddreg [dreg:$0x17];
	[sflag:s22] =	ssyncadd.s32 $0xFFFFE000  }
0xbb: {  	[hbm4b:s12+s3] =	stream.linear.scatter [tilespmem:s21], [sflag:$0xA], $0x2000, $0x38;
	v63 =	vld [tilespmem:$0x0]  }
0xbc: {  	s7 =	sadd.s32 $0xA0000, s5;
	s9 =	sadd.s32 $0xA0000, s4;
	_ =	swait.ge [sflag:s25], $0x2000  }
0xbd: {  	s8 =	sadd.s32 $0xA0000, s10;
	[sflag:s25] =	ssyncset.done $0x0;
	s15 =	rddreg [dreg:$0x16]  }
0xbe: {  	s12 =	sadd.s32 $0xA0000, s12;
	[sflag:s25] =	ssyncadd.s32 $0xFFFFE000;
	s10 =	sadd.s32 $0xA0000, s15  }
.LBB2_7:
0xbf: {  	[hbm4b:s15+s3] =	stream.linear.scatter [tilespmem:s16], [sflag:$0xB], $0x2000, $0x38;
	v63 =	vld [tilespmem:$0x0]  }
0xc0: {  	s0 =	smov.u32 s6;
	s15 =	smov.u32 s10  }
0xc1: {  	p0 =	sne.s32 s6, $0x8000;
	s6 =	sadd.s32 $0x1000, s6;
	_ =	swait.ge [sflag:s26], $0x2000  }
0xc2: {  	s0 =	sshra.s32 s0, $0x2;
	[sflag:s26] =	ssyncset.done $0x0  }
0xc3: {  	s2 =	sadd.s32 $0x13C00, s0;
	[sflag:s26] =	ssyncadd.s32 $0xFFFFE000  }
0xc4: {  	[tilespmem:s14], [sflag:$0x2] =	stream.indirect.gather [spmem:s1], $0x80, s2, s13, $0xb8;
	v63 =	vld [tilespmem:$0x0]  }
0xc5: {  	_ =	swait.ge [sflag:s29], $0x2000  }
0xc6: {  	[sflag:s29] =	ssyncset.done $0x0  }
0xc7: {  	s2 =	sadd.s32 $0x13C80, s0;
	[sflag:s29] =	ssyncadd.s32 $0xFFFFE000  }
0xc8: {  	[tilespmem:s17], [sflag:$0x3] =	stream.indirect.gather [spmem:s1], $0x80, s2, s13, $0xb8;
	v63 =	vld [tilespmem:$0x0]  }
0xc9: {  	_ =	swait.ge [sflag:s28], $0x2000  }
0xca: {  	[sflag:s28] =	ssyncset.done $0x0  }
0xcb: {  	s2 =	sadd.s32 $0x13D00, s0;
	[sflag:s28] =	ssyncadd.s32 $0xFFFFE000  }
0xcc: {  	[tilespmem:s19], [sflag:$0x4] =	stream.indirect.gather [spmem:s1], $0x80, s2, s13, $0xb8;
	v63 =	vld [tilespmem:$0x0]  }
0xcd: {  	_ =	swait.ge [sflag:s30], $0x2000  }
0xce: {  	[sflag:s30] =	ssyncset.done $0x0  }
0xcf: {  	s2 =	sadd.s32 $0x13D80, s0;
	[sflag:s30] =	ssyncadd.s32 $0xFFFFE000  }
0xd0: {  	[tilespmem:s21], [sflag:$0x5] =	stream.indirect.gather [spmem:s1], $0x80, s2, s13, $0xb8;
	v63 =	vld [tilespmem:$0x0]  }
0xd1: {  	_ =	swait.ge [sflag:s31], $0x2000  }
0xd2: {  	[sflag:s31] =	ssyncset.done $0x0  }
0xd3: {  	s0 =	sadd.s32 $0x13E00, s0;
	[sflag:s31] =	ssyncadd.s32 $0xFFFFE000  }
0xd4: {  	[tilespmem:s16], [sflag:$0x6] =	stream.indirect.gather [spmem:s1], $0x80, s0, s13, $0xb8;
	v63 =	vld [tilespmem:$0x0]  }
0xd5: {  	_ =	swait.ge [sflag:s11], $0x2000  }
0xd6: {  	[sflag:s11] =	ssyncset.done $0x0  }
0xd7: {  	[sflag:s11] =	ssyncadd.s32 $0xFFFFE000  }
0xd8: {  	[hbm4b:s7+s3] =	stream.linear.scatter [tilespmem:s14], [sflag:$0x7], $0x2000, $0x38;
	v63 =	vld [tilespmem:$0x0]  }
0xd9: {  	_ =	swait.ge [sflag:s23], $0x2000  }
0xda: {  	[sflag:s23] =	ssyncset.done $0x0  }
0xdb: {  	[sflag:s23] =	ssyncadd.s32 $0xFFFFE000  }
0xdc: {  	[hbm4b:s9+s3] =	stream.linear.scatter [tilespmem:s17], [sflag:$0x8], $0x2000, $0x38;
	v63 =	vld [tilespmem:$0x0]  }
0xdd: {  	_ =	swait.ge [sflag:s24], $0x2000  }
0xde: {  	[sflag:s24] =	ssyncset.done $0x0  }
0xdf: {  	[sflag:s24] =	ssyncadd.s32 $0xFFFFE000  }
0xe0: {  	[hbm4b:s8+s3] =	stream.linear.scatter [tilespmem:s19], [sflag:$0x9], $0x2000, $0x38;
	v63 =	vld [tilespmem:$0x0]  }
0xe1: {  	_ =	swait.ge [sflag:s22], $0x2000  }
0xe2: {  	[sflag:s22] =	ssyncset.done $0x0  }
.Ltmp4:
0xe3: {  	[sflag:s22] =	ssyncadd.s32 $0xFFFFE000;
	(pc) =	sbr.rel @p0 .LBB2_7-.Ltmp4, $4  }
0xe4: {  	[hbm4b:s12+s3] =	stream.linear.scatter [tilespmem:s21], [sflag:$0xA], $0x2000, $0x38;
	v63 =	vld [tilespmem:$0x0]  }
0xe5: {  	s7 =	sadd.s32 $0xA0000, s7;
	_ =	swait.ge [sflag:s25], $0x2000  }
0xe6: {  	s9 =	sadd.s32 $0xA0000, s9;
	s8 =	sadd.s32 $0xA0000, s8;
	[sflag:s25] =	ssyncset.done $0x0  }
0xe7: {  	s10 =	sadd.s32 $0xA0000, s10;
	s12 =	sadd.s32 $0xA0000, s12;
	[sflag:s25] =	ssyncadd.s32 $0xFFFFE000  }
0xe8: {  	[hbm4b:s15+s3] =	stream.linear.scatter [tilespmem:s16], [sflag:$0xB], $0x2000, $0x38;
	v63 =	vld [tilespmem:$0x0]  }
0xe9: {  	[bflag:$0x0] =	sbarrier.arrive $0xFFFF  }
0xea: {  	s2 =	sld [smem:$0x7F8];
	_ =	sdelay $0x1  }
0xeb: {  	s0 =	rddreg [dreg:$0x9]  }
0xec: {  	[spmem:s2], [sflag:s20] =	dma.local [hbm:s0], $0x2780  }
0xed: {  	_ =	swait.ge [sflag:s18], $0x2780  }
0xee: {  	[sflag:s18] =	ssyncset.done $0x0  }
0xef: {  	[sflag:s18] =	ssyncadd.s32 $0xFFFFD880  }
0xf0: {  	[bflag:$0x0] =	sbarrier.arrive $0xFFFF  }
0xf1: {  	_ =	swait.ge [sflag:s26], $0x2000  }
0xf2: {  	[sflag:s26] =	ssyncset.done $0x0  }
0xf3: {  	s5 =	simm.s32 $0x13C00;
	[sflag:s26] =	ssyncadd.s32 $0xFFFFE000  }
0xf4: {  	[tilespmem:s14], [sflag:$0x2] =	stream.indirect.gather [spmem:s1], $0x80, s5, s13, $0xb8;
	v63 =	vld [tilespmem:$0x0]  }
0xf5: {  	_ =	swait.ge [sflag:s29], $0x2000  }
0xf6: {  	[sflag:s29] =	ssyncset.done $0x0  }
0xf7: {  	s6 =	simm.s32 $0x13C80;
	[sflag:s29] =	ssyncadd.s32 $0xFFFFE000  }
0xf8: {  	[tilespmem:s17], [sflag:$0x3] =	stream.indirect.gather [spmem:s1], $0x80, s6, s13, $0xb8;
	v63 =	vld [tilespmem:$0x0]  }
0xf9: {  	_ =	swait.ge [sflag:s28], $0x2000  }
0xfa: {  	[sflag:s28] =	ssyncset.done $0x0  }
0xfb: {  	s7 =	simm.s32 $0x13D00;
	[sflag:s28] =	ssyncadd.s32 $0xFFFFE000  }
0xfc: {  	[tilespmem:s19], [sflag:$0x4] =	stream.indirect.gather [spmem:s1], $0x80, s7, s13, $0xb8;
	v63 =	vld [tilespmem:$0x0]  }
0xfd: {  	_ =	swait.ge [sflag:s30], $0x2000  }
0xfe: {  	[sflag:s30] =	ssyncset.done $0x0  }
0xff: {  	s8 =	simm.s32 $0x13D80;
	[sflag:s30] =	ssyncadd.s32 $0xFFFFE000  }
0x100: {  	[tilespmem:s21], [sflag:$0x5] =	stream.indirect.gather [spmem:s1], $0x80, s8, s13, $0xb8;
	v63 =	vld [tilespmem:$0x0]  }
0x101: {  	_ =	swait.ge [sflag:s31], $0x2000  }
0x102: {  	[sflag:s31] =	ssyncset.done $0x0  }
0x103: {  	s9 =	simm.s32 $0x13E00;
	[sflag:s31] =	ssyncadd.s32 $0xFFFFE000  }
0x104: {  	[tilespmem:s16], [sflag:$0x6] =	stream.indirect.gather [spmem:s1], $0x80, s9, s13, $0xb8;
	v63 =	vld [tilespmem:$0x0]  }
0x105: {  	_ =	swait.ge [sflag:s11], $0x2000  }
0x106: {  	[sflag:s11] =	ssyncset.done $0x0  }
0x107: {  	s5 =	rddreg [dreg:$0x1f];
	[sflag:s11] =	ssyncadd.s32 $0xFFFFE000  }
0x108: {  	[hbm4b:s5+s3] =	stream.linear.scatter [tilespmem:s14], [sflag:$0x7], $0x2000, $0x38;
	v63 =	vld [tilespmem:$0x0]  }
0x109: {  	_ =	swait.ge [sflag:s23], $0x2000  }
0x10a: {  	[sflag:s23] =	ssyncset.done $0x0  }
0x10b: {  	s4 =	rddreg [dreg:$0x1e];
	[sflag:s23] =	ssyncadd.s32 $0xFFFFE000  }
0x10c: {  	[hbm4b:s4+s3] =	stream.linear.scatter [tilespmem:s17], [sflag:$0x8], $0x2000, $0x38;
	v63 =	vld [tilespmem:$0x0]  }
0x10d: {  	_ =	swait.ge [sflag:s24], $0x2000  }
0x10e: {  	[sflag:s24] =	ssyncset.done $0x0  }
0x10f: {  	s10 =	rddreg [dreg:$0x1d];
	[sflag:s24] =	ssyncadd.s32 $0xFFFFE000  }
0x110: {  	[hbm4b:s10+s3] =	stream.linear.scatter [tilespmem:s19], [sflag:$0x9], $0x2000, $0x38;
	v63 =	vld [tilespmem:$0x0]  }
0x111: {  	_ =	swait.ge [sflag:s22], $0x2000  }
0x112: {  	[sflag:s22] =	ssyncset.done $0x0  }
0x113: {  	s6 =	simm.s32 $0x1000;
	s12 =	rddreg [dreg:$0x1c];
	[sflag:s22] =	ssyncadd.s32 $0xFFFFE000  }
0x114: {  	[hbm4b:s12+s3] =	stream.linear.scatter [tilespmem:s21], [sflag:$0xA], $0x2000, $0x38;
	v63 =	vld [tilespmem:$0x0]  }
0x115: {  	s7 =	sadd.s32 $0xA0000, s5;
	s9 =	sadd.s32 $0xA0000, s4;
	_ =	swait.ge [sflag:s25], $0x2000  }
0x116: {  	s8 =	sadd.s32 $0xA0000, s10;
	[sflag:s25] =	ssyncset.done $0x0;
	s15 =	rddreg [dreg:$0x1b]  }
0x117: {  	s12 =	sadd.s32 $0xA0000, s12;
	[sflag:s25] =	ssyncadd.s32 $0xFFFFE000;
	s10 =	sadd.s32 $0xA0000, s15  }
.LBB2_9:
0x118: {  	[hbm4b:s15+s3] =	stream.linear.scatter [tilespmem:s16], [sflag:$0xB], $0x2000, $0x38;
	v63 =	vld [tilespmem:$0x0]  }
0x119: {  	s0 =	smov.u32 s6;
	s15 =	smov.u32 s10  }
0x11a: {  	p0 =	sne.s32 s6, $0x8000;
	s6 =	sadd.s32 $0x1000, s6;
	_ =	swait.ge [sflag:s26], $0x2000  }
0x11b: {  	s0 =	sshra.s32 s0, $0x2;
	[sflag:s26] =	ssyncset.done $0x0  }
0x11c: {  	s2 =	sadd.s32 $0x13C00, s0;
	[sflag:s26] =	ssyncadd.s32 $0xFFFFE000  }
0x11d: {  	[tilespmem:s14], [sflag:$0x2] =	stream.indirect.gather [spmem:s1], $0x80, s2, s13, $0xb8;
	v63 =	vld [tilespmem:$0x0]  }
0x11e: {  	_ =	swait.ge [sflag:s29], $0x2000  }
0x11f: {  	[sflag:s29] =	ssyncset.done $0x0  }
0x120: {  	s2 =	sadd.s32 $0x13C80, s0;
	[sflag:s29] =	ssyncadd.s32 $0xFFFFE000  }
0x121: {  	[tilespmem:s17], [sflag:$0x3] =	stream.indirect.gather [spmem:s1], $0x80, s2, s13, $0xb8;
	v63 =	vld [tilespmem:$0x0]  }
0x122: {  	_ =	swait.ge [sflag:s28], $0x2000  }
0x123: {  	[sflag:s28] =	ssyncset.done $0x0  }
0x124: {  	s2 =	sadd.s32 $0x13D00, s0;
	[sflag:s28] =	ssyncadd.s32 $0xFFFFE000  }
0x125: {  	[tilespmem:s19], [sflag:$0x4] =	stream.indirect.gather [spmem:s1], $0x80, s2, s13, $0xb8;
	v63 =	vld [tilespmem:$0x0]  }
0x126: {  	_ =	swait.ge [sflag:s30], $0x2000  }
0x127: {  	[sflag:s30] =	ssyncset.done $0x0  }
0x128: {  	s2 =	sadd.s32 $0x13D80, s0;
	[sflag:s30] =	ssyncadd.s32 $0xFFFFE000  }
0x129: {  	[tilespmem:s21], [sflag:$0x5] =	stream.indirect.gather [spmem:s1], $0x80, s2, s13, $0xb8;
	v63 =	vld [tilespmem:$0x0]  }
0x12a: {  	_ =	swait.ge [sflag:s31], $0x2000  }
0x12b: {  	[sflag:s31] =	ssyncset.done $0x0  }
0x12c: {  	s0 =	sadd.s32 $0x13E00, s0;
	[sflag:s31] =	ssyncadd.s32 $0xFFFFE000  }
0x12d: {  	[tilespmem:s16], [sflag:$0x6] =	stream.indirect.gather [spmem:s1], $0x80, s0, s13, $0xb8;
	v63 =	vld [tilespmem:$0x0]  }
0x12e: {  	_ =	swait.ge [sflag:s11], $0x2000  }
0x12f: {  	[sflag:s11] =	ssyncset.done $0x0  }
0x130: {  	[sflag:s11] =	ssyncadd.s32 $0xFFFFE000  }
0x131: {  	[hbm4b:s7+s3] =	stream.linear.scatter [tilespmem:s14], [sflag:$0x7], $0x2000, $0x38;
	v63 =	vld [tilespmem:$0x0]  }
0x132: {  	_ =	swait.ge [sflag:s23], $0x2000  }
0x133: {  	[sflag:s23] =	ssyncset.done $0x0  }
0x134: {  	[sflag:s23] =	ssyncadd.s32 $0xFFFFE000  }
0x135: {  	[hbm4b:s9+s3] =	stream.linear.scatter [tilespmem:s17], [sflag:$0x8], $0x2000, $0x38;
	v63 =	vld [tilespmem:$0x0]  }
0x136: {  	_ =	swait.ge [sflag:s24], $0x2000  }
0x137: {  	[sflag:s24] =	ssyncset.done $0x0  }
0x138: {  	[sflag:s24] =	ssyncadd.s32 $0xFFFFE000  }
0x139: {  	[hbm4b:s8+s3] =	stream.linear.scatter [tilespmem:s19], [sflag:$0x9], $0x2000, $0x38;
	v63 =	vld [tilespmem:$0x0]  }
0x13a: {  	_ =	swait.ge [sflag:s22], $0x2000  }
0x13b: {  	[sflag:s22] =	ssyncset.done $0x0  }
.Ltmp5:
0x13c: {  	[sflag:s22] =	ssyncadd.s32 $0xFFFFE000;
	(pc) =	sbr.rel @p0 .LBB2_9-.Ltmp5, $4  }
0x13d: {  	[hbm4b:s12+s3] =	stream.linear.scatter [tilespmem:s21], [sflag:$0xA], $0x2000, $0x38;
	v63 =	vld [tilespmem:$0x0]  }
0x13e: {  	s7 =	sadd.s32 $0xA0000, s7;
	_ =	swait.ge [sflag:s25], $0x2000  }
0x13f: {  	s9 =	sadd.s32 $0xA0000, s9;
	s8 =	sadd.s32 $0xA0000, s8;
	[sflag:s25] =	ssyncset.done $0x0  }
0x140: {  	s10 =	sadd.s32 $0xA0000, s10;
	s12 =	sadd.s32 $0xA0000, s12;
	[sflag:s25] =	ssyncadd.s32 $0xFFFFE000  }
0x141: {  	[hbm4b:s15+s3] =	stream.linear.scatter [tilespmem:s16], [sflag:$0xB], $0x2000, $0x38;
	v63 =	vld [tilespmem:$0x0]  }
0x142: {  	[bflag:$0x0] =	sbarrier.arrive $0xFFFF  }
0x143: {  	s2 =	sld [smem:$0x7F8];
	_ =	sdelay $0x1  }
0x144: {  	s0 =	rddreg [dreg:$0xa]  }
0x145: {  	[spmem:s2], [sflag:s20] =	dma.local [hbm:s0], $0x2780  }
0x146: {  	_ =	swait.ge [sflag:s18], $0x2780  }
0x147: {  	[sflag:s18] =	ssyncset.done $0x0  }
0x148: {  	[sflag:s18] =	ssyncadd.s32 $0xFFFFD880  }
0x149: {  	[bflag:$0x0] =	sbarrier.arrive $0xFFFF  }
0x14a: {  	_ =	swait.ge [sflag:s26], $0x2000  }
0x14b: {  	[sflag:s26] =	ssyncset.done $0x0  }
0x14c: {  	s8 =	simm.s32 $0x13C00;
	[sflag:s26] =	ssyncadd.s32 $0xFFFFE000  }
0x14d: {  	[tilespmem:s14], [sflag:$0x2] =	stream.indirect.gather [spmem:s1], $0x80, s8, s13, $0xb8;
	v63 =	vld [tilespmem:$0x0]  }
0x14e: {  	_ =	swait.ge [sflag:s29], $0x2000  }
0x14f: {  	[sflag:s29] =	ssyncset.done $0x0  }
0x150: {  	s9 =	simm.s32 $0x13C80;
	[sflag:s29] =	ssyncadd.s32 $0xFFFFE000  }
0x151: {  	[tilespmem:s17], [sflag:$0x3] =	stream.indirect.gather [spmem:s1], $0x80, s9, s13, $0xb8;
	v63 =	vld [tilespmem:$0x0]  }
0x152: {  	_ =	swait.ge [sflag:s28], $0x2000  }
0x153: {  	[sflag:s28] =	ssyncset.done $0x0  }
0x154: {  	s10 =	simm.s32 $0x13D00;
	[sflag:s28] =	ssyncadd.s32 $0xFFFFE000  }
0x155: {  	[tilespmem:s19], [sflag:$0x4] =	stream.indirect.gather [spmem:s1], $0x80, s10, s13, $0xb8;
	v63 =	vld [tilespmem:$0x0]  }
0x156: {  	_ =	swait.ge [sflag:s30], $0x2000  }
0x157: {  	[sflag:s30] =	ssyncset.done $0x0  }
0x158: {  	s12 =	simm.s32 $0x13D80;
	[sflag:s30] =	ssyncadd.s32 $0xFFFFE000  }
0x159: {  	[tilespmem:s21], [sflag:$0x5] =	stream.indirect.gather [spmem:s1], $0x80, s12, s13, $0xb8;
	v63 =	vld [tilespmem:$0x0]  }
0x15a: {  	_ =	swait.ge [sflag:s31], $0x2000  }
0x15b: {  	[sflag:s31] =	ssyncset.done $0x0  }
0x15c: {  	s15 =	simm.s32 $0x13E00;
	[sflag:s31] =	ssyncadd.s32 $0xFFFFE000  }
0x15d: {  	[tilespmem:s16], [sflag:$0x6] =	stream.indirect.gather [spmem:s1], $0x80, s15, s13, $0xb8;
	v63 =	vld [tilespmem:$0x0]  }
0x15e: {  	_ =	swait.ge [sflag:s11], $0x2000  }
0x15f: {  	s5 =	sld [smem:$0x7FD]  }
0x160: {  	[sflag:s11] =	ssyncset.done $0x0  }
0x161: {  	[sflag:s11] =	ssyncadd.s32 $0xFFFFE000  }
0x162: {  	[hbm4b:s5+s3] =	stream.linear.scatter [tilespmem:s14], [sflag:$0x7], $0x2000, $0x38;
	v63 =	vld [tilespmem:$0x0]  }
0x163: {  	_ =	swait.ge [sflag:s23], $0x2000  }
0x164: {  	s7 =	sld [smem:$0x7FC]  }
0x165: {  	[sflag:s23] =	ssyncset.done $0x0  }
0x166: {  	[sflag:s23] =	ssyncadd.s32 $0xFFFFE000  }
0x167: {  	[hbm4b:s7+s3] =	stream.linear.scatter [tilespmem:s17], [sflag:$0x8], $0x2000, $0x38;
	v63 =	vld [tilespmem:$0x0]  }
0x168: {  	_ =	swait.ge [sflag:s24], $0x2000  }
0x169: {  	s4 =	sld [smem:$0x7FB]  }
0x16a: {  	[sflag:s24] =	ssyncset.done $0x0  }
0x16b: {  	[sflag:s24] =	ssyncadd.s32 $0xFFFFE000  }
0x16c: {  	[hbm4b:s4+s3] =	stream.linear.scatter [tilespmem:s19], [sflag:$0x9], $0x2000, $0x38;
	v63 =	vld [tilespmem:$0x0]  }
0x16d: {  	_ =	swait.ge [sflag:s22], $0x2000  }
0x16e: {  	s20 =	sld [smem:$0x7FA]  }
0x16f: {  	[sflag:s22] =	ssyncset.done $0x0  }
0x170: {  	[sflag:s22] =	ssyncadd.s32 $0xFFFFE000  }
0x171: {  	[hbm4b:s20+s3] =	stream.linear.scatter [tilespmem:s21], [sflag:$0xA], $0x2000, $0x38;
	v63 =	vld [tilespmem:$0x0]  }
0x172: {  	_ =	swait.ge [sflag:s25], $0x2000  }
0x173: {  	s10 =	sld [smem:$0x7F9]  }
0x174: {  	s2 =	simm.s32 $0x1000;
	s5 =	sadd.s32 $0xA0000, s5  }
0x175: {  	s7 =	sadd.s32 $0xA0000, s7;
	s6 =	sadd.s32 $0xA0000, s4;
	[sflag:s25] =	ssyncset.done $0x0  }
0x176: {  	s9 =	sadd.s32 $0xA0000, s20;
	[sflag:s25] =	ssyncadd.s32 $0xFFFFE000;
	s8 =	sadd.s32 $0xA0000, s10  }
.LBB2_11:
0x177: {  	[hbm4b:s10+s3] =	stream.linear.scatter [tilespmem:s16], [sflag:$0xB], $0x2000, $0x38;
	v63 =	vld [tilespmem:$0x0]  }
0x178: {  	s0 =	smov.u32 s2;
	s10 =	smov.u32 s8  }
0x179: {  	p0 =	sne.s32 s2, $0x8000;
	s2 =	sadd.s32 $0x1000, s2;
	_ =	swait.ge [sflag:s26], $0x2000  }
0x17a: {  	s0 =	sshra.s32 s0, $0x2;
	[sflag:s26] =	ssyncset.done $0x0  }
0x17b: {  	s4 =	sadd.s32 $0x13C00, s0;
	[sflag:s26] =	ssyncadd.s32 $0xFFFFE000  }
0x17c: {  	[tilespmem:s14], [sflag:$0x2] =	stream.indirect.gather [spmem:s1], $0x80, s4, s13, $0xb8;
	v63 =	vld [tilespmem:$0x0]  }
0x17d: {  	_ =	swait.ge [sflag:s29], $0x2000  }
0x17e: {  	[sflag:s29] =	ssyncset.done $0x0  }
0x17f: {  	s4 =	sadd.s32 $0x13C80, s0;
	[sflag:s29] =	ssyncadd.s32 $0xFFFFE000  }
0x180: {  	[tilespmem:s17], [sflag:$0x3] =	stream.indirect.gather [spmem:s1], $0x80, s4, s13, $0xb8;
	v63 =	vld [tilespmem:$0x0]  }
0x181: {  	_ =	swait.ge [sflag:s28], $0x2000  }
0x182: {  	[sflag:s28] =	ssyncset.done $0x0  }
0x183: {  	s4 =	sadd.s32 $0x13D00, s0;
	[sflag:s28] =	ssyncadd.s32 $0xFFFFE000  }
0x184: {  	[tilespmem:s19], [sflag:$0x4] =	stream.indirect.gather [spmem:s1], $0x80, s4, s13, $0xb8;
	v63 =	vld [tilespmem:$0x0]  }
0x185: {  	_ =	swait.ge [sflag:s30], $0x2000  }
0x186: {  	[sflag:s30] =	ssyncset.done $0x0  }
0x187: {  	s4 =	sadd.s32 $0x13D80, s0;
	[sflag:s30] =	ssyncadd.s32 $0xFFFFE000  }
0x188: {  	[tilespmem:s21], [sflag:$0x5] =	stream.indirect.gather [spmem:s1], $0x80, s4, s13, $0xb8;
	v63 =	vld [tilespmem:$0x0]  }
0x189: {  	_ =	swait.ge [sflag:s31], $0x2000  }
0x18a: {  	[sflag:s31] =	ssyncset.done $0x0  }
0x18b: {  	s0 =	sadd.s32 $0x13E00, s0;
	[sflag:s31] =	ssyncadd.s32 $0xFFFFE000  }
0x18c: {  	[tilespmem:s16], [sflag:$0x6] =	stream.indirect.gather [spmem:s1], $0x80, s0, s13, $0xb8;
	v63 =	vld [tilespmem:$0x0]  }
0x18d: {  	_ =	swait.ge [sflag:s11], $0x2000  }
0x18e: {  	[sflag:s11] =	ssyncset.done $0x0  }
0x18f: {  	[sflag:s11] =	ssyncadd.s32 $0xFFFFE000  }
0x190: {  	[hbm4b:s5+s3] =	stream.linear.scatter [tilespmem:s14], [sflag:$0x7], $0x2000, $0x38;
	v63 =	vld [tilespmem:$0x0]  }
0x191: {  	_ =	swait.ge [sflag:s23], $0x2000  }
0x192: {  	[sflag:s23] =	ssyncset.done $0x0  }
0x193: {  	[sflag:s23] =	ssyncadd.s32 $0xFFFFE000  }
0x194: {  	[hbm4b:s7+s3] =	stream.linear.scatter [tilespmem:s17], [sflag:$0x8], $0x2000, $0x38;
	v63 =	vld [tilespmem:$0x0]  }
0x195: {  	_ =	swait.ge [sflag:s24], $0x2000  }
0x196: {  	[sflag:s24] =	ssyncset.done $0x0  }
0x197: {  	[sflag:s24] =	ssyncadd.s32 $0xFFFFE000  }
0x198: {  	[hbm4b:s6+s3] =	stream.linear.scatter [tilespmem:s19], [sflag:$0x9], $0x2000, $0x38;
	v63 =	vld [tilespmem:$0x0]  }
0x199: {  	_ =	swait.ge [sflag:s22], $0x2000  }
0x19a: {  	[sflag:s22] =	ssyncset.done $0x0  }
.Ltmp6:
0x19b: {  	[sflag:s22] =	ssyncadd.s32 $0xFFFFE000;
	(pc) =	sbr.rel @p0 .LBB2_11-.Ltmp6, $4  }
0x19c: {  	[hbm4b:s9+s3] =	stream.linear.scatter [tilespmem:s21], [sflag:$0xA], $0x2000, $0x38;
	v63 =	vld [tilespmem:$0x0]  }
0x19d: {  	s5 =	sadd.s32 $0xA0000, s5;
	_ =	swait.ge [sflag:s25], $0x2000  }
0x19e: {  	s7 =	sadd.s32 $0xA0000, s7;
	s6 =	sadd.s32 $0xA0000, s6;
	[sflag:s25] =	ssyncset.done $0x0  }
0x19f: {  	s8 =	sadd.s32 $0xA0000, s8;
	s9 =	sadd.s32 $0xA0000, s9;
	[sflag:s25] =	ssyncadd.s32 $0xFFFFE000  }
0x1a0: {  	[hbm4b:s10+s3] =	stream.linear.scatter [tilespmem:s16], [sflag:$0xB], $0x2000, $0x38;
	v63 =	vld [tilespmem:$0x0]  }
0x1a1: {  	[bflag:$0x0] =	sbarrier.arrive $0xFFFF  }
0x1a2: {  	_ =	swait.ge [sflag:s26], $0x2000  }
0x1a3: {  	[sflag:s26] =	ssyncset.done $0x0  }
0x1a4: {  	[sflag:s26] =	ssyncadd.s32 $0xFFFFE000  }
0x1a5: {  	_ =	swait.ge [sflag:s29], $0x2000  }
0x1a6: {  	[sflag:s29] =	ssyncset.done $0x0  }
0x1a7: {  	[sflag:s29] =	ssyncadd.s32 $0xFFFFE000  }
0x1a8: {  	_ =	swait.ge [sflag:s28], $0x2000  }
0x1a9: {  	[sflag:s28] =	ssyncset.done $0x0  }
0x1aa: {  	[sflag:s28] =	ssyncadd.s32 $0xFFFFE000  }
0x1ab: {  	_ =	swait.ge [sflag:s30], $0x2000  }
0x1ac: {  	[sflag:s30] =	ssyncset.done $0x0  }
0x1ad: {  	[sflag:s30] =	ssyncadd.s32 $0xFFFFE000  }
0x1ae: {  	_ =	swait.ge [sflag:s31], $0x2000  }
0x1af: {  	s2 =	sld [smem:$0x7F6];
	_ =	sdelay $0x2  }
0x1b0: {  	s0 =	rddreg [dreg:$0xb];
	s2 =	sadd.s32 $0x1, s2  }
0x1b1: {  	p0 =	sne.s32 s2, s0  }
.Ltmp7:
0x1b2: {  	_ = 	snop;
	(pc) =	sbr.rel @p0 .LBB2_1-.Ltmp7, $3  }
0x1b3: {  	_ =	sdelay $0x1  }
0x1b4: {  	[sflag:s31] =	ssyncset.done $0x0  }
0x1b5: {  	[sflag:s31] =	ssyncadd.s32 $0xFFFFE000  }
0x1b6: {  	_ =	sfence.sel $0x180000  }
0x1b7: {  	[bflag:$0x0] =	sbarrier.arrive $0xFFFF  }
0x1b8: {  	_ =	strace $0x90000047  }
0x1b9: {  	s0 =	stileid.u32;
	[bflag:$0x2] =	sbarrier.arrive $0xFFFF  }
0x1ba: {  	p0 =	sne.s32 s0, $0x0;
	s0 =	rddreg [dreg:$0x3]  }
0x1bb: {  	s0 =	sadd.s32 @!p0 $0x100000, s0  }
0x1bc: {  	[sflag:s0] =	ssyncadd.tile.s32 @!p0 $0x1;
	_ =	shalt  }
.Lfunc_end2:
_tile_overlayer_lowered:
.L_overlay_start_2:
0x1bd: {  	(tag) =	ssettag $0x2  }
0x1be: {  	s0 =	rddreg [dreg:$0x0];
	s2 =	stileid.u32  }
0x1bf: {  	s1 =	rddreg [dreg:$0x1];
	p0 =	sne.s32 s2, $0x0  }
0x1c0: {  	s3 =	rddreg [dreg:$0x2];
	[bflag:$0x3] =	sbarrier.arrive $0xFFFF;
	s2 =	simm.s32 @!p0 $0x1C0C  }
0x1c1: {  	[timem:s3], [sflag:s2] =	dma.local @!p0 [hbm:s0], s1  }
0x1c2: {  	s0 =	simm.s32 @!p0 $0xC  }
0x1c3: {  	_ =	swait.ge @!p0 [sflag:s0], s1  }
0x1c4: {  	s1 =	ssub.s32 @!p0 $0x0, s1;
	[sflag:s0] =	ssyncset.done @!p0 $0x0  }
0x1c5: {  	[sflag:s0] =	ssyncadd.s32 @!p0 s1  }
0x1c6: {  	[bflag:$0x3] =	sbarrier.arrive $0xFFFF  }
0x1c7: {  	_ =	shalt  }

</sc_bundles>
